<compile_context>
chip_gen: v7x
topology: tpu7x:2x2x1
jax: 0.10.2.dev20260603
libtpu: 0.0.44.dev20260713+nightly
codegen_flags: <defaults>
</compile_context>

<pallas_src>
import functools

import jax
import jax.numpy as jnp
from jax import lax
from jax.experimental import pallas as pl
from jax.experimental.pallas import tpu as pltpu
from jax.experimental.pallas import tpu_sc as plsc

_NC, _NS = 2, 16
_NW = _NC * _NS
_BATCH, _MAXLEN, _DIM = 64, 1024, 768
_TPW = _MAXLEN // _NW
_CPB = 2
_CH = _TPW // _CPB
_NCHUNK = _BATCH * _CPB
_NBUF = 8


def _sc_body(x_hbm, pos_hbm, o_hbm, posbuf, *scr):
    bufs = scr[:_NBUF]
    lds = scr[_NBUF:2 * _NBUF]
    sts = scr[2 * _NBUF:3 * _NBUF]

    c = lax.axis_index("c")
    s = lax.axis_index("s")
    wid = s * _NC + c
    wrow = wid * _TPW

    pltpu.sync_copy(pos_hbm.at[pl.ds(wrow, _TPW)], posbuf)

    def xrow(k):
        return (k // _CPB) * _MAXLEN + wrow + (k % _CPB) * _CH

    def add_pos(buf, k):
        hoff = (k % _CPB) * _CH

        @pl.loop(0, _CH)
        def _(r):
            @plsc.parallel_loop(0, _DIM, step=16, unroll=16)
            def _(i):
                buf[r, pl.ds(i, 16)] = (
                    buf[r, pl.ds(i, 16)] + posbuf[hoff + r, pl.ds(i, 16)])

    for j in range(_NBUF):
        pltpu.make_async_copy(x_hbm.at[pl.ds(xrow(j), _CH)], bufs[j], lds[j]).start()

    def refill(jj, g):
        kk = g + jj

        @pl.when(kk + _NBUF < _NCHUNK)
        def _():
            pltpu.make_async_copy(bufs[jj], o_hbm.at[pl.ds(xrow(kk), _CH)], sts[jj]).wait()
            pltpu.make_async_copy(
                x_hbm.at[pl.ds(xrow(kk + _NBUF), _CH)], bufs[jj], lds[jj]).start()

    @pl.loop(0, _NCHUNK, step=_NBUF)
    def _(g):
        for j in range(_NBUF):
            k = g + j
            pltpu.make_async_copy(x_hbm.at[pl.ds(xrow(k), _CH)], bufs[j], lds[j]).wait()
            add_pos(bufs[j], k)
            pltpu.make_async_copy(bufs[j], o_hbm.at[pl.ds(xrow(k), _CH)], sts[j]).start()
            if j >= 2:
                refill(j - 2, g)
        refill(_NBUF - 2, g)
        refill(_NBUF - 1, g)

    for j in range(_NBUF):
        k = _NCHUNK - _NBUF + j
        pltpu.make_async_copy(bufs[j], o_hbm.at[pl.ds(xrow(k), _CH)], sts[j]).wait()


def kernel(x, pos_table):
    batch, max_len, dim = x.shape
    x2 = x.reshape(batch * max_len, dim)
    pos = pos_table[:max_len]

    k = functools.partial(
        pl.kernel,
        out_type=jax.ShapeDtypeStruct((batch * max_len, dim), x.dtype),
        mesh=plsc.VectorSubcoreMesh(core_axis_name="c", subcore_axis_name="s"),
        scratch_types=(
            [pltpu.VMEM((_TPW, _DIM), jnp.float32)]
            + [pltpu.VMEM((_CH, _DIM), jnp.float32)] * _NBUF
            + [pltpu.SemaphoreType.DMA] * (2 * _NBUF)
        ),
    )(_sc_body)
    out = k(x2, pos)
    return out.reshape(batch, max_len, dim)

# --- scband reference (transcript-rebuilt; emitter-appended) ---
"""Pipeline reference for scband-positional-embedding-61890478735680 (READ-ONLY COPY).

The authoritative reference and input builder live on the scoring server;
editing this copy changes nothing except your own understanding.
"""

import jax, jax.numpy as jnp
import numpy as np


def setup_inputs(seed: int = 0) -> dict:
    key = jax.random.key(seed)
    k1, k2 = jax.random.split(key)
    x = jax.random.normal(k1, (64, 1024, 768), dtype=jnp.float32)
    # nn.Embedding(patch_size**2, embedding_dim) weight, default init ~ N(0,1)
    pos_table = jax.random.normal(k2, (32 * 32, 768), dtype=jnp.float32)
    return {"x": x, "pos_table": pos_table}


def reference(x, pos_table):
    batch_size, max_len, _ = x.shape
    positions = jnp.broadcast_to(jnp.arange(max_len), (batch_size, max_len))
    pos = jnp.take(pos_table, positions, axis=0)
    return x + pos

if __name__ == "__main__":
    import jax
    _d = setup_inputs()
    print(jax.jit(kernel)(*tuple(_d.values())))

</pallas_src>

<mosaic_0001>
#map = affine_map<(d0, d1) -> (0, 0)>
module attributes {stable_mosaic.version = 14 : i64} {
  func.func @_sc_body(%arg0: i32, %arg1: i32, %arg2: memref<65536x768xf32, #tpu.memory_space<hbm>>, %arg3: memref<1024x768xf32, #tpu.memory_space<hbm>>, %arg4: memref<65536x768xf32, #tpu.memory_space<hbm>>, %arg5: memref<32x768xf32, #tpu.memory_space<vmem>>, %arg6: memref<16x768xf32, #tpu.memory_space<vmem>>, %arg7: memref<16x768xf32, #tpu.memory_space<vmem>>, %arg8: memref<16x768xf32, #tpu.memory_space<vmem>>, %arg9: memref<16x768xf32, #tpu.memory_space<vmem>>, %arg10: memref<16x768xf32, #tpu.memory_space<vmem>>, %arg11: memref<16x768xf32, #tpu.memory_space<vmem>>, %arg12: memref<16x768xf32, #tpu.memory_space<vmem>>, %arg13: memref<16x768xf32, #tpu.memory_space<vmem>>, %arg14: memref<!tpu.dma_semaphore, #tpu.memory_space<semaphore_mem>>, %arg15: memref<!tpu.dma_semaphore, #tpu.memory_space<semaphore_mem>>, %arg16: memref<!tpu.dma_semaphore, #tpu.memory_space<semaphore_mem>>, %arg17: memref<!tpu.dma_semaphore, #tpu.memory_space<semaphore_mem>>, %arg18: memref<!tpu.dma_semaphore, #tpu.memory_space<semaphore_mem>>, %arg19: memref<!tpu.dma_semaphore, #tpu.memory_space<semaphore_mem>>, %arg20: memref<!tpu.dma_semaphore, #tpu.memory_space<semaphore_mem>>, %arg21: memref<!tpu.dma_semaphore, #tpu.memory_space<semaphore_mem>>, %arg22: memref<!tpu.dma_semaphore, #tpu.memory_space<semaphore_mem>>, %arg23: memref<!tpu.dma_semaphore, #tpu.memory_space<semaphore_mem>>, %arg24: memref<!tpu.dma_semaphore, #tpu.memory_space<semaphore_mem>>, %arg25: memref<!tpu.dma_semaphore, #tpu.memory_space<semaphore_mem>>, %arg26: memref<!tpu.dma_semaphore, #tpu.memory_space<semaphore_mem>>, %arg27: memref<!tpu.dma_semaphore, #tpu.memory_space<semaphore_mem>>, %arg28: memref<!tpu.dma_semaphore, #tpu.memory_space<semaphore_mem>>, %arg29: memref<!tpu.dma_semaphore, #tpu.memory_space<semaphore_mem>>) attributes {dimension_semantics = [#tpu.dimension_semantics<core_parallel>, #tpu.dimension_semantics<subcore_parallel>], iteration_bounds = array<i64: 2, 16>, scalar_prefetch = 0 : i64, scratch_operands = 25 : i64, tpu.core_type = #tpu.core_type<sc_vector_subcore>, window_params = [{transform_indices = #map}, {transform_indices = #map}, {transform_indices = #map}]} {
    %mul3A = arith.constant 2 : i32
    %mul3A_0 = arith.muli %arg1, %mul3A : i32
    %add3A = arith.addi %mul3A_0, %arg0 : i32
    %mul3A_1 = arith.constant 32 : i32
    %mul3A_2 = arith.muli %add3A, %mul3A_1 : i32
    "tpu.region"() ({
      %run_scoped3A = tpu.sem_alloc : memref<!tpu.dma_semaphore, #tpu.memory_space<semaphore_mem>>
      %dma_start3A_133 = arith.constant 0 : i32
      %dma_start3A_134 = tpu.memref_slice %arg3[%mul3A_2, %dma_start3A_133] : memref<1024x768xf32, #tpu.memory_space<hbm>> -> memref<32x768xf32, #tpu.memory_space<hbm>>
      %dma_start3A_135 = arith.constant 0 : i32
      %dma_start3A_136 = tpu.memref_slice %arg3[%mul3A_2, %dma_start3A_135] : memref<1024x768xf32, #tpu.memory_space<hbm>> -> memref<32x768xf32, #tpu.memory_space<hbm>>
      tpu.enqueue_dma source(%dma_start3A_136 : memref<32x768xf32, #tpu.memory_space<hbm>>) target(%arg5 : memref<32x768xf32, #tpu.memory_space<vmem>>) target_semaphore(%run_scoped3A : memref<!tpu.dma_semaphore, #tpu.memory_space<semaphore_mem>>)
      %dma_wait3A_137 = arith.constant 0 : i32
      %dma_wait3A_138 = tpu.memref_slice %arg3[%mul3A_2, %dma_wait3A_137] : memref<1024x768xf32, #tpu.memory_space<hbm>> -> memref<32x768xf32, #tpu.memory_space<hbm>>
      %dma_wait3A_139 = arith.constant 0 : i32
      %dma_wait3A_140 = tpu.memref_slice %arg3[%mul3A_2, %dma_wait3A_139] : memref<1024x768xf32, #tpu.memory_space<hbm>> -> memref<32x768xf32, #tpu.memory_space<hbm>>
      tpu.wait_dma2 semaphore(%run_scoped3A : memref<!tpu.dma_semaphore, #tpu.memory_space<semaphore_mem>>) src(%dma_wait3A_140 : memref<32x768xf32, #tpu.memory_space<hbm>>) dst(%arg5 : memref<32x768xf32, #tpu.memory_space<vmem>>)
      tpu.yield
    }) : () -> ()
    %add3A_3 = arith.constant 0 : i32
    %add3A_4 = arith.addi %add3A_3, %mul3A_2 : i32
    %add3A_5 = arith.constant 0 : i32
    %add3A_6 = arith.addi %add3A_4, %add3A_5 : i32
    %dma_start3A = arith.constant 0 : i32
    %dma_start3A_7 = tpu.memref_slice %arg2[%add3A_6, %dma_start3A] : memref<65536x768xf32, #tpu.memory_space<hbm>> -> memref<16x768xf32, #tpu.memory_space<hbm>>
    %dma_start3A_8 = arith.constant 0 : i32
    %dma_start3A_9 = tpu.memref_slice %arg2[%add3A_6, %dma_start3A_8] : memref<65536x768xf32, #tpu.memory_space<hbm>> -> memref<16x768xf32, #tpu.memory_space<hbm>>
    tpu.enqueue_dma source(%dma_start3A_9 : memref<16x768xf32, #tpu.memory_space<hbm>>) target(%arg6 : memref<16x768xf32, #tpu.memory_space<vmem>>) target_semaphore(%arg14 : memref<!tpu.dma_semaphore, #tpu.memory_space<semaphore_mem>>)
    %add3A_10 = arith.constant 0 : i32
    %add3A_11 = arith.addi %add3A_10, %mul3A_2 : i32
    %add3A_12 = arith.constant 16 : i32
    %add3A_13 = arith.addi %add3A_11, %add3A_12 : i32
    %dma_start3A_14 = arith.constant 0 : i32
    %dma_start3A_15 = tpu.memref_slice %arg2[%add3A_13, %dma_start3A_14] : memref<65536x768xf32, #tpu.memory_space<hbm>> -> memref<16x768xf32, #tpu.memory_space<hbm>>
    %dma_start3A_16 = arith.constant 0 : i32
    %dma_start3A_17 = tpu.memref_slice %arg2[%add3A_13, %dma_start3A_16] : memref<65536x768xf32, #tpu.memory_space<hbm>> -> memref<16x768xf32, #tpu.memory_space<hbm>>
    tpu.enqueue_dma source(%dma_start3A_17 : memref<16x768xf32, #tpu.memory_space<hbm>>) target(%arg7 : memref<16x768xf32, #tpu.memory_space<vmem>>) target_semaphore(%arg15 : memref<!tpu.dma_semaphore, #tpu.memory_space<semaphore_mem>>)
    %add3A_18 = arith.constant 1024 : i32
    %add3A_19 = arith.addi %add3A_18, %mul3A_2 : i32
    %add3A_20 = arith.constant 0 : i32
    %add3A_21 = arith.addi %add3A_19, %add3A_20 : i32
    %dma_start3A_22 = arith.constant 0 : i32
    %dma_start3A_23 = tpu.memref_slice %arg2[%add3A_21, %dma_start3A_22] : memref<65536x768xf32, #tpu.memory_space<hbm>> -> memref<16x768xf32, #tpu.memory_space<hbm>>
    %dma_start3A_24 = arith.constant 0 : i32
    %dma_start3A_25 = tpu.memref_slice %arg2[%add3A_21, %dma_start3A_24] : memref<65536x768xf32, #tpu.memory_space<hbm>> -> memref<16x768xf32, #tpu.memory_space<hbm>>
    tpu.enqueue_dma source(%dma_start3A_25 : memref<16x768xf32, #tpu.memory_space<hbm>>) target(%arg8 : memref<16x768xf32, #tpu.memory_space<vmem>>) target_semaphore(%arg16 : memref<!tpu.dma_semaphore, #tpu.memory_space<semaphore_mem>>)
    %add3A_26 = arith.constant 1024 : i32
    %add3A_27 = arith.addi %add3A_26, %mul3A_2 : i32
    %add3A_28 = arith.constant 16 : i32
    %add3A_29 = arith.addi %add3A_27, %add3A_28 : i32
    %dma_start3A_30 = arith.constant 0 : i32
    %dma_start3A_31 = tpu.memref_slice %arg2[%add3A_29, %dma_start3A_30] : memref<65536x768xf32, #tpu.memory_space<hbm>> -> memref<16x768xf32, #tpu.memory_space<hbm>>
    %dma_start3A_32 = arith.constant 0 : i32
    %dma_start3A_33 = tpu.memref_slice %arg2[%add3A_29, %dma_start3A_32] : memref<65536x768xf32, #tpu.memory_space<hbm>> -> memref<16x768xf32, #tpu.memory_space<hbm>>
    tpu.enqueue_dma source(%dma_start3A_33 : memref<16x768xf32, #tpu.memory_space<hbm>>) target(%arg9 : memref<16x768xf32, #tpu.memory_space<vmem>>) target_semaphore(%arg17 : memref<!tpu.dma_semaphore, #tpu.memory_space<semaphore_mem>>)
    %add3A_34 = arith.constant 2048 : i32
    %add3A_35 = arith.addi %add3A_34, %mul3A_2 : i32
    %add3A_36 = arith.constant 0 : i32
    %add3A_37 = arith.addi %add3A_35, %add3A_36 : i32
    %dma_start3A_38 = arith.constant 0 : i32
    %dma_start3A_39 = tpu.memref_slice %arg2[%add3A_37, %dma_start3A_38] : memref<65536x768xf32, #tpu.memory_space<hbm>> -> memref<16x768xf32, #tpu.memory_space<hbm>>
    %dma_start3A_40 = arith.constant 0 : i32
    %dma_start3A_41 = tpu.memref_slice %arg2[%add3A_37, %dma_start3A_40] : memref<65536x768xf32, #tpu.memory_space<hbm>> -> memref<16x768xf32, #tpu.memory_space<hbm>>
    tpu.enqueue_dma source(%dma_start3A_41 : memref<16x768xf32, #tpu.memory_space<hbm>>) target(%arg10 : memref<16x768xf32, #tpu.memory_space<vmem>>) target_semaphore(%arg18 : memref<!tpu.dma_semaphore, #tpu.memory_space<semaphore_mem>>)
    %add3A_42 = arith.constant 2048 : i32
    %add3A_43 = arith.addi %add3A_42, %mul3A_2 : i32
    %add3A_44 = arith.constant 16 : i32
    %add3A_45 = arith.addi %add3A_43, %add3A_44 : i32
    %dma_start3A_46 = arith.constant 0 : i32
    %dma_start3A_47 = tpu.memref_slice %arg2[%add3A_45, %dma_start3A_46] : memref<65536x768xf32, #tpu.memory_space<hbm>> -> memref<16x768xf32, #tpu.memory_space<hbm>>
    %dma_start3A_48 = arith.constant 0 : i32
    %dma_start3A_49 = tpu.memref_slice %arg2[%add3A_45, %dma_start3A_48] : memref<65536x768xf32, #tpu.memory_space<hbm>> -> memref<16x768xf32, #tpu.memory_space<hbm>>
    tpu.enqueue_dma source(%dma_start3A_49 : memref<16x768xf32, #tpu.memory_space<hbm>>) target(%arg11 : memref<16x768xf32, #tpu.memory_space<vmem>>) target_semaphore(%arg19 : memref<!tpu.dma_semaphore, #tpu.memory_space<semaphore_mem>>)
    %add3A_50 = arith.constant 3072 : i32
    %add3A_51 = arith.addi %add3A_50, %mul3A_2 : i32
    %add3A_52 = arith.constant 0 : i32
    %add3A_53 = arith.addi %add3A_51, %add3A_52 : i32
    %dma_start3A_54 = arith.constant 0 : i32
    %dma_start3A_55 = tpu.memref_slice %arg2[%add3A_53, %dma_start3A_54] : memref<65536x768xf32, #tpu.memory_space<hbm>> -> memref<16x768xf32, #tpu.memory_space<hbm>>
    %dma_start3A_56 = arith.constant 0 : i32
    %dma_start3A_57 = tpu.memref_slice %arg2[%add3A_53, %dma_start3A_56] : memref<65536x768xf32, #tpu.memory_space<hbm>> -> memref<16x768xf32, #tpu.memory_space<hbm>>
    tpu.enqueue_dma source(%dma_start3A_57 : memref<16x768xf32, #tpu.memory_space<hbm>>) target(%arg12 : memref<16x768xf32, #tpu.memory_space<vmem>>) target_semaphore(%arg20 : memref<!tpu.dma_semaphore, #tpu.memory_space<semaphore_mem>>)
    %add3A_58 = arith.constant 3072 : i32
    %add3A_59 = arith.addi %add3A_58, %mul3A_2 : i32
    %add3A_60 = arith.constant 16 : i32
    %add3A_61 = arith.addi %add3A_59, %add3A_60 : i32
    %dma_start3A_62 = arith.constant 0 : i32
    %dma_start3A_63 = tpu.memref_slice %arg2[%add3A_61, %dma_start3A_62] : memref<65536x768xf32, #tpu.memory_space<hbm>> -> memref<16x768xf32, #tpu.memory_space<hbm>>
    %dma_start3A_64 = arith.constant 0 : i32
    %dma_start3A_65 = tpu.memref_slice %arg2[%add3A_61, %dma_start3A_64] : memref<65536x768xf32, #tpu.memory_space<hbm>> -> memref<16x768xf32, #tpu.memory_space<hbm>>
    tpu.enqueue_dma source(%dma_start3A_65 : memref<16x768xf32, #tpu.memory_space<hbm>>) target(%arg13 : memref<16x768xf32, #tpu.memory_space<vmem>>) target_semaphore(%arg21 : memref<!tpu.dma_semaphore, #tpu.memory_space<semaphore_mem>>)
    %scan3A = arith.constant 0 : i32
    %scan3A_66 = arith.constant 16 : i32
    %scan3A_67 = arith.addi %scan3A, %scan3A_66 : i32
    %scan3A_68 = arith.constant 1 : i32
    scf.for %scan3A_133 = %scan3A to %scan3A_67 step %scan3A_68  : i32 {
      %mul3A_134 = arith.constant 8 : i32
      %mul3A_135 = arith.muli %scan3A_133, %mul3A_134 : i32
      %add3A_136 = arith.constant 0 : i32
      %add3A_137 = arith.addi %add3A_136, %mul3A_135 : i32
      %add3A_138 = arith.constant 0 : i32
      %add3A_139 = arith.addi %add3A_137, %add3A_138 : i32
      %jit3A = arith.constant 2 : i32
      %div3A = arith.divsi %add3A_139, %jit3A : i32
      %sign3A = arith.constant 0 : i32
      %sign3A_140 = arith.cmpi sgt, %add3A_139, %sign3A : i32
      %sign3A_141 = arith.extui %sign3A_140 : i1 to i32
      %sign3A_142 = arith.constant 0 : i32
      %sign3A_143 = arith.cmpi slt, %add3A_139, %sign3A_142 : i32
      %sign3A_144 = arith.extui %sign3A_143 : i1 to i32
      %sign3A_145 = arith.subi %sign3A_141, %sign3A_144 : i32
      %sign3A_146 = arith.constant 0 : i32
      %sign3A_147 = arith.cmpi sgt, %jit3A, %sign3A_146 : i32
      %sign3A_148 = arith.extui %sign3A_147 : i1 to i32
      %sign3A_149 = arith.constant 0 : i32
      %sign3A_150 = arith.cmpi slt, %jit3A, %sign3A_149 : i32
      %sign3A_151 = arith.extui %sign3A_150 : i1 to i32
      %sign3A_152 = arith.subi %sign3A_148, %sign3A_151 : i32
      %ne3A = arith.cmpi ne, %sign3A_145, %sign3A_152 : i32
      %rem3A = arith.remsi %add3A_139, %jit3A : i32
      %ne3A_153 = arith.constant 0 : i32
      %ne3A_154 = arith.cmpi ne, %rem3A, %ne3A_153 : i32
      %and3A = arith.andi %ne3A, %ne3A_154 : i1
      %sub3A = arith.constant 1 : i32
      %sub3A_155 = arith.subi %div3A, %sub3A : i32
      %select_n3A = arith.select %and3A, %sub3A_155, %div3A : i32
      %mul3A_156 = arith.constant 1024 : i32
      %mul3A_157 = arith.muli %select_n3A, %mul3A_156 : i32
      %add3A_158 = arith.addi %mul3A_157, %mul3A_2 : i32
      %jit3A_159 = arith.constant 2 : i32
      %eq3A = arith.constant 0 : i32
      %eq3A_160 = arith.cmpi eq, %jit3A_159, %eq3A : i32
      %jit3A_161 = arith.constant 1 : i32
      %select_n3A_162 = arith.select %eq3A_160, %jit3A_161, %jit3A_159 : i32
      %rem3A_163 = arith.remsi %add3A_139, %select_n3A_162 : i32
      %ne3A_164 = arith.constant 0 : i32
      %ne3A_165 = arith.cmpi ne, %rem3A_163, %ne3A_164 : i32
      %lt3A = arith.constant 0 : i32
      %lt3A_166 = arith.cmpi slt, %rem3A_163, %lt3A : i32
      %lt3A_167 = arith.constant 0 : i32
      %lt3A_168 = arith.cmpi slt, %select_n3A_162, %lt3A_167 : i32
      %ne3A_169 = arith.xori %lt3A_166, %lt3A_168 : i1
      %and3A_170 = arith.andi %ne3A_169, %ne3A_165 : i1
      %add3A_171 = arith.addi %rem3A_163, %select_n3A_162 : i32
      %select_n3A_172 = arith.select %and3A_170, %add3A_171, %rem3A_163 : i32
      %mul3A_173 = arith.constant 16 : i32
      %mul3A_174 = arith.muli %select_n3A_172, %mul3A_173 : i32
      %add3A_175 = arith.addi %add3A_158, %mul3A_174 : i32
      %dma_wait3A_176 = arith.constant 0 : i32
      %dma_wait3A_177 = tpu.memref_slice %arg2[%add3A_175, %dma_wait3A_176] : memref<65536x768xf32, #tpu.memory_space<hbm>> -> memref<16x768xf32, #tpu.memory_space<hbm>>
      %dma_wait3A_178 = arith.constant 0 : i32
      %dma_wait3A_179 = tpu.memref_slice %arg2[%add3A_175, %dma_wait3A_178] : memref<65536x768xf32, #tpu.memory_space<hbm>> -> memref<16x768xf32, #tpu.memory_space<hbm>>
      tpu.wait_dma2 semaphore(%arg14 : memref<!tpu.dma_semaphore, #tpu.memory_space<semaphore_mem>>) src(%dma_wait3A_179 : memref<16x768xf32, #tpu.memory_space<hbm>>) dst(%arg6 : memref<16x768xf32, #tpu.memory_space<vmem>>)
      %jit3A_180 = arith.constant 2 : i32
      %eq3A_181 = arith.constant 0 : i32
      %eq3A_182 = arith.cmpi eq, %jit3A_180, %eq3A_181 : i32
      %jit3A_183 = arith.constant 1 : i32
      %select_n3A_184 = arith.select %eq3A_182, %jit3A_183, %jit3A_180 : i32
      %rem3A_185 = arith.remsi %add3A_139, %select_n3A_184 : i32
      %ne3A_186 = arith.constant 0 : i32
      %ne3A_187 = arith.cmpi ne, %rem3A_185, %ne3A_186 : i32
      %lt3A_188 = arith.constant 0 : i32
      %lt3A_189 = arith.cmpi slt, %rem3A_185, %lt3A_188 : i32
      %lt3A_190 = arith.constant 0 : i32
      %lt3A_191 = arith.cmpi slt, %select_n3A_184, %lt3A_190 : i32
      %ne3A_192 = arith.xori %lt3A_189, %lt3A_191 : i1
      %and3A_193 = arith.andi %ne3A_192, %ne3A_187 : i1
      %add3A_194 = arith.addi %rem3A_185, %select_n3A_184 : i32
      %select_n3A_195 = arith.select %and3A_193, %add3A_194, %rem3A_185 : i32
      %mul3A_196 = arith.constant 16 : i32
      %mul3A_197 = arith.muli %select_n3A_195, %mul3A_196 : i32
      %scan3A_198 = arith.constant 0 : i32
      %scan3A_199 = arith.constant 16 : i32
      %scan3A_200 = arith.addi %scan3A_198, %scan3A_199 : i32
      %scan3A_201 = arith.constant 1 : i32
      scf.for %scan3A_1198 = %scan3A_198 to %scan3A_200 step %scan3A_201  : i32 {
        %mul3A_1199 = arith.constant 1 : i32
        %mul3A_1200 = arith.muli %scan3A_1198, %mul3A_1199 : i32
        %add3A_1201 = arith.constant 0 : i32
        %add3A_1202 = arith.addi %add3A_1201, %mul3A_1200 : i32
        %parallel_loop3A = arith.constant 0 : i32
        %parallel_loop3A_1203 = arith.constant 768 : i32
        %parallel_loop3A_1204 = arith.constant 16 : i32
        scf.for %parallel_loop3A_1205 = %parallel_loop3A to %parallel_loop3A_1203 step %parallel_loop3A_1204  : i32 {
          %parallel_loop3A_1206 = arith.index_cast %add3A_1202 : i32 to index
          %parallel_loop3A_1207 = arith.index_cast %parallel_loop3A_1205 : i32 to index
          %parallel_loop3A_1208 = tpu.vector_load %arg6[%parallel_loop3A_1206, %parallel_loop3A_1207] {strides = array<i32>} : memref<16x768xf32, #tpu.memory_space<vmem>>, vector<1x16xf32>,
          %parallel_loop3A_1209 = vector.shape_cast %parallel_loop3A_1208 : vector<1x16xf32> to vector<16xf32>
          %parallel_loop3A_1210 = arith.addi %mul3A_197, %add3A_1202 : i32
          %parallel_loop3A_1211 = arith.index_cast %parallel_loop3A_1210 : i32 to index
          %parallel_loop3A_1212 = arith.index_cast %parallel_loop3A_1205 : i32 to index
          %parallel_loop3A_1213 = tpu.vector_load %arg5[%parallel_loop3A_1211, %parallel_loop3A_1212] {strides = array<i32>} : memref<32x768xf32, #tpu.memory_space<vmem>>, vector<1x16xf32>,
          %parallel_loop3A_1214 = vector.shape_cast %parallel_loop3A_1213 : vector<1x16xf32> to vector<16xf32>
          %parallel_loop3A_1215 = arith.addf %parallel_loop3A_1209, %parallel_loop3A_1214 : vector<16xf32>
          %parallel_loop3A_1216 = arith.index_cast %add3A_1202 : i32 to index
          %parallel_loop3A_1217 = arith.index_cast %parallel_loop3A_1205 : i32 to index
          %parallel_loop3A_1218 = tpu.vector_load %arg6[%parallel_loop3A_1216, %parallel_loop3A_1217] {strides = array<i32>} : memref<16x768xf32, #tpu.memory_space<vmem>>, vector<1x16xf32>,
          %parallel_loop3A_1219 = vector.shape_cast %parallel_loop3A_1218 : vector<1x16xf32> to vector<16xf32>
          %parallel_loop3A_1220 = vector.shape_cast %parallel_loop3A_1215 : vector<16xf32> to vector<1x16xf32>
          tpu.vector_store %arg6[%parallel_loop3A_1216, %parallel_loop3A_1217], %parallel_loop3A_1220 {strides = array<i32>} : memref<16x768xf32, #tpu.memory_space<vmem>>, vector<1x16xf32>,
        } {sc.loop_unroll_factor = 16 : i64, sc.parallel_access}
      }
      %scan3A_202 = arith.constant 16 : i32
      %jit3A_203 = arith.constant 2 : i32
      %div3A_204 = arith.divsi %add3A_139, %jit3A_203 : i32
      %sign3A_205 = arith.constant 0 : i32
      %sign3A_206 = arith.cmpi sgt, %add3A_139, %sign3A_205 : i32
      %sign3A_207 = arith.extui %sign3A_206 : i1 to i32
      %sign3A_208 = arith.constant 0 : i32
      %sign3A_209 = arith.cmpi slt, %add3A_139, %sign3A_208 : i32
      %sign3A_210 = arith.extui %sign3A_209 : i1 to i32
      %sign3A_211 = arith.subi %sign3A_207, %sign3A_210 : i32
      %sign3A_212 = arith.constant 0 : i32
      %sign3A_213 = arith.cmpi sgt, %jit3A_203, %sign3A_212 : i32
      %sign3A_214 = arith.extui %sign3A_213 : i1 to i32
      %sign3A_215 = arith.constant 0 : i32
      %sign3A_216 = arith.cmpi slt, %jit3A_203, %sign3A_215 : i32
      %sign3A_217 = arith.extui %sign3A_216 : i1 to i32
      %sign3A_218 = arith.subi %sign3A_214, %sign3A_217 : i32
      %ne3A_219 = arith.cmpi ne, %sign3A_211, %sign3A_218 : i32
      %rem3A_220 = arith.remsi %add3A_139, %jit3A_203 : i32
      %ne3A_221 = arith.constant 0 : i32
      %ne3A_222 = arith.cmpi ne, %rem3A_220, %ne3A_221 : i32
      %and3A_223 = arith.andi %ne3A_219, %ne3A_222 : i1
      %sub3A_224 = arith.constant 1 : i32
      %sub3A_225 = arith.subi %div3A_204, %sub3A_224 : i32
      %select_n3A_226 = arith.select %and3A_223, %sub3A_225, %div3A_204 : i32
      %mul3A_227 = arith.constant 1024 : i32
      %mul3A_228 = arith.muli %select_n3A_226, %mul3A_227 : i32
      %add3A_229 = arith.addi %mul3A_228, %mul3A_2 : i32
      %jit3A_230 = arith.constant 2 : i32
      %eq3A_231 = arith.constant 0 : i32
      %eq3A_232 = arith.cmpi eq, %jit3A_230, %eq3A_231 : i32
      %jit3A_233 = arith.constant 1 : i32
      %select_n3A_234 = arith.select %eq3A_232, %jit3A_233, %jit3A_230 : i32
      %rem3A_235 = arith.remsi %add3A_139, %select_n3A_234 : i32
      %ne3A_236 = arith.constant 0 : i32
      %ne3A_237 = arith.cmpi ne, %rem3A_235, %ne3A_236 : i32
      %lt3A_238 = arith.constant 0 : i32
      %lt3A_239 = arith.cmpi slt, %rem3A_235, %lt3A_238 : i32
      %lt3A_240 = arith.constant 0 : i32
      %lt3A_241 = arith.cmpi slt, %select_n3A_234, %lt3A_240 : i32
      %ne3A_242 = arith.xori %lt3A_239, %lt3A_241 : i1
      %and3A_243 = arith.andi %ne3A_242, %ne3A_237 : i1
      %add3A_244 = arith.addi %rem3A_235, %select_n3A_234 : i32
      %select_n3A_245 = arith.select %and3A_243, %add3A_244, %rem3A_235 : i32
      %mul3A_246 = arith.constant 16 : i32
      %mul3A_247 = arith.muli %select_n3A_245, %mul3A_246 : i32
      %add3A_248 = arith.addi %add3A_229, %mul3A_247 : i32
      %dma_start3A_249 = arith.constant 0 : i32
      %dma_start3A_250 = tpu.memref_slice %arg4[%add3A_248, %dma_start3A_249] : memref<65536x768xf32, #tpu.memory_space<hbm>> -> memref<16x768xf32, #tpu.memory_space<hbm>>
      %dma_start3A_251 = arith.constant 0 : i32
      %dma_start3A_252 = tpu.memref_slice %arg4[%add3A_248, %dma_start3A_251] : memref<65536x768xf32, #tpu.memory_space<hbm>> -> memref<16x768xf32, #tpu.memory_space<hbm>>
      tpu.enqueue_dma source(%arg6 : memref<16x768xf32, #tpu.memory_space<vmem>>) target(%dma_start3A_252 : memref<16x768xf32, #tpu.memory_space<hbm>>) target_semaphore(%arg22 : memref<!tpu.dma_semaphore, #tpu.memory_space<semaphore_mem>>)
      %add3A_253 = arith.constant 1 : i32
      %add3A_254 = arith.addi %add3A_137, %add3A_253 : i32
      %jit3A_255 = arith.constant 2 : i32
      %div3A_256 = arith.divsi %add3A_254, %jit3A_255 : i32
      %sign3A_257 = arith.constant 0 : i32
      %sign3A_258 = arith.cmpi sgt, %add3A_254, %sign3A_257 : i32
      %sign3A_259 = arith.extui %sign3A_258 : i1 to i32
      %sign3A_260 = arith.constant 0 : i32
      %sign3A_261 = arith.cmpi slt, %add3A_254, %sign3A_260 : i32
      %sign3A_262 = arith.extui %sign3A_261 : i1 to i32
      %sign3A_263 = arith.subi %sign3A_259, %sign3A_262 : i32
      %sign3A_264 = arith.constant 0 : i32
      %sign3A_265 = arith.cmpi sgt, %jit3A_255, %sign3A_264 : i32
      %sign3A_266 = arith.extui %sign3A_265 : i1 to i32
      %sign3A_267 = arith.constant 0 : i32
      %sign3A_268 = arith.cmpi slt, %jit3A_255, %sign3A_267 : i32
      %sign3A_269 = arith.extui %sign3A_268 : i1 to i32
      %sign3A_270 = arith.subi %sign3A_266, %sign3A_269 : i32
      %ne3A_271 = arith.cmpi ne, %sign3A_263, %sign3A_270 : i32
      %rem3A_272 = arith.remsi %add3A_254, %jit3A_255 : i32
      %ne3A_273 = arith.constant 0 : i32
      %ne3A_274 = arith.cmpi ne, %rem3A_272, %ne3A_273 : i32
      %and3A_275 = arith.andi %ne3A_271, %ne3A_274 : i1
      %sub3A_276 = arith.constant 1 : i32
      %sub3A_277 = arith.subi %div3A_256, %sub3A_276 : i32
      %select_n3A_278 = arith.select %and3A_275, %sub3A_277, %div3A_256 : i32
      %mul3A_279 = arith.constant 1024 : i32
      %mul3A_280 = arith.muli %select_n3A_278, %mul3A_279 : i32
      %add3A_281 = arith.addi %mul3A_280, %mul3A_2 : i32
      %jit3A_282 = arith.constant 2 : i32
      %eq3A_283 = arith.constant 0 : i32
      %eq3A_284 = arith.cmpi eq, %jit3A_282, %eq3A_283 : i32
      %jit3A_285 = arith.constant 1 : i32
      %select_n3A_286 = arith.select %eq3A_284, %jit3A_285, %jit3A_282 : i32
      %rem3A_287 = arith.remsi %add3A_254, %select_n3A_286 : i32
      %ne3A_288 = arith.constant 0 : i32
      %ne3A_289 = arith.cmpi ne, %rem3A_287, %ne3A_288 : i32
      %lt3A_290 = arith.constant 0 : i32
      %lt3A_291 = arith.cmpi slt, %rem3A_287, %lt3A_290 : i32
      %lt3A_292 = arith.constant 0 : i32
      %lt3A_293 = arith.cmpi slt, %select_n3A_286, %lt3A_292 : i32
      %ne3A_294 = arith.xori %lt3A_291, %lt3A_293 : i1
      %and3A_295 = arith.andi %ne3A_294, %ne3A_289 : i1
      %add3A_296 = arith.addi %rem3A_287, %select_n3A_286 : i32
      %select_n3A_297 = arith.select %and3A_295, %add3A_296, %rem3A_287 : i32
      %mul3A_298 = arith.constant 16 : i32
      %mul3A_299 = arith.muli %select_n3A_297, %mul3A_298 : i32
      %add3A_300 = arith.addi %add3A_281, %mul3A_299 : i32
      %dma_wait3A_301 = arith.constant 0 : i32
      %dma_wait3A_302 = tpu.memref_slice %arg2[%add3A_300, %dma_wait3A_301] : memref<65536x768xf32, #tpu.memory_space<hbm>> -> memref<16x768xf32, #tpu.memory_space<hbm>>
      %dma_wait3A_303 = arith.constant 0 : i32
      %dma_wait3A_304 = tpu.memref_slice %arg2[%add3A_300, %dma_wait3A_303] : memref<65536x768xf32, #tpu.memory_space<hbm>> -> memref<16x768xf32, #tpu.memory_space<hbm>>
      tpu.wait_dma2 semaphore(%arg15 : memref<!tpu.dma_semaphore, #tpu.memory_space<semaphore_mem>>) src(%dma_wait3A_304 : memref<16x768xf32, #tpu.memory_space<hbm>>) dst(%arg7 : memref<16x768xf32, #tpu.memory_space<vmem>>)
      %jit3A_305 = arith.constant 2 : i32
      %eq3A_306 = arith.constant 0 : i32
      %eq3A_307 = arith.cmpi eq, %jit3A_305, %eq3A_306 : i32
      %jit3A_308 = arith.constant 1 : i32
      %select_n3A_309 = arith.select %eq3A_307, %jit3A_308, %jit3A_305 : i32
      %rem3A_310 = arith.remsi %add3A_254, %select_n3A_309 : i32
      %ne3A_311 = arith.constant 0 : i32
      %ne3A_312 = arith.cmpi ne, %rem3A_310, %ne3A_311 : i32
      %lt3A_313 = arith.constant 0 : i32
      %lt3A_314 = arith.cmpi slt, %rem3A_310, %lt3A_313 : i32
      %lt3A_315 = arith.constant 0 : i32
      %lt3A_316 = arith.cmpi slt, %select_n3A_309, %lt3A_315 : i32
      %ne3A_317 = arith.xori %lt3A_314, %lt3A_316 : i1
      %and3A_318 = arith.andi %ne3A_317, %ne3A_312 : i1
      %add3A_319 = arith.addi %rem3A_310, %select_n3A_309 : i32
      %select_n3A_320 = arith.select %and3A_318, %add3A_319, %rem3A_310 : i32
      %mul3A_321 = arith.constant 16 : i32
      %mul3A_322 = arith.muli %select_n3A_320, %mul3A_321 : i32
      %scan3A_323 = arith.constant 0 : i32
      %scan3A_324 = arith.constant 16 : i32
      %scan3A_325 = arith.addi %scan3A_323, %scan3A_324 : i32
      %scan3A_326 = arith.constant 1 : i32
      scf.for %scan3A_1198 = %scan3A_323 to %scan3A_325 step %scan3A_326  : i32 {
        %mul3A_1199 = arith.constant 1 : i32
        %mul3A_1200 = arith.muli %scan3A_1198, %mul3A_1199 : i32
        %add3A_1201 = arith.constant 0 : i32
        %add3A_1202 = arith.addi %add3A_1201, %mul3A_1200 : i32
        %parallel_loop3A = arith.constant 0 : i32
        %parallel_loop3A_1203 = arith.constant 768 : i32
        %parallel_loop3A_1204 = arith.constant 16 : i32
        scf.for %parallel_loop3A_1205 = %parallel_loop3A to %parallel_loop3A_1203 step %parallel_loop3A_1204  : i32 {
          %parallel_loop3A_1206 = arith.index_cast %add3A_1202 : i32 to index
          %parallel_loop3A_1207 = arith.index_cast %parallel_loop3A_1205 : i32 to index
          %parallel_loop3A_1208 = tpu.vector_load %arg7[%parallel_loop3A_1206, %parallel_loop3A_1207] {strides = array<i32>} : memref<16x768xf32, #tpu.memory_space<vmem>>, vector<1x16xf32>,
          %parallel_loop3A_1209 = vector.shape_cast %parallel_loop3A_1208 : vector<1x16xf32> to vector<16xf32>
          %parallel_loop3A_1210 = arith.addi %mul3A_322, %add3A_1202 : i32
          %parallel_loop3A_1211 = arith.index_cast %parallel_loop3A_1210 : i32 to index
          %parallel_loop3A_1212 = arith.index_cast %parallel_loop3A_1205 : i32 to index
          %parallel_loop3A_1213 = tpu.vector_load %arg5[%parallel_loop3A_1211, %parallel_loop3A_1212] {strides = array<i32>} : memref<32x768xf32, #tpu.memory_space<vmem>>, vector<1x16xf32>,
          %parallel_loop3A_1214 = vector.shape_cast %parallel_loop3A_1213 : vector<1x16xf32> to vector<16xf32>
          %parallel_loop3A_1215 = arith.addf %parallel_loop3A_1209, %parallel_loop3A_1214 : vector<16xf32>
          %parallel_loop3A_1216 = arith.index_cast %add3A_1202 : i32 to index
          %parallel_loop3A_1217 = arith.index_cast %parallel_loop3A_1205 : i32 to index
          %parallel_loop3A_1218 = tpu.vector_load %arg7[%parallel_loop3A_1216, %parallel_loop3A_1217] {strides = array<i32>} : memref<16x768xf32, #tpu.memory_space<vmem>>, vector<1x16xf32>,
          %parallel_loop3A_1219 = vector.shape_cast %parallel_loop3A_1218 : vector<1x16xf32> to vector<16xf32>
          %parallel_loop3A_1220 = vector.shape_cast %parallel_loop3A_1215 : vector<16xf32> to vector<1x16xf32>
          tpu.vector_store %arg7[%parallel_loop3A_1216, %parallel_loop3A_1217], %parallel_loop3A_1220 {strides = array<i32>} : memref<16x768xf32, #tpu.memory_space<vmem>>, vector<1x16xf32>,
        } {sc.loop_unroll_factor = 16 : i64, sc.parallel_access}
      }
      %scan3A_327 = arith.constant 16 : i32
      %jit3A_328 = arith.constant 2 : i32
      %div3A_329 = arith.divsi %add3A_254, %jit3A_328 : i32
      %sign3A_330 = arith.constant 0 : i32
      %sign3A_331 = arith.cmpi sgt, %add3A_254, %sign3A_330 : i32
      %sign3A_332 = arith.extui %sign3A_331 : i1 to i32
      %sign3A_333 = arith.constant 0 : i32
      %sign3A_334 = arith.cmpi slt, %add3A_254, %sign3A_333 : i32
      %sign3A_335 = arith.extui %sign3A_334 : i1 to i32
      %sign3A_336 = arith.subi %sign3A_332, %sign3A_335 : i32
      %sign3A_337 = arith.constant 0 : i32
      %sign3A_338 = arith.cmpi sgt, %jit3A_328, %sign3A_337 : i32
      %sign3A_339 = arith.extui %sign3A_338 : i1 to i32
      %sign3A_340 = arith.constant 0 : i32
      %sign3A_341 = arith.cmpi slt, %jit3A_328, %sign3A_340 : i32
      %sign3A_342 = arith.extui %sign3A_341 : i1 to i32
      %sign3A_343 = arith.subi %sign3A_339, %sign3A_342 : i32
      %ne3A_344 = arith.cmpi ne, %sign3A_336, %sign3A_343 : i32
      %rem3A_345 = arith.remsi %add3A_254, %jit3A_328 : i32
      %ne3A_346 = arith.constant 0 : i32
      %ne3A_347 = arith.cmpi ne, %rem3A_345, %ne3A_346 : i32
      %and3A_348 = arith.andi %ne3A_344, %ne3A_347 : i1
      %sub3A_349 = arith.constant 1 : i32
      %sub3A_350 = arith.subi %div3A_329, %sub3A_349 : i32
      %select_n3A_351 = arith.select %and3A_348, %sub3A_350, %div3A_329 : i32
      %mul3A_352 = arith.constant 1024 : i32
      %mul3A_353 = arith.muli %select_n3A_351, %mul3A_352 : i32
      %add3A_354 = arith.addi %mul3A_353, %mul3A_2 : i32
      %jit3A_355 = arith.constant 2 : i32
      %eq3A_356 = arith.constant 0 : i32
      %eq3A_357 = arith.cmpi eq, %jit3A_355, %eq3A_356 : i32
      %jit3A_358 = arith.constant 1 : i32
      %select_n3A_359 = arith.select %eq3A_357, %jit3A_358, %jit3A_355 : i32
      %rem3A_360 = arith.remsi %add3A_254, %select_n3A_359 : i32
      %ne3A_361 = arith.constant 0 : i32
      %ne3A_362 = arith.cmpi ne, %rem3A_360, %ne3A_361 : i32
      %lt3A_363 = arith.constant 0 : i32
      %lt3A_364 = arith.cmpi slt, %rem3A_360, %lt3A_363 : i32
      %lt3A_365 = arith.constant 0 : i32
      %lt3A_366 = arith.cmpi slt, %select_n3A_359, %lt3A_365 : i32
      %ne3A_367 = arith.xori %lt3A_364, %lt3A_366 : i1
      %and3A_368 = arith.andi %ne3A_367, %ne3A_362 : i1
      %add3A_369 = arith.addi %rem3A_360, %select_n3A_359 : i32
      %select_n3A_370 = arith.select %and3A_368, %add3A_369, %rem3A_360 : i32
      %mul3A_371 = arith.constant 16 : i32
      %mul3A_372 = arith.muli %select_n3A_370, %mul3A_371 : i32
      %add3A_373 = arith.addi %add3A_354, %mul3A_372 : i32
      %dma_start3A_374 = arith.constant 0 : i32
      %dma_start3A_375 = tpu.memref_slice %arg4[%add3A_373, %dma_start3A_374] : memref<65536x768xf32, #tpu.memory_space<hbm>> -> memref<16x768xf32, #tpu.memory_space<hbm>>
      %dma_start3A_376 = arith.constant 0 : i32
      %dma_start3A_377 = tpu.memref_slice %arg4[%add3A_373, %dma_start3A_376] : memref<65536x768xf32, #tpu.memory_space<hbm>> -> memref<16x768xf32, #tpu.memory_space<hbm>>
      tpu.enqueue_dma source(%arg7 : memref<16x768xf32, #tpu.memory_space<vmem>>) target(%dma_start3A_377 : memref<16x768xf32, #tpu.memory_space<hbm>>) target_semaphore(%arg23 : memref<!tpu.dma_semaphore, #tpu.memory_space<semaphore_mem>>)
      %add3A_378 = arith.constant 2 : i32
      %add3A_379 = arith.addi %add3A_137, %add3A_378 : i32
      %jit3A_380 = arith.constant 2 : i32
      %div3A_381 = arith.divsi %add3A_379, %jit3A_380 : i32
      %sign3A_382 = arith.constant 0 : i32
      %sign3A_383 = arith.cmpi sgt, %add3A_379, %sign3A_382 : i32
      %sign3A_384 = arith.extui %sign3A_383 : i1 to i32
      %sign3A_385 = arith.constant 0 : i32
      %sign3A_386 = arith.cmpi slt, %add3A_379, %sign3A_385 : i32
      %sign3A_387 = arith.extui %sign3A_386 : i1 to i32
      %sign3A_388 = arith.subi %sign3A_384, %sign3A_387 : i32
      %sign3A_389 = arith.constant 0 : i32
      %sign3A_390 = arith.cmpi sgt, %jit3A_380, %sign3A_389 : i32
      %sign3A_391 = arith.extui %sign3A_390 : i1 to i32
      %sign3A_392 = arith.constant 0 : i32
      %sign3A_393 = arith.cmpi slt, %jit3A_380, %sign3A_392 : i32
      %sign3A_394 = arith.extui %sign3A_393 : i1 to i32
      %sign3A_395 = arith.subi %sign3A_391, %sign3A_394 : i32
      %ne3A_396 = arith.cmpi ne, %sign3A_388, %sign3A_395 : i32
      %rem3A_397 = arith.remsi %add3A_379, %jit3A_380 : i32
      %ne3A_398 = arith.constant 0 : i32
      %ne3A_399 = arith.cmpi ne, %rem3A_397, %ne3A_398 : i32
      %and3A_400 = arith.andi %ne3A_396, %ne3A_399 : i1
      %sub3A_401 = arith.constant 1 : i32
      %sub3A_402 = arith.subi %div3A_381, %sub3A_401 : i32
      %select_n3A_403 = arith.select %and3A_400, %sub3A_402, %div3A_381 : i32
      %mul3A_404 = arith.constant 1024 : i32
      %mul3A_405 = arith.muli %select_n3A_403, %mul3A_404 : i32
      %add3A_406 = arith.addi %mul3A_405, %mul3A_2 : i32
      %jit3A_407 = arith.constant 2 : i32
      %eq3A_408 = arith.constant 0 : i32
      %eq3A_409 = arith.cmpi eq, %jit3A_407, %eq3A_408 : i32
      %jit3A_410 = arith.constant 1 : i32
      %select_n3A_411 = arith.select %eq3A_409, %jit3A_410, %jit3A_407 : i32
      %rem3A_412 = arith.remsi %add3A_379, %select_n3A_411 : i32
      %ne3A_413 = arith.constant 0 : i32
      %ne3A_414 = arith.cmpi ne, %rem3A_412, %ne3A_413 : i32
      %lt3A_415 = arith.constant 0 : i32
      %lt3A_416 = arith.cmpi slt, %rem3A_412, %lt3A_415 : i32
      %lt3A_417 = arith.constant 0 : i32
      %lt3A_418 = arith.cmpi slt, %select_n3A_411, %lt3A_417 : i32
      %ne3A_419 = arith.xori %lt3A_416, %lt3A_418 : i1
      %and3A_420 = arith.andi %ne3A_419, %ne3A_414 : i1
      %add3A_421 = arith.addi %rem3A_412, %select_n3A_411 : i32
      %select_n3A_422 = arith.select %and3A_420, %add3A_421, %rem3A_412 : i32
      %mul3A_423 = arith.constant 16 : i32
      %mul3A_424 = arith.muli %select_n3A_422, %mul3A_423 : i32
      %add3A_425 = arith.addi %add3A_406, %mul3A_424 : i32
      %dma_wait3A_426 = arith.constant 0 : i32
      %dma_wait3A_427 = tpu.memref_slice %arg2[%add3A_425, %dma_wait3A_426] : memref<65536x768xf32, #tpu.memory_space<hbm>> -> memref<16x768xf32, #tpu.memory_space<hbm>>
      %dma_wait3A_428 = arith.constant 0 : i32
      %dma_wait3A_429 = tpu.memref_slice %arg2[%add3A_425, %dma_wait3A_428] : memref<65536x768xf32, #tpu.memory_space<hbm>> -> memref<16x768xf32, #tpu.memory_space<hbm>>
      tpu.wait_dma2 semaphore(%arg16 : memref<!tpu.dma_semaphore, #tpu.memory_space<semaphore_mem>>) src(%dma_wait3A_429 : memref<16x768xf32, #tpu.memory_space<hbm>>) dst(%arg8 : memref<16x768xf32, #tpu.memory_space<vmem>>)
      %jit3A_430 = arith.constant 2 : i32
      %eq3A_431 = arith.constant 0 : i32
      %eq3A_432 = arith.cmpi eq, %jit3A_430, %eq3A_431 : i32
      %jit3A_433 = arith.constant 1 : i32
      %select_n3A_434 = arith.select %eq3A_432, %jit3A_433, %jit3A_430 : i32
      %rem3A_435 = arith.remsi %add3A_379, %select_n3A_434 : i32
      %ne3A_436 = arith.constant 0 : i32
      %ne3A_437 = arith.cmpi ne, %rem3A_435, %ne3A_436 : i32
      %lt3A_438 = arith.constant 0 : i32
      %lt3A_439 = arith.cmpi slt, %rem3A_435, %lt3A_438 : i32
      %lt3A_440 = arith.constant 0 : i32
      %lt3A_441 = arith.cmpi slt, %select_n3A_434, %lt3A_440 : i32
      %ne3A_442 = arith.xori %lt3A_439, %lt3A_441 : i1
      %and3A_443 = arith.andi %ne3A_442, %ne3A_437 : i1
      %add3A_444 = arith.addi %rem3A_435, %select_n3A_434 : i32
      %select_n3A_445 = arith.select %and3A_443, %add3A_444, %rem3A_435 : i32
      %mul3A_446 = arith.constant 16 : i32
      %mul3A_447 = arith.muli %select_n3A_445, %mul3A_446 : i32
      %scan3A_448 = arith.constant 0 : i32
      %scan3A_449 = arith.constant 16 : i32
      %scan3A_450 = arith.addi %scan3A_448, %scan3A_449 : i32
      %scan3A_451 = arith.constant 1 : i32
      scf.for %scan3A_1198 = %scan3A_448 to %scan3A_450 step %scan3A_451  : i32 {
        %mul3A_1199 = arith.constant 1 : i32
        %mul3A_1200 = arith.muli %scan3A_1198, %mul3A_1199 : i32
        %add3A_1201 = arith.constant 0 : i32
        %add3A_1202 = arith.addi %add3A_1201, %mul3A_1200 : i32
        %parallel_loop3A = arith.constant 0 : i32
        %parallel_loop3A_1203 = arith.constant 768 : i32
        %parallel_loop3A_1204 = arith.constant 16 : i32
        scf.for %parallel_loop3A_1205 = %parallel_loop3A to %parallel_loop3A_1203 step %parallel_loop3A_1204  : i32 {
          %parallel_loop3A_1206 = arith.index_cast %add3A_1202 : i32 to index
          %parallel_loop3A_1207 = arith.index_cast %parallel_loop3A_1205 : i32 to index
          %parallel_loop3A_1208 = tpu.vector_load %arg8[%parallel_loop3A_1206, %parallel_loop3A_1207] {strides = array<i32>} : memref<16x768xf32, #tpu.memory_space<vmem>>, vector<1x16xf32>,
          %parallel_loop3A_1209 = vector.shape_cast %parallel_loop3A_1208 : vector<1x16xf32> to vector<16xf32>
          %parallel_loop3A_1210 = arith.addi %mul3A_447, %add3A_1202 : i32
          %parallel_loop3A_1211 = arith.index_cast %parallel_loop3A_1210 : i32 to index
          %parallel_loop3A_1212 = arith.index_cast %parallel_loop3A_1205 : i32 to index
          %parallel_loop3A_1213 = tpu.vector_load %arg5[%parallel_loop3A_1211, %parallel_loop3A_1212] {strides = array<i32>} : memref<32x768xf32, #tpu.memory_space<vmem>>, vector<1x16xf32>,
          %parallel_loop3A_1214 = vector.shape_cast %parallel_loop3A_1213 : vector<1x16xf32> to vector<16xf32>
          %parallel_loop3A_1215 = arith.addf %parallel_loop3A_1209, %parallel_loop3A_1214 : vector<16xf32>
          %parallel_loop3A_1216 = arith.index_cast %add3A_1202 : i32 to index
          %parallel_loop3A_1217 = arith.index_cast %parallel_loop3A_1205 : i32 to index
          %parallel_loop3A_1218 = tpu.vector_load %arg8[%parallel_loop3A_1216, %parallel_loop3A_1217] {strides = array<i32>} : memref<16x768xf32, #tpu.memory_space<vmem>>, vector<1x16xf32>,
          %parallel_loop3A_1219 = vector.shape_cast %parallel_loop3A_1218 : vector<1x16xf32> to vector<16xf32>
          %parallel_loop3A_1220 = vector.shape_cast %parallel_loop3A_1215 : vector<16xf32> to vector<1x16xf32>
          tpu.vector_store %arg8[%parallel_loop3A_1216, %parallel_loop3A_1217], %parallel_loop3A_1220 {strides = array<i32>} : memref<16x768xf32, #tpu.memory_space<vmem>>, vector<1x16xf32>,
        } {sc.loop_unroll_factor = 16 : i64, sc.parallel_access}
      }
      %scan3A_452 = arith.constant 16 : i32
      %jit3A_453 = arith.constant 2 : i32
      %div3A_454 = arith.divsi %add3A_379, %jit3A_453 : i32
      %sign3A_455 = arith.constant 0 : i32
      %sign3A_456 = arith.cmpi sgt, %add3A_379, %sign3A_455 : i32
      %sign3A_457 = arith.extui %sign3A_456 : i1 to i32
      %sign3A_458 = arith.constant 0 : i32
      %sign3A_459 = arith.cmpi slt, %add3A_379, %sign3A_458 : i32
      %sign3A_460 = arith.extui %sign3A_459 : i1 to i32
      %sign3A_461 = arith.subi %sign3A_457, %sign3A_460 : i32
      %sign3A_462 = arith.constant 0 : i32
      %sign3A_463 = arith.cmpi sgt, %jit3A_453, %sign3A_462 : i32
      %sign3A_464 = arith.extui %sign3A_463 : i1 to i32
      %sign3A_465 = arith.constant 0 : i32
      %sign3A_466 = arith.cmpi slt, %jit3A_453, %sign3A_465 : i32
      %sign3A_467 = arith.extui %sign3A_466 : i1 to i32
      %sign3A_468 = arith.subi %sign3A_464, %sign3A_467 : i32
      %ne3A_469 = arith.cmpi ne, %sign3A_461, %sign3A_468 : i32
      %rem3A_470 = arith.remsi %add3A_379, %jit3A_453 : i32
      %ne3A_471 = arith.constant 0 : i32
      %ne3A_472 = arith.cmpi ne, %rem3A_470, %ne3A_471 : i32
      %and3A_473 = arith.andi %ne3A_469, %ne3A_472 : i1
      %sub3A_474 = arith.constant 1 : i32
      %sub3A_475 = arith.subi %div3A_454, %sub3A_474 : i32
      %select_n3A_476 = arith.select %and3A_473, %sub3A_475, %div3A_454 : i32
      %mul3A_477 = arith.constant 1024 : i32
      %mul3A_478 = arith.muli %select_n3A_476, %mul3A_477 : i32
      %add3A_479 = arith.addi %mul3A_478, %mul3A_2 : i32
      %jit3A_480 = arith.constant 2 : i32
      %eq3A_481 = arith.constant 0 : i32
      %eq3A_482 = arith.cmpi eq, %jit3A_480, %eq3A_481 : i32
      %jit3A_483 = arith.constant 1 : i32
      %select_n3A_484 = arith.select %eq3A_482, %jit3A_483, %jit3A_480 : i32
      %rem3A_485 = arith.remsi %add3A_379, %select_n3A_484 : i32
      %ne3A_486 = arith.constant 0 : i32
      %ne3A_487 = arith.cmpi ne, %rem3A_485, %ne3A_486 : i32
      %lt3A_488 = arith.constant 0 : i32
      %lt3A_489 = arith.cmpi slt, %rem3A_485, %lt3A_488 : i32
      %lt3A_490 = arith.constant 0 : i32
      %lt3A_491 = arith.cmpi slt, %select_n3A_484, %lt3A_490 : i32
      %ne3A_492 = arith.xori %lt3A_489, %lt3A_491 : i1
      %and3A_493 = arith.andi %ne3A_492, %ne3A_487 : i1
      %add3A_494 = arith.addi %rem3A_485, %select_n3A_484 : i32
      %select_n3A_495 = arith.select %and3A_493, %add3A_494, %rem3A_485 : i32
      %mul3A_496 = arith.constant 16 : i32
      %mul3A_497 = arith.muli %select_n3A_495, %mul3A_496 : i32
      %add3A_498 = arith.addi %add3A_479, %mul3A_497 : i32
      %dma_start3A_499 = arith.constant 0 : i32
      %dma_start3A_500 = tpu.memref_slice %arg4[%add3A_498, %dma_start3A_499] : memref<65536x768xf32, #tpu.memory_space<hbm>> -> memref<16x768xf32, #tpu.memory_space<hbm>>
      %dma_start3A_501 = arith.constant 0 : i32
      %dma_start3A_502 = tpu.memref_slice %arg4[%add3A_498, %dma_start3A_501] : memref<65536x768xf32, #tpu.memory_space<hbm>> -> memref<16x768xf32, #tpu.memory_space<hbm>>
      tpu.enqueue_dma source(%arg8 : memref<16x768xf32, #tpu.memory_space<vmem>>) target(%dma_start3A_502 : memref<16x768xf32, #tpu.memory_space<hbm>>) target_semaphore(%arg24 : memref<!tpu.dma_semaphore, #tpu.memory_space<semaphore_mem>>)
      %add3A_503 = arith.constant 0 : i32
      %add3A_504 = arith.addi %add3A_137, %add3A_503 : i32
      %add3A_505 = arith.constant 8 : i32
      %add3A_506 = arith.addi %add3A_504, %add3A_505 : i32
      %lt3A_507 = arith.constant 128 : i32
      %lt3A_508 = arith.cmpi slt, %add3A_506, %lt3A_507 : i32
      %convert_element_type3A = arith.extui %lt3A_508 : i1 to i32
      %cond3A = arith.constant 0 : i32
      %cond3A_509 = arith.cmpi ne, %convert_element_type3A, %cond3A : i32
      scf.if %cond3A_509 {
        %jit3A_1198 = arith.constant 2 : i32
        %div3A_1199 = arith.divsi %add3A_504, %jit3A_1198 : i32
        %sign3A_1200 = arith.constant 0 : i32
        %sign3A_1201 = arith.cmpi sgt, %add3A_504, %sign3A_1200 : i32
        %sign3A_1202 = arith.extui %sign3A_1201 : i1 to i32
        %sign3A_1203 = arith.constant 0 : i32
        %sign3A_1204 = arith.cmpi slt, %add3A_504, %sign3A_1203 : i32
        %sign3A_1205 = arith.extui %sign3A_1204 : i1 to i32
        %sign3A_1206 = arith.subi %sign3A_1202, %sign3A_1205 : i32
        %sign3A_1207 = arith.constant 0 : i32
        %sign3A_1208 = arith.cmpi sgt, %jit3A_1198, %sign3A_1207 : i32
        %sign3A_1209 = arith.extui %sign3A_1208 : i1 to i32
        %sign3A_1210 = arith.constant 0 : i32
        %sign3A_1211 = arith.cmpi slt, %jit3A_1198, %sign3A_1210 : i32
        %sign3A_1212 = arith.extui %sign3A_1211 : i1 to i32
        %sign3A_1213 = arith.subi %sign3A_1209, %sign3A_1212 : i32
        %ne3A_1214 = arith.cmpi ne, %sign3A_1206, %sign3A_1213 : i32
        %rem3A_1215 = arith.remsi %add3A_504, %jit3A_1198 : i32
        %ne3A_1216 = arith.constant 0 : i32
        %ne3A_1217 = arith.cmpi ne, %rem3A_1215, %ne3A_1216 : i32
        %and3A_1218 = arith.andi %ne3A_1214, %ne3A_1217 : i1
        %sub3A_1219 = arith.constant 1 : i32
        %sub3A_1220 = arith.subi %div3A_1199, %sub3A_1219 : i32
        %select_n3A_1221 = arith.select %and3A_1218, %sub3A_1220, %div3A_1199 : i32
        %mul3A_1222 = arith.constant 1024 : i32
        %mul3A_1223 = arith.muli %select_n3A_1221, %mul3A_1222 : i32
        %add3A_1224 = arith.addi %mul3A_1223, %mul3A_2 : i32
        %jit3A_1225 = arith.constant 2 : i32
        %eq3A_1226 = arith.constant 0 : i32
        %eq3A_1227 = arith.cmpi eq, %jit3A_1225, %eq3A_1226 : i32
        %jit3A_1228 = arith.constant 1 : i32
        %select_n3A_1229 = arith.select %eq3A_1227, %jit3A_1228, %jit3A_1225 : i32
        %rem3A_1230 = arith.remsi %add3A_504, %select_n3A_1229 : i32
        %ne3A_1231 = arith.constant 0 : i32
        %ne3A_1232 = arith.cmpi ne, %rem3A_1230, %ne3A_1231 : i32
        %lt3A_1233 = arith.constant 0 : i32
        %lt3A_1234 = arith.cmpi slt, %rem3A_1230, %lt3A_1233 : i32
        %lt3A_1235 = arith.constant 0 : i32
        %lt3A_1236 = arith.cmpi slt, %select_n3A_1229, %lt3A_1235 : i32
        %ne3A_1237 = arith.xori %lt3A_1234, %lt3A_1236 : i1
        %and3A_1238 = arith.andi %ne3A_1237, %ne3A_1232 : i1
        %add3A_1239 = arith.addi %rem3A_1230, %select_n3A_1229 : i32
        %select_n3A_1240 = arith.select %and3A_1238, %add3A_1239, %rem3A_1230 : i32
        %mul3A_1241 = arith.constant 16 : i32
        %mul3A_1242 = arith.muli %select_n3A_1240, %mul3A_1241 : i32
        %add3A_1243 = arith.addi %add3A_1224, %mul3A_1242 : i32
        %dma_wait3A_1244 = arith.constant 0 : i32
        %dma_wait3A_1245 = tpu.memref_slice %arg4[%add3A_1243, %dma_wait3A_1244] : memref<65536x768xf32, #tpu.memory_space<hbm>> -> memref<16x768xf32, #tpu.memory_space<hbm>>
        %dma_wait3A_1246 = arith.constant 0 : i32
        %dma_wait3A_1247 = tpu.memref_slice %arg4[%add3A_1243, %dma_wait3A_1246] : memref<65536x768xf32, #tpu.memory_space<hbm>> -> memref<16x768xf32, #tpu.memory_space<hbm>>
        tpu.wait_dma2 semaphore(%arg22 : memref<!tpu.dma_semaphore, #tpu.memory_space<semaphore_mem>>) src(%arg6 : memref<16x768xf32, #tpu.memory_space<vmem>>) dst(%dma_wait3A_1247 : memref<16x768xf32, #tpu.memory_space<hbm>>)
        %add3A_1248 = arith.constant 8 : i32
        %add3A_1249 = arith.addi %add3A_504, %add3A_1248 : i32
        %jit3A_1250 = arith.constant 2 : i32
        %div3A_1251 = arith.divsi %add3A_1249, %jit3A_1250 : i32
        %sign3A_1252 = arith.constant 0 : i32
        %sign3A_1253 = arith.cmpi sgt, %add3A_1249, %sign3A_1252 : i32
        %sign3A_1254 = arith.extui %sign3A_1253 : i1 to i32
        %sign3A_1255 = arith.constant 0 : i32
        %sign3A_1256 = arith.cmpi slt, %add3A_1249, %sign3A_1255 : i32
        %sign3A_1257 = arith.extui %sign3A_1256 : i1 to i32
        %sign3A_1258 = arith.subi %sign3A_1254, %sign3A_1257 : i32
        %sign3A_1259 = arith.constant 0 : i32
        %sign3A_1260 = arith.cmpi sgt, %jit3A_1250, %sign3A_1259 : i32
        %sign3A_1261 = arith.extui %sign3A_1260 : i1 to i32
        %sign3A_1262 = arith.constant 0 : i32
        %sign3A_1263 = arith.cmpi slt, %jit3A_1250, %sign3A_1262 : i32
        %sign3A_1264 = arith.extui %sign3A_1263 : i1 to i32
        %sign3A_1265 = arith.subi %sign3A_1261, %sign3A_1264 : i32
        %ne3A_1266 = arith.cmpi ne, %sign3A_1258, %sign3A_1265 : i32
        %rem3A_1267 = arith.remsi %add3A_1249, %jit3A_1250 : i32
        %ne3A_1268 = arith.constant 0 : i32
        %ne3A_1269 = arith.cmpi ne, %rem3A_1267, %ne3A_1268 : i32
        %and3A_1270 = arith.andi %ne3A_1266, %ne3A_1269 : i1
        %sub3A_1271 = arith.constant 1 : i32
        %sub3A_1272 = arith.subi %div3A_1251, %sub3A_1271 : i32
        %select_n3A_1273 = arith.select %and3A_1270, %sub3A_1272, %div3A_1251 : i32
        %mul3A_1274 = arith.constant 1024 : i32
        %mul3A_1275 = arith.muli %select_n3A_1273, %mul3A_1274 : i32
        %add3A_1276 = arith.addi %mul3A_1275, %mul3A_2 : i32
        %jit3A_1277 = arith.constant 2 : i32
        %eq3A_1278 = arith.constant 0 : i32
        %eq3A_1279 = arith.cmpi eq, %jit3A_1277, %eq3A_1278 : i32
        %jit3A_1280 = arith.constant 1 : i32
        %select_n3A_1281 = arith.select %eq3A_1279, %jit3A_1280, %jit3A_1277 : i32
        %rem3A_1282 = arith.remsi %add3A_1249, %select_n3A_1281 : i32
        %ne3A_1283 = arith.constant 0 : i32
        %ne3A_1284 = arith.cmpi ne, %rem3A_1282, %ne3A_1283 : i32
        %lt3A_1285 = arith.constant 0 : i32
        %lt3A_1286 = arith.cmpi slt, %rem3A_1282, %lt3A_1285 : i32
        %lt3A_1287 = arith.constant 0 : i32
        %lt3A_1288 = arith.cmpi slt, %select_n3A_1281, %lt3A_1287 : i32
        %ne3A_1289 = arith.xori %lt3A_1286, %lt3A_1288 : i1
        %and3A_1290 = arith.andi %ne3A_1289, %ne3A_1284 : i1
        %add3A_1291 = arith.addi %rem3A_1282, %select_n3A_1281 : i32
        %select_n3A_1292 = arith.select %and3A_1290, %add3A_1291, %rem3A_1282 : i32
        %mul3A_1293 = arith.constant 16 : i32
        %mul3A_1294 = arith.muli %select_n3A_1292, %mul3A_1293 : i32
        %add3A_1295 = arith.addi %add3A_1276, %mul3A_1294 : i32
        %dma_start3A_1296 = arith.constant 0 : i32
        %dma_start3A_1297 = tpu.memref_slice %arg2[%add3A_1295, %dma_start3A_1296] : memref<65536x768xf32, #tpu.memory_space<hbm>> -> memref<16x768xf32, #tpu.memory_space<hbm>>
        %dma_start3A_1298 = arith.constant 0 : i32
        %dma_start3A_1299 = tpu.memref_slice %arg2[%add3A_1295, %dma_start3A_1298] : memref<65536x768xf32, #tpu.memory_space<hbm>> -> memref<16x768xf32, #tpu.memory_space<hbm>>
        tpu.enqueue_dma source(%dma_start3A_1299 : memref<16x768xf32, #tpu.memory_space<hbm>>) target(%arg6 : memref<16x768xf32, #tpu.memory_space<vmem>>) target_semaphore(%arg14 : memref<!tpu.dma_semaphore, #tpu.memory_space<semaphore_mem>>)
      } else {
      }
      %add3A_510 = arith.constant 3 : i32
      %add3A_511 = arith.addi %add3A_137, %add3A_510 : i32
      %jit3A_512 = arith.constant 2 : i32
      %div3A_513 = arith.divsi %add3A_511, %jit3A_512 : i32
      %sign3A_514 = arith.constant 0 : i32
      %sign3A_515 = arith.cmpi sgt, %add3A_511, %sign3A_514 : i32
      %sign3A_516 = arith.extui %sign3A_515 : i1 to i32
      %sign3A_517 = arith.constant 0 : i32
      %sign3A_518 = arith.cmpi slt, %add3A_511, %sign3A_517 : i32
      %sign3A_519 = arith.extui %sign3A_518 : i1 to i32
      %sign3A_520 = arith.subi %sign3A_516, %sign3A_519 : i32
      %sign3A_521 = arith.constant 0 : i32
      %sign3A_522 = arith.cmpi sgt, %jit3A_512, %sign3A_521 : i32
      %sign3A_523 = arith.extui %sign3A_522 : i1 to i32
      %sign3A_524 = arith.constant 0 : i32
      %sign3A_525 = arith.cmpi slt, %jit3A_512, %sign3A_524 : i32
      %sign3A_526 = arith.extui %sign3A_525 : i1 to i32
      %sign3A_527 = arith.subi %sign3A_523, %sign3A_526 : i32
      %ne3A_528 = arith.cmpi ne, %sign3A_520, %sign3A_527 : i32
      %rem3A_529 = arith.remsi %add3A_511, %jit3A_512 : i32
      %ne3A_530 = arith.constant 0 : i32
      %ne3A_531 = arith.cmpi ne, %rem3A_529, %ne3A_530 : i32
      %and3A_532 = arith.andi %ne3A_528, %ne3A_531 : i1
      %sub3A_533 = arith.constant 1 : i32
      %sub3A_534 = arith.subi %div3A_513, %sub3A_533 : i32
      %select_n3A_535 = arith.select %and3A_532, %sub3A_534, %div3A_513 : i32
      %mul3A_536 = arith.constant 1024 : i32
      %mul3A_537 = arith.muli %select_n3A_535, %mul3A_536 : i32
      %add3A_538 = arith.addi %mul3A_537, %mul3A_2 : i32
      %jit3A_539 = arith.constant 2 : i32
      %eq3A_540 = arith.constant 0 : i32
      %eq3A_541 = arith.cmpi eq, %jit3A_539, %eq3A_540 : i32
      %jit3A_542 = arith.constant 1 : i32
      %select_n3A_543 = arith.select %eq3A_541, %jit3A_542, %jit3A_539 : i32
      %rem3A_544 = arith.remsi %add3A_511, %select_n3A_543 : i32
      %ne3A_545 = arith.constant 0 : i32
      %ne3A_546 = arith.cmpi ne, %rem3A_544, %ne3A_545 : i32
      %lt3A_547 = arith.constant 0 : i32
      %lt3A_548 = arith.cmpi slt, %rem3A_544, %lt3A_547 : i32
      %lt3A_549 = arith.constant 0 : i32
      %lt3A_550 = arith.cmpi slt, %select_n3A_543, %lt3A_549 : i32
      %ne3A_551 = arith.xori %lt3A_548, %lt3A_550 : i1
      %and3A_552 = arith.andi %ne3A_551, %ne3A_546 : i1
      %add3A_553 = arith.addi %rem3A_544, %select_n3A_543 : i32
      %select_n3A_554 = arith.select %and3A_552, %add3A_553, %rem3A_544 : i32
      %mul3A_555 = arith.constant 16 : i32
      %mul3A_556 = arith.muli %select_n3A_554, %mul3A_555 : i32
      %add3A_557 = arith.addi %add3A_538, %mul3A_556 : i32
      %dma_wait3A_558 = arith.constant 0 : i32
      %dma_wait3A_559 = tpu.memref_slice %arg2[%add3A_557, %dma_wait3A_558] : memref<65536x768xf32, #tpu.memory_space<hbm>> -> memref<16x768xf32, #tpu.memory_space<hbm>>
      %dma_wait3A_560 = arith.constant 0 : i32
      %dma_wait3A_561 = tpu.memref_slice %arg2[%add3A_557, %dma_wait3A_560] : memref<65536x768xf32, #tpu.memory_space<hbm>> -> memref<16x768xf32, #tpu.memory_space<hbm>>
      tpu.wait_dma2 semaphore(%arg17 : memref<!tpu.dma_semaphore, #tpu.memory_space<semaphore_mem>>) src(%dma_wait3A_561 : memref<16x768xf32, #tpu.memory_space<hbm>>) dst(%arg9 : memref<16x768xf32, #tpu.memory_space<vmem>>)
      %jit3A_562 = arith.constant 2 : i32
      %eq3A_563 = arith.constant 0 : i32
      %eq3A_564 = arith.cmpi eq, %jit3A_562, %eq3A_563 : i32
      %jit3A_565 = arith.constant 1 : i32
      %select_n3A_566 = arith.select %eq3A_564, %jit3A_565, %jit3A_562 : i32
      %rem3A_567 = arith.remsi %add3A_511, %select_n3A_566 : i32
      %ne3A_568 = arith.constant 0 : i32
      %ne3A_569 = arith.cmpi ne, %rem3A_567, %ne3A_568 : i32
      %lt3A_570 = arith.constant 0 : i32
      %lt3A_571 = arith.cmpi slt, %rem3A_567, %lt3A_570 : i32
      %lt3A_572 = arith.constant 0 : i32
      %lt3A_573 = arith.cmpi slt, %select_n3A_566, %lt3A_572 : i32
      %ne3A_574 = arith.xori %lt3A_571, %lt3A_573 : i1
      %and3A_575 = arith.andi %ne3A_574, %ne3A_569 : i1
      %add3A_576 = arith.addi %rem3A_567, %select_n3A_566 : i32
      %select_n3A_577 = arith.select %and3A_575, %add3A_576, %rem3A_567 : i32
      %mul3A_578 = arith.constant 16 : i32
      %mul3A_579 = arith.muli %select_n3A_577, %mul3A_578 : i32
      %scan3A_580 = arith.constant 0 : i32
      %scan3A_581 = arith.constant 16 : i32
      %scan3A_582 = arith.addi %scan3A_580, %scan3A_581 : i32
      %scan3A_583 = arith.constant 1 : i32
      scf.for %scan3A_1198 = %scan3A_580 to %scan3A_582 step %scan3A_583  : i32 {
        %mul3A_1199 = arith.constant 1 : i32
        %mul3A_1200 = arith.muli %scan3A_1198, %mul3A_1199 : i32
        %add3A_1201 = arith.constant 0 : i32
        %add3A_1202 = arith.addi %add3A_1201, %mul3A_1200 : i32
        %parallel_loop3A = arith.constant 0 : i32
        %parallel_loop3A_1203 = arith.constant 768 : i32
        %parallel_loop3A_1204 = arith.constant 16 : i32
        scf.for %parallel_loop3A_1205 = %parallel_loop3A to %parallel_loop3A_1203 step %parallel_loop3A_1204  : i32 {
          %parallel_loop3A_1206 = arith.index_cast %add3A_1202 : i32 to index
          %parallel_loop3A_1207 = arith.index_cast %parallel_loop3A_1205 : i32 to index
          %parallel_loop3A_1208 = tpu.vector_load %arg9[%parallel_loop3A_1206, %parallel_loop3A_1207] {strides = array<i32>} : memref<16x768xf32, #tpu.memory_space<vmem>>, vector<1x16xf32>,
          %parallel_loop3A_1209 = vector.shape_cast %parallel_loop3A_1208 : vector<1x16xf32> to vector<16xf32>
          %parallel_loop3A_1210 = arith.addi %mul3A_579, %add3A_1202 : i32
          %parallel_loop3A_1211 = arith.index_cast %parallel_loop3A_1210 : i32 to index
          %parallel_loop3A_1212 = arith.index_cast %parallel_loop3A_1205 : i32 to index
          %parallel_loop3A_1213 = tpu.vector_load %arg5[%parallel_loop3A_1211, %parallel_loop3A_1212] {strides = array<i32>} : memref<32x768xf32, #tpu.memory_space<vmem>>, vector<1x16xf32>,
          %parallel_loop3A_1214 = vector.shape_cast %parallel_loop3A_1213 : vector<1x16xf32> to vector<16xf32>
          %parallel_loop3A_1215 = arith.addf %parallel_loop3A_1209, %parallel_loop3A_1214 : vector<16xf32>
          %parallel_loop3A_1216 = arith.index_cast %add3A_1202 : i32 to index
          %parallel_loop3A_1217 = arith.index_cast %parallel_loop3A_1205 : i32 to index
          %parallel_loop3A_1218 = tpu.vector_load %arg9[%parallel_loop3A_1216, %parallel_loop3A_1217] {strides = array<i32>} : memref<16x768xf32, #tpu.memory_space<vmem>>, vector<1x16xf32>,
          %parallel_loop3A_1219 = vector.shape_cast %parallel_loop3A_1218 : vector<1x16xf32> to vector<16xf32>
          %parallel_loop3A_1220 = vector.shape_cast %parallel_loop3A_1215 : vector<16xf32> to vector<1x16xf32>
          tpu.vector_store %arg9[%parallel_loop3A_1216, %parallel_loop3A_1217], %parallel_loop3A_1220 {strides = array<i32>} : memref<16x768xf32, #tpu.memory_space<vmem>>, vector<1x16xf32>,
        } {sc.loop_unroll_factor = 16 : i64, sc.parallel_access}
      }
      %scan3A_584 = arith.constant 16 : i32
      %jit3A_585 = arith.constant 2 : i32
      %div3A_586 = arith.divsi %add3A_511, %jit3A_585 : i32
      %sign3A_587 = arith.constant 0 : i32
      %sign3A_588 = arith.cmpi sgt, %add3A_511, %sign3A_587 : i32
      %sign3A_589 = arith.extui %sign3A_588 : i1 to i32
      %sign3A_590 = arith.constant 0 : i32
      %sign3A_591 = arith.cmpi slt, %add3A_511, %sign3A_590 : i32
      %sign3A_592 = arith.extui %sign3A_591 : i1 to i32
      %sign3A_593 = arith.subi %sign3A_589, %sign3A_592 : i32
      %sign3A_594 = arith.constant 0 : i32
      %sign3A_595 = arith.cmpi sgt, %jit3A_585, %sign3A_594 : i32
      %sign3A_596 = arith.extui %sign3A_595 : i1 to i32
      %sign3A_597 = arith.constant 0 : i32
      %sign3A_598 = arith.cmpi slt, %jit3A_585, %sign3A_597 : i32
      %sign3A_599 = arith.extui %sign3A_598 : i1 to i32
      %sign3A_600 = arith.subi %sign3A_596, %sign3A_599 : i32
      %ne3A_601 = arith.cmpi ne, %sign3A_593, %sign3A_600 : i32
      %rem3A_602 = arith.remsi %add3A_511, %jit3A_585 : i32
      %ne3A_603 = arith.constant 0 : i32
      %ne3A_604 = arith.cmpi ne, %rem3A_602, %ne3A_603 : i32
      %and3A_605 = arith.andi %ne3A_601, %ne3A_604 : i1
      %sub3A_606 = arith.constant 1 : i32
      %sub3A_607 = arith.subi %div3A_586, %sub3A_606 : i32
      %select_n3A_608 = arith.select %and3A_605, %sub3A_607, %div3A_586 : i32
      %mul3A_609 = arith.constant 1024 : i32
      %mul3A_610 = arith.muli %select_n3A_608, %mul3A_609 : i32
      %add3A_611 = arith.addi %mul3A_610, %mul3A_2 : i32
      %jit3A_612 = arith.constant 2 : i32
      %eq3A_613 = arith.constant 0 : i32
      %eq3A_614 = arith.cmpi eq, %jit3A_612, %eq3A_613 : i32
      %jit3A_615 = arith.constant 1 : i32
      %select_n3A_616 = arith.select %eq3A_614, %jit3A_615, %jit3A_612 : i32
      %rem3A_617 = arith.remsi %add3A_511, %select_n3A_616 : i32
      %ne3A_618 = arith.constant 0 : i32
      %ne3A_619 = arith.cmpi ne, %rem3A_617, %ne3A_618 : i32
      %lt3A_620 = arith.constant 0 : i32
      %lt3A_621 = arith.cmpi slt, %rem3A_617, %lt3A_620 : i32
      %lt3A_622 = arith.constant 0 : i32
      %lt3A_623 = arith.cmpi slt, %select_n3A_616, %lt3A_622 : i32
      %ne3A_624 = arith.xori %lt3A_621, %lt3A_623 : i1
      %and3A_625 = arith.andi %ne3A_624, %ne3A_619 : i1
      %add3A_626 = arith.addi %rem3A_617, %select_n3A_616 : i32
      %select_n3A_627 = arith.select %and3A_625, %add3A_626, %rem3A_617 : i32
      %mul3A_628 = arith.constant 16 : i32
      %mul3A_629 = arith.muli %select_n3A_627, %mul3A_628 : i32
      %add3A_630 = arith.addi %add3A_611, %mul3A_629 : i32
      %dma_start3A_631 = arith.constant 0 : i32
      %dma_start3A_632 = tpu.memref_slice %arg4[%add3A_630, %dma_start3A_631] : memref<65536x768xf32, #tpu.memory_space<hbm>> -> memref<16x768xf32, #tpu.memory_space<hbm>>
      %dma_start3A_633 = arith.constant 0 : i32
      %dma_start3A_634 = tpu.memref_slice %arg4[%add3A_630, %dma_start3A_633] : memref<65536x768xf32, #tpu.memory_space<hbm>> -> memref<16x768xf32, #tpu.memory_space<hbm>>
      tpu.enqueue_dma source(%arg9 : memref<16x768xf32, #tpu.memory_space<vmem>>) target(%dma_start3A_634 : memref<16x768xf32, #tpu.memory_space<hbm>>) target_semaphore(%arg25 : memref<!tpu.dma_semaphore, #tpu.memory_space<semaphore_mem>>)
      %add3A_635 = arith.constant 1 : i32
      %add3A_636 = arith.addi %add3A_137, %add3A_635 : i32
      %add3A_637 = arith.constant 8 : i32
      %add3A_638 = arith.addi %add3A_636, %add3A_637 : i32
      %lt3A_639 = arith.constant 128 : i32
      %lt3A_640 = arith.cmpi slt, %add3A_638, %lt3A_639 : i32
      %convert_element_type3A_641 = arith.extui %lt3A_640 : i1 to i32
      %cond3A_642 = arith.constant 0 : i32
      %cond3A_643 = arith.cmpi ne, %convert_element_type3A_641, %cond3A_642 : i32
      scf.if %cond3A_643 {
        %jit3A_1198 = arith.constant 2 : i32
        %div3A_1199 = arith.divsi %add3A_636, %jit3A_1198 : i32
        %sign3A_1200 = arith.constant 0 : i32
        %sign3A_1201 = arith.cmpi sgt, %add3A_636, %sign3A_1200 : i32
        %sign3A_1202 = arith.extui %sign3A_1201 : i1 to i32
        %sign3A_1203 = arith.constant 0 : i32
        %sign3A_1204 = arith.cmpi slt, %add3A_636, %sign3A_1203 : i32
        %sign3A_1205 = arith.extui %sign3A_1204 : i1 to i32
        %sign3A_1206 = arith.subi %sign3A_1202, %sign3A_1205 : i32
        %sign3A_1207 = arith.constant 0 : i32
        %sign3A_1208 = arith.cmpi sgt, %jit3A_1198, %sign3A_1207 : i32
        %sign3A_1209 = arith.extui %sign3A_1208 : i1 to i32
        %sign3A_1210 = arith.constant 0 : i32
        %sign3A_1211 = arith.cmpi slt, %jit3A_1198, %sign3A_1210 : i32
        %sign3A_1212 = arith.extui %sign3A_1211 : i1 to i32
        %sign3A_1213 = arith.subi %sign3A_1209, %sign3A_1212 : i32
        %ne3A_1214 = arith.cmpi ne, %sign3A_1206, %sign3A_1213 : i32
        %rem3A_1215 = arith.remsi %add3A_636, %jit3A_1198 : i32
        %ne3A_1216 = arith.constant 0 : i32
        %ne3A_1217 = arith.cmpi ne, %rem3A_1215, %ne3A_1216 : i32
        %and3A_1218 = arith.andi %ne3A_1214, %ne3A_1217 : i1
        %sub3A_1219 = arith.constant 1 : i32
        %sub3A_1220 = arith.subi %div3A_1199, %sub3A_1219 : i32
        %select_n3A_1221 = arith.select %and3A_1218, %sub3A_1220, %div3A_1199 : i32
        %mul3A_1222 = arith.constant 1024 : i32
        %mul3A_1223 = arith.muli %select_n3A_1221, %mul3A_1222 : i32
        %add3A_1224 = arith.addi %mul3A_1223, %mul3A_2 : i32
        %jit3A_1225 = arith.constant 2 : i32
        %eq3A_1226 = arith.constant 0 : i32
        %eq3A_1227 = arith.cmpi eq, %jit3A_1225, %eq3A_1226 : i32
        %jit3A_1228 = arith.constant 1 : i32
        %select_n3A_1229 = arith.select %eq3A_1227, %jit3A_1228, %jit3A_1225 : i32
        %rem3A_1230 = arith.remsi %add3A_636, %select_n3A_1229 : i32
        %ne3A_1231 = arith.constant 0 : i32
        %ne3A_1232 = arith.cmpi ne, %rem3A_1230, %ne3A_1231 : i32
        %lt3A_1233 = arith.constant 0 : i32
        %lt3A_1234 = arith.cmpi slt, %rem3A_1230, %lt3A_1233 : i32
        %lt3A_1235 = arith.constant 0 : i32
        %lt3A_1236 = arith.cmpi slt, %select_n3A_1229, %lt3A_1235 : i32
        %ne3A_1237 = arith.xori %lt3A_1234, %lt3A_1236 : i1
        %and3A_1238 = arith.andi %ne3A_1237, %ne3A_1232 : i1
        %add3A_1239 = arith.addi %rem3A_1230, %select_n3A_1229 : i32
        %select_n3A_1240 = arith.select %and3A_1238, %add3A_1239, %rem3A_1230 : i32
        %mul3A_1241 = arith.constant 16 : i32
        %mul3A_1242 = arith.muli %select_n3A_1240, %mul3A_1241 : i32
        %add3A_1243 = arith.addi %add3A_1224, %mul3A_1242 : i32
        %dma_wait3A_1244 = arith.constant 0 : i32
        %dma_wait3A_1245 = tpu.memref_slice %arg4[%add3A_1243, %dma_wait3A_1244] : memref<65536x768xf32, #tpu.memory_space<hbm>> -> memref<16x768xf32, #tpu.memory_space<hbm>>
        %dma_wait3A_1246 = arith.constant 0 : i32
        %dma_wait3A_1247 = tpu.memref_slice %arg4[%add3A_1243, %dma_wait3A_1246] : memref<65536x768xf32, #tpu.memory_space<hbm>> -> memref<16x768xf32, #tpu.memory_space<hbm>>
        tpu.wait_dma2 semaphore(%arg23 : memref<!tpu.dma_semaphore, #tpu.memory_space<semaphore_mem>>) src(%arg7 : memref<16x768xf32, #tpu.memory_space<vmem>>) dst(%dma_wait3A_1247 : memref<16x768xf32, #tpu.memory_space<hbm>>)
        %add3A_1248 = arith.constant 8 : i32
        %add3A_1249 = arith.addi %add3A_636, %add3A_1248 : i32
        %jit3A_1250 = arith.constant 2 : i32
        %div3A_1251 = arith.divsi %add3A_1249, %jit3A_1250 : i32
        %sign3A_1252 = arith.constant 0 : i32
        %sign3A_1253 = arith.cmpi sgt, %add3A_1249, %sign3A_1252 : i32
        %sign3A_1254 = arith.extui %sign3A_1253 : i1 to i32
        %sign3A_1255 = arith.constant 0 : i32
        %sign3A_1256 = arith.cmpi slt, %add3A_1249, %sign3A_1255 : i32
        %sign3A_1257 = arith.extui %sign3A_1256 : i1 to i32
        %sign3A_1258 = arith.subi %sign3A_1254, %sign3A_1257 : i32
        %sign3A_1259 = arith.constant 0 : i32
        %sign3A_1260 = arith.cmpi sgt, %jit3A_1250, %sign3A_1259 : i32
        %sign3A_1261 = arith.extui %sign3A_1260 : i1 to i32
        %sign3A_1262 = arith.constant 0 : i32
        %sign3A_1263 = arith.cmpi slt, %jit3A_1250, %sign3A_1262 : i32
        %sign3A_1264 = arith.extui %sign3A_1263 : i1 to i32
        %sign3A_1265 = arith.subi %sign3A_1261, %sign3A_1264 : i32
        %ne3A_1266 = arith.cmpi ne, %sign3A_1258, %sign3A_1265 : i32
        %rem3A_1267 = arith.remsi %add3A_1249, %jit3A_1250 : i32
        %ne3A_1268 = arith.constant 0 : i32
        %ne3A_1269 = arith.cmpi ne, %rem3A_1267, %ne3A_1268 : i32
        %and3A_1270 = arith.andi %ne3A_1266, %ne3A_1269 : i1
        %sub3A_1271 = arith.constant 1 : i32
        %sub3A_1272 = arith.subi %div3A_1251, %sub3A_1271 : i32
        %select_n3A_1273 = arith.select %and3A_1270, %sub3A_1272, %div3A_1251 : i32
        %mul3A_1274 = arith.constant 1024 : i32
        %mul3A_1275 = arith.muli %select_n3A_1273, %mul3A_1274 : i32
        %add3A_1276 = arith.addi %mul3A_1275, %mul3A_2 : i32
        %jit3A_1277 = arith.constant 2 : i32
        %eq3A_1278 = arith.constant 0 : i32
        %eq3A_1279 = arith.cmpi eq, %jit3A_1277, %eq3A_1278 : i32
        %jit3A_1280 = arith.constant 1 : i32
        %select_n3A_1281 = arith.select %eq3A_1279, %jit3A_1280, %jit3A_1277 : i32
        %rem3A_1282 = arith.remsi %add3A_1249, %select_n3A_1281 : i32
        %ne3A_1283 = arith.constant 0 : i32
        %ne3A_1284 = arith.cmpi ne, %rem3A_1282, %ne3A_1283 : i32
        %lt3A_1285 = arith.constant 0 : i32
        %lt3A_1286 = arith.cmpi slt, %rem3A_1282, %lt3A_1285 : i32
        %lt3A_1287 = arith.constant 0 : i32
        %lt3A_1288 = arith.cmpi slt, %select_n3A_1281, %lt3A_1287 : i32
        %ne3A_1289 = arith.xori %lt3A_1286, %lt3A_1288 : i1
        %and3A_1290 = arith.andi %ne3A_1289, %ne3A_1284 : i1
        %add3A_1291 = arith.addi %rem3A_1282, %select_n3A_1281 : i32
        %select_n3A_1292 = arith.select %and3A_1290, %add3A_1291, %rem3A_1282 : i32
        %mul3A_1293 = arith.constant 16 : i32
        %mul3A_1294 = arith.muli %select_n3A_1292, %mul3A_1293 : i32
        %add3A_1295 = arith.addi %add3A_1276, %mul3A_1294 : i32
        %dma_start3A_1296 = arith.constant 0 : i32
        %dma_start3A_1297 = tpu.memref_slice %arg2[%add3A_1295, %dma_start3A_1296] : memref<65536x768xf32, #tpu.memory_space<hbm>> -> memref<16x768xf32, #tpu.memory_space<hbm>>
        %dma_start3A_1298 = arith.constant 0 : i32
        %dma_start3A_1299 = tpu.memref_slice %arg2[%add3A_1295, %dma_start3A_1298] : memref<65536x768xf32, #tpu.memory_space<hbm>> -> memref<16x768xf32, #tpu.memory_space<hbm>>
        tpu.enqueue_dma source(%dma_start3A_1299 : memref<16x768xf32, #tpu.memory_space<hbm>>) target(%arg7 : memref<16x768xf32, #tpu.memory_space<vmem>>) target_semaphore(%arg15 : memref<!tpu.dma_semaphore, #tpu.memory_space<semaphore_mem>>)
      } else {
      }
      %add3A_644 = arith.constant 4 : i32
      %add3A_645 = arith.addi %add3A_137, %add3A_644 : i32
      %jit3A_646 = arith.constant 2 : i32
      %div3A_647 = arith.divsi %add3A_645, %jit3A_646 : i32
      %sign3A_648 = arith.constant 0 : i32
      %sign3A_649 = arith.cmpi sgt, %add3A_645, %sign3A_648 : i32
      %sign3A_650 = arith.extui %sign3A_649 : i1 to i32
      %sign3A_651 = arith.constant 0 : i32
      %sign3A_652 = arith.cmpi slt, %add3A_645, %sign3A_651 : i32
      %sign3A_653 = arith.extui %sign3A_652 : i1 to i32
      %sign3A_654 = arith.subi %sign3A_650, %sign3A_653 : i32
      %sign3A_655 = arith.constant 0 : i32
      %sign3A_656 = arith.cmpi sgt, %jit3A_646, %sign3A_655 : i32
      %sign3A_657 = arith.extui %sign3A_656 : i1 to i32
      %sign3A_658 = arith.constant 0 : i32
      %sign3A_659 = arith.cmpi slt, %jit3A_646, %sign3A_658 : i32
      %sign3A_660 = arith.extui %sign3A_659 : i1 to i32
      %sign3A_661 = arith.subi %sign3A_657, %sign3A_660 : i32
      %ne3A_662 = arith.cmpi ne, %sign3A_654, %sign3A_661 : i32
      %rem3A_663 = arith.remsi %add3A_645, %jit3A_646 : i32
      %ne3A_664 = arith.constant 0 : i32
      %ne3A_665 = arith.cmpi ne, %rem3A_663, %ne3A_664 : i32
      %and3A_666 = arith.andi %ne3A_662, %ne3A_665 : i1
      %sub3A_667 = arith.constant 1 : i32
      %sub3A_668 = arith.subi %div3A_647, %sub3A_667 : i32
      %select_n3A_669 = arith.select %and3A_666, %sub3A_668, %div3A_647 : i32
      %mul3A_670 = arith.constant 1024 : i32
      %mul3A_671 = arith.muli %select_n3A_669, %mul3A_670 : i32
      %add3A_672 = arith.addi %mul3A_671, %mul3A_2 : i32
      %jit3A_673 = arith.constant 2 : i32
      %eq3A_674 = arith.constant 0 : i32
      %eq3A_675 = arith.cmpi eq, %jit3A_673, %eq3A_674 : i32
      %jit3A_676 = arith.constant 1 : i32
      %select_n3A_677 = arith.select %eq3A_675, %jit3A_676, %jit3A_673 : i32
      %rem3A_678 = arith.remsi %add3A_645, %select_n3A_677 : i32
      %ne3A_679 = arith.constant 0 : i32
      %ne3A_680 = arith.cmpi ne, %rem3A_678, %ne3A_679 : i32
      %lt3A_681 = arith.constant 0 : i32
      %lt3A_682 = arith.cmpi slt, %rem3A_678, %lt3A_681 : i32
      %lt3A_683 = arith.constant 0 : i32
      %lt3A_684 = arith.cmpi slt, %select_n3A_677, %lt3A_683 : i32
      %ne3A_685 = arith.xori %lt3A_682, %lt3A_684 : i1
      %and3A_686 = arith.andi %ne3A_685, %ne3A_680 : i1
      %add3A_687 = arith.addi %rem3A_678, %select_n3A_677 : i32
      %select_n3A_688 = arith.select %and3A_686, %add3A_687, %rem3A_678 : i32
      %mul3A_689 = arith.constant 16 : i32
      %mul3A_690 = arith.muli %select_n3A_688, %mul3A_689 : i32
      %add3A_691 = arith.addi %add3A_672, %mul3A_690 : i32
      %dma_wait3A_692 = arith.constant 0 : i32
      %dma_wait3A_693 = tpu.memref_slice %arg2[%add3A_691, %dma_wait3A_692] : memref<65536x768xf32, #tpu.memory_space<hbm>> -> memref<16x768xf32, #tpu.memory_space<hbm>>
      %dma_wait3A_694 = arith.constant 0 : i32
      %dma_wait3A_695 = tpu.memref_slice %arg2[%add3A_691, %dma_wait3A_694] : memref<65536x768xf32, #tpu.memory_space<hbm>> -> memref<16x768xf32, #tpu.memory_space<hbm>>
      tpu.wait_dma2 semaphore(%arg18 : memref<!tpu.dma_semaphore, #tpu.memory_space<semaphore_mem>>) src(%dma_wait3A_695 : memref<16x768xf32, #tpu.memory_space<hbm>>) dst(%arg10 : memref<16x768xf32, #tpu.memory_space<vmem>>)
      %jit3A_696 = arith.constant 2 : i32
      %eq3A_697 = arith.constant 0 : i32
      %eq3A_698 = arith.cmpi eq, %jit3A_696, %eq3A_697 : i32
      %jit3A_699 = arith.constant 1 : i32
      %select_n3A_700 = arith.select %eq3A_698, %jit3A_699, %jit3A_696 : i32
      %rem3A_701 = arith.remsi %add3A_645, %select_n3A_700 : i32
      %ne3A_702 = arith.constant 0 : i32
      %ne3A_703 = arith.cmpi ne, %rem3A_701, %ne3A_702 : i32
      %lt3A_704 = arith.constant 0 : i32
      %lt3A_705 = arith.cmpi slt, %rem3A_701, %lt3A_704 : i32
      %lt3A_706 = arith.constant 0 : i32
      %lt3A_707 = arith.cmpi slt, %select_n3A_700, %lt3A_706 : i32
      %ne3A_708 = arith.xori %lt3A_705, %lt3A_707 : i1
      %and3A_709 = arith.andi %ne3A_708, %ne3A_703 : i1
      %add3A_710 = arith.addi %rem3A_701, %select_n3A_700 : i32
      %select_n3A_711 = arith.select %and3A_709, %add3A_710, %rem3A_701 : i32
      %mul3A_712 = arith.constant 16 : i32
      %mul3A_713 = arith.muli %select_n3A_711, %mul3A_712 : i32
      %scan3A_714 = arith.constant 0 : i32
      %scan3A_715 = arith.constant 16 : i32
      %scan3A_716 = arith.addi %scan3A_714, %scan3A_715 : i32
      %scan3A_717 = arith.constant 1 : i32
      scf.for %scan3A_1198 = %scan3A_714 to %scan3A_716 step %scan3A_717  : i32 {
        %mul3A_1199 = arith.constant 1 : i32
        %mul3A_1200 = arith.muli %scan3A_1198, %mul3A_1199 : i32
        %add3A_1201 = arith.constant 0 : i32
        %add3A_1202 = arith.addi %add3A_1201, %mul3A_1200 : i32
        %parallel_loop3A = arith.constant 0 : i32
        %parallel_loop3A_1203 = arith.constant 768 : i32
        %parallel_loop3A_1204 = arith.constant 16 : i32
        scf.for %parallel_loop3A_1205 = %parallel_loop3A to %parallel_loop3A_1203 step %parallel_loop3A_1204  : i32 {
          %parallel_loop3A_1206 = arith.index_cast %add3A_1202 : i32 to index
          %parallel_loop3A_1207 = arith.index_cast %parallel_loop3A_1205 : i32 to index
          %parallel_loop3A_1208 = tpu.vector_load %arg10[%parallel_loop3A_1206, %parallel_loop3A_1207] {strides = array<i32>} : memref<16x768xf32, #tpu.memory_space<vmem>>, vector<1x16xf32>,
          %parallel_loop3A_1209 = vector.shape_cast %parallel_loop3A_1208 : vector<1x16xf32> to vector<16xf32>
          %parallel_loop3A_1210 = arith.addi %mul3A_713, %add3A_1202 : i32
          %parallel_loop3A_1211 = arith.index_cast %parallel_loop3A_1210 : i32 to index
          %parallel_loop3A_1212 = arith.index_cast %parallel_loop3A_1205 : i32 to index
          %parallel_loop3A_1213 = tpu.vector_load %arg5[%parallel_loop3A_1211, %parallel_loop3A_1212] {strides = array<i32>} : memref<32x768xf32, #tpu.memory_space<vmem>>, vector<1x16xf32>,
          %parallel_loop3A_1214 = vector.shape_cast %parallel_loop3A_1213 : vector<1x16xf32> to vector<16xf32>
          %parallel_loop3A_1215 = arith.addf %parallel_loop3A_1209, %parallel_loop3A_1214 : vector<16xf32>
          %parallel_loop3A_1216 = arith.index_cast %add3A_1202 : i32 to index
          %parallel_loop3A_1217 = arith.index_cast %parallel_loop3A_1205 : i32 to index
          %parallel_loop3A_1218 = tpu.vector_load %arg10[%parallel_loop3A_1216, %parallel_loop3A_1217] {strides = array<i32>} : memref<16x768xf32, #tpu.memory_space<vmem>>, vector<1x16xf32>,
          %parallel_loop3A_1219 = vector.shape_cast %parallel_loop3A_1218 : vector<1x16xf32> to vector<16xf32>
          %parallel_loop3A_1220 = vector.shape_cast %parallel_loop3A_1215 : vector<16xf32> to vector<1x16xf32>
          tpu.vector_store %arg10[%parallel_loop3A_1216, %parallel_loop3A_1217], %parallel_loop3A_1220 {strides = array<i32>} : memref<16x768xf32, #tpu.memory_space<vmem>>, vector<1x16xf32>,
        } {sc.loop_unroll_factor = 16 : i64, sc.parallel_access}
      }
      %scan3A_718 = arith.constant 16 : i32
      %jit3A_719 = arith.constant 2 : i32
      %div3A_720 = arith.divsi %add3A_645, %jit3A_719 : i32
      %sign3A_721 = arith.constant 0 : i32
      %sign3A_722 = arith.cmpi sgt, %add3A_645, %sign3A_721 : i32
      %sign3A_723 = arith.extui %sign3A_722 : i1 to i32
      %sign3A_724 = arith.constant 0 : i32
      %sign3A_725 = arith.cmpi slt, %add3A_645, %sign3A_724 : i32
      %sign3A_726 = arith.extui %sign3A_725 : i1 to i32
      %sign3A_727 = arith.subi %sign3A_723, %sign3A_726 : i32
      %sign3A_728 = arith.constant 0 : i32
      %sign3A_729 = arith.cmpi sgt, %jit3A_719, %sign3A_728 : i32
      %sign3A_730 = arith.extui %sign3A_729 : i1 to i32
      %sign3A_731 = arith.constant 0 : i32
      %sign3A_732 = arith.cmpi slt, %jit3A_719, %sign3A_731 : i32
      %sign3A_733 = arith.extui %sign3A_732 : i1 to i32
      %sign3A_734 = arith.subi %sign3A_730, %sign3A_733 : i32
      %ne3A_735 = arith.cmpi ne, %sign3A_727, %sign3A_734 : i32
      %rem3A_736 = arith.remsi %add3A_645, %jit3A_719 : i32
      %ne3A_737 = arith.constant 0 : i32
      %ne3A_738 = arith.cmpi ne, %rem3A_736, %ne3A_737 : i32
      %and3A_739 = arith.andi %ne3A_735, %ne3A_738 : i1
      %sub3A_740 = arith.constant 1 : i32
      %sub3A_741 = arith.subi %div3A_720, %sub3A_740 : i32
      %select_n3A_742 = arith.select %and3A_739, %sub3A_741, %div3A_720 : i32
      %mul3A_743 = arith.constant 1024 : i32
      %mul3A_744 = arith.muli %select_n3A_742, %mul3A_743 : i32
      %add3A_745 = arith.addi %mul3A_744, %mul3A_2 : i32
      %jit3A_746 = arith.constant 2 : i32
      %eq3A_747 = arith.constant 0 : i32
      %eq3A_748 = arith.cmpi eq, %jit3A_746, %eq3A_747 : i32
      %jit3A_749 = arith.constant 1 : i32
      %select_n3A_750 = arith.select %eq3A_748, %jit3A_749, %jit3A_746 : i32
      %rem3A_751 = arith.remsi %add3A_645, %select_n3A_750 : i32
      %ne3A_752 = arith.constant 0 : i32
      %ne3A_753 = arith.cmpi ne, %rem3A_751, %ne3A_752 : i32
      %lt3A_754 = arith.constant 0 : i32
      %lt3A_755 = arith.cmpi slt, %rem3A_751, %lt3A_754 : i32
      %lt3A_756 = arith.constant 0 : i32
      %lt3A_757 = arith.cmpi slt, %select_n3A_750, %lt3A_756 : i32
      %ne3A_758 = arith.xori %lt3A_755, %lt3A_757 : i1
      %and3A_759 = arith.andi %ne3A_758, %ne3A_753 : i1
      %add3A_760 = arith.addi %rem3A_751, %select_n3A_750 : i32
      %select_n3A_761 = arith.select %and3A_759, %add3A_760, %rem3A_751 : i32
      %mul3A_762 = arith.constant 16 : i32
      %mul3A_763 = arith.muli %select_n3A_761, %mul3A_762 : i32
      %add3A_764 = arith.addi %add3A_745, %mul3A_763 : i32
      %dma_start3A_765 = arith.constant 0 : i32
      %dma_start3A_766 = tpu.memref_slice %arg4[%add3A_764, %dma_start3A_765] : memref<65536x768xf32, #tpu.memory_space<hbm>> -> memref<16x768xf32, #tpu.memory_space<hbm>>
      %dma_start3A_767 = arith.constant 0 : i32
      %dma_start3A_768 = tpu.memref_slice %arg4[%add3A_764, %dma_start3A_767] : memref<65536x768xf32, #tpu.memory_space<hbm>> -> memref<16x768xf32, #tpu.memory_space<hbm>>
      tpu.enqueue_dma source(%arg10 : memref<16x768xf32, #tpu.memory_space<vmem>>) target(%dma_start3A_768 : memref<16x768xf32, #tpu.memory_space<hbm>>) target_semaphore(%arg26 : memref<!tpu.dma_semaphore, #tpu.memory_space<semaphore_mem>>)
      %add3A_769 = arith.constant 2 : i32
      %add3A_770 = arith.addi %add3A_137, %add3A_769 : i32
      %add3A_771 = arith.constant 8 : i32
      %add3A_772 = arith.addi %add3A_770, %add3A_771 : i32
      %lt3A_773 = arith.constant 128 : i32
      %lt3A_774 = arith.cmpi slt, %add3A_772, %lt3A_773 : i32
      %convert_element_type3A_775 = arith.extui %lt3A_774 : i1 to i32
      %cond3A_776 = arith.constant 0 : i32
      %cond3A_777 = arith.cmpi ne, %convert_element_type3A_775, %cond3A_776 : i32
      scf.if %cond3A_777 {
        %jit3A_1198 = arith.constant 2 : i32
        %div3A_1199 = arith.divsi %add3A_770, %jit3A_1198 : i32
        %sign3A_1200 = arith.constant 0 : i32
        %sign3A_1201 = arith.cmpi sgt, %add3A_770, %sign3A_1200 : i32
        %sign3A_1202 = arith.extui %sign3A_1201 : i1 to i32
        %sign3A_1203 = arith.constant 0 : i32
        %sign3A_1204 = arith.cmpi slt, %add3A_770, %sign3A_1203 : i32
        %sign3A_1205 = arith.extui %sign3A_1204 : i1 to i32
        %sign3A_1206 = arith.subi %sign3A_1202, %sign3A_1205 : i32
        %sign3A_1207 = arith.constant 0 : i32
        %sign3A_1208 = arith.cmpi sgt, %jit3A_1198, %sign3A_1207 : i32
        %sign3A_1209 = arith.extui %sign3A_1208 : i1 to i32
        %sign3A_1210 = arith.constant 0 : i32
        %sign3A_1211 = arith.cmpi slt, %jit3A_1198, %sign3A_1210 : i32
        %sign3A_1212 = arith.extui %sign3A_1211 : i1 to i32
        %sign3A_1213 = arith.subi %sign3A_1209, %sign3A_1212 : i32
        %ne3A_1214 = arith.cmpi ne, %sign3A_1206, %sign3A_1213 : i32
        %rem3A_1215 = arith.remsi %add3A_770, %jit3A_1198 : i32
        %ne3A_1216 = arith.constant 0 : i32
        %ne3A_1217 = arith.cmpi ne, %rem3A_1215, %ne3A_1216 : i32
        %and3A_1218 = arith.andi %ne3A_1214, %ne3A_1217 : i1
        %sub3A_1219 = arith.constant 1 : i32
        %sub3A_1220 = arith.subi %div3A_1199, %sub3A_1219 : i32
        %select_n3A_1221 = arith.select %and3A_1218, %sub3A_1220, %div3A_1199 : i32
        %mul3A_1222 = arith.constant 1024 : i32
        %mul3A_1223 = arith.muli %select_n3A_1221, %mul3A_1222 : i32
        %add3A_1224 = arith.addi %mul3A_1223, %mul3A_2 : i32
        %jit3A_1225 = arith.constant 2 : i32
        %eq3A_1226 = arith.constant 0 : i32
        %eq3A_1227 = arith.cmpi eq, %jit3A_1225, %eq3A_1226 : i32
        %jit3A_1228 = arith.constant 1 : i32
        %select_n3A_1229 = arith.select %eq3A_1227, %jit3A_1228, %jit3A_1225 : i32
        %rem3A_1230 = arith.remsi %add3A_770, %select_n3A_1229 : i32
        %ne3A_1231 = arith.constant 0 : i32
        %ne3A_1232 = arith.cmpi ne, %rem3A_1230, %ne3A_1231 : i32
        %lt3A_1233 = arith.constant 0 : i32
        %lt3A_1234 = arith.cmpi slt, %rem3A_1230, %lt3A_1233 : i32
        %lt3A_1235 = arith.constant 0 : i32
        %lt3A_1236 = arith.cmpi slt, %select_n3A_1229, %lt3A_1235 : i32
        %ne3A_1237 = arith.xori %lt3A_1234, %lt3A_1236 : i1
        %and3A_1238 = arith.andi %ne3A_1237, %ne3A_1232 : i1
        %add3A_1239 = arith.addi %rem3A_1230, %select_n3A_1229 : i32
        %select_n3A_1240 = arith.select %and3A_1238, %add3A_1239, %rem3A_1230 : i32
        %mul3A_1241 = arith.constant 16 : i32
        %mul3A_1242 = arith.muli %select_n3A_1240, %mul3A_1241 : i32
        %add3A_1243 = arith.addi %add3A_1224, %mul3A_1242 : i32
        %dma_wait3A_1244 = arith.constant 0 : i32
        %dma_wait3A_1245 = tpu.memref_slice %arg4[%add3A_1243, %dma_wait3A_1244] : memref<65536x768xf32, #tpu.memory_space<hbm>> -> memref<16x768xf32, #tpu.memory_space<hbm>>
        %dma_wait3A_1246 = arith.constant 0 : i32
        %dma_wait3A_1247 = tpu.memref_slice %arg4[%add3A_1243, %dma_wait3A_1246] : memref<65536x768xf32, #tpu.memory_space<hbm>> -> memref<16x768xf32, #tpu.memory_space<hbm>>
        tpu.wait_dma2 semaphore(%arg24 : memref<!tpu.dma_semaphore, #tpu.memory_space<semaphore_mem>>) src(%arg8 : memref<16x768xf32, #tpu.memory_space<vmem>>) dst(%dma_wait3A_1247 : memref<16x768xf32, #tpu.memory_space<hbm>>)
        %add3A_1248 = arith.constant 8 : i32
        %add3A_1249 = arith.addi %add3A_770, %add3A_1248 : i32
        %jit3A_1250 = arith.constant 2 : i32
        %div3A_1251 = arith.divsi %add3A_1249, %jit3A_1250 : i32
        %sign3A_1252 = arith.constant 0 : i32
        %sign3A_1253 = arith.cmpi sgt, %add3A_1249, %sign3A_1252 : i32
        %sign3A_1254 = arith.extui %sign3A_1253 : i1 to i32
        %sign3A_1255 = arith.constant 0 : i32
        %sign3A_1256 = arith.cmpi slt, %add3A_1249, %sign3A_1255 : i32
        %sign3A_1257 = arith.extui %sign3A_1256 : i1 to i32
        %sign3A_1258 = arith.subi %sign3A_1254, %sign3A_1257 : i32
        %sign3A_1259 = arith.constant 0 : i32
        %sign3A_1260 = arith.cmpi sgt, %jit3A_1250, %sign3A_1259 : i32
        %sign3A_1261 = arith.extui %sign3A_1260 : i1 to i32
        %sign3A_1262 = arith.constant 0 : i32
        %sign3A_1263 = arith.cmpi slt, %jit3A_1250, %sign3A_1262 : i32
        %sign3A_1264 = arith.extui %sign3A_1263 : i1 to i32
        %sign3A_1265 = arith.subi %sign3A_1261, %sign3A_1264 : i32
        %ne3A_1266 = arith.cmpi ne, %sign3A_1258, %sign3A_1265 : i32
        %rem3A_1267 = arith.remsi %add3A_1249, %jit3A_1250 : i32
        %ne3A_1268 = arith.constant 0 : i32
        %ne3A_1269 = arith.cmpi ne, %rem3A_1267, %ne3A_1268 : i32
        %and3A_1270 = arith.andi %ne3A_1266, %ne3A_1269 : i1
        %sub3A_1271 = arith.constant 1 : i32
        %sub3A_1272 = arith.subi %div3A_1251, %sub3A_1271 : i32
        %select_n3A_1273 = arith.select %and3A_1270, %sub3A_1272, %div3A_1251 : i32
        %mul3A_1274 = arith.constant 1024 : i32
        %mul3A_1275 = arith.muli %select_n3A_1273, %mul3A_1274 : i32
        %add3A_1276 = arith.addi %mul3A_1275, %mul3A_2 : i32
        %jit3A_1277 = arith.constant 2 : i32
        %eq3A_1278 = arith.constant 0 : i32
        %eq3A_1279 = arith.cmpi eq, %jit3A_1277, %eq3A_1278 : i32
        %jit3A_1280 = arith.constant 1 : i32
        %select_n3A_1281 = arith.select %eq3A_1279, %jit3A_1280, %jit3A_1277 : i32
        %rem3A_1282 = arith.remsi %add3A_1249, %select_n3A_1281 : i32
        %ne3A_1283 = arith.constant 0 : i32
        %ne3A_1284 = arith.cmpi ne, %rem3A_1282, %ne3A_1283 : i32
        %lt3A_1285 = arith.constant 0 : i32
        %lt3A_1286 = arith.cmpi slt, %rem3A_1282, %lt3A_1285 : i32
        %lt3A_1287 = arith.constant 0 : i32
        %lt3A_1288 = arith.cmpi slt, %select_n3A_1281, %lt3A_1287 : i32
        %ne3A_1289 = arith.xori %lt3A_1286, %lt3A_1288 : i1
        %and3A_1290 = arith.andi %ne3A_1289, %ne3A_1284 : i1
        %add3A_1291 = arith.addi %rem3A_1282, %select_n3A_1281 : i32
        %select_n3A_1292 = arith.select %and3A_1290, %add3A_1291, %rem3A_1282 : i32
        %mul3A_1293 = arith.constant 16 : i32
        %mul3A_1294 = arith.muli %select_n3A_1292, %mul3A_1293 : i32
        %add3A_1295 = arith.addi %add3A_1276, %mul3A_1294 : i32
        %dma_start3A_1296 = arith.constant 0 : i32
        %dma_start3A_1297 = tpu.memref_slice %arg2[%add3A_1295, %dma_start3A_1296] : memref<65536x768xf32, #tpu.memory_space<hbm>> -> memref<16x768xf32, #tpu.memory_space<hbm>>
        %dma_start3A_1298 = arith.constant 0 : i32
        %dma_start3A_1299 = tpu.memref_slice %arg2[%add3A_1295, %dma_start3A_1298] : memref<65536x768xf32, #tpu.memory_space<hbm>> -> memref<16x768xf32, #tpu.memory_space<hbm>>
        tpu.enqueue_dma source(%dma_start3A_1299 : memref<16x768xf32, #tpu.memory_space<hbm>>) target(%arg8 : memref<16x768xf32, #tpu.memory_space<vmem>>) target_semaphore(%arg16 : memref<!tpu.dma_semaphore, #tpu.memory_space<semaphore_mem>>)
      } else {
      }
      %add3A_778 = arith.constant 5 : i32
      %add3A_779 = arith.addi %add3A_137, %add3A_778 : i32
      %jit3A_780 = arith.constant 2 : i32
      %div3A_781 = arith.divsi %add3A_779, %jit3A_780 : i32
      %sign3A_782 = arith.constant 0 : i32
      %sign3A_783 = arith.cmpi sgt, %add3A_779, %sign3A_782 : i32
      %sign3A_784 = arith.extui %sign3A_783 : i1 to i32
      %sign3A_785 = arith.constant 0 : i32
      %sign3A_786 = arith.cmpi slt, %add3A_779, %sign3A_785 : i32
      %sign3A_787 = arith.extui %sign3A_786 : i1 to i32
      %sign3A_788 = arith.subi %sign3A_784, %sign3A_787 : i32
      %sign3A_789 = arith.constant 0 : i32
      %sign3A_790 = arith.cmpi sgt, %jit3A_780, %sign3A_789 : i32
      %sign3A_791 = arith.extui %sign3A_790 : i1 to i32
      %sign3A_792 = arith.constant 0 : i32
      %sign3A_793 = arith.cmpi slt, %jit3A_780, %sign3A_792 : i32
      %sign3A_794 = arith.extui %sign3A_793 : i1 to i32
      %sign3A_795 = arith.subi %sign3A_791, %sign3A_794 : i32
      %ne3A_796 = arith.cmpi ne, %sign3A_788, %sign3A_795 : i32
      %rem3A_797 = arith.remsi %add3A_779, %jit3A_780 : i32
      %ne3A_798 = arith.constant 0 : i32
      %ne3A_799 = arith.cmpi ne, %rem3A_797, %ne3A_798 : i32
      %and3A_800 = arith.andi %ne3A_796, %ne3A_799 : i1
      %sub3A_801 = arith.constant 1 : i32
      %sub3A_802 = arith.subi %div3A_781, %sub3A_801 : i32
      %select_n3A_803 = arith.select %and3A_800, %sub3A_802, %div3A_781 : i32
      %mul3A_804 = arith.constant 1024 : i32
      %mul3A_805 = arith.muli %select_n3A_803, %mul3A_804 : i32
      %add3A_806 = arith.addi %mul3A_805, %mul3A_2 : i32
      %jit3A_807 = arith.constant 2 : i32
      %eq3A_808 = arith.constant 0 : i32
      %eq3A_809 = arith.cmpi eq, %jit3A_807, %eq3A_808 : i32
      %jit3A_810 = arith.constant 1 : i32
      %select_n3A_811 = arith.select %eq3A_809, %jit3A_810, %jit3A_807 : i32
      %rem3A_812 = arith.remsi %add3A_779, %select_n3A_811 : i32
      %ne3A_813 = arith.constant 0 : i32
      %ne3A_814 = arith.cmpi ne, %rem3A_812, %ne3A_813 : i32
      %lt3A_815 = arith.constant 0 : i32
      %lt3A_816 = arith.cmpi slt, %rem3A_812, %lt3A_815 : i32
      %lt3A_817 = arith.constant 0 : i32
      %lt3A_818 = arith.cmpi slt, %select_n3A_811, %lt3A_817 : i32
      %ne3A_819 = arith.xori %lt3A_816, %lt3A_818 : i1
      %and3A_820 = arith.andi %ne3A_819, %ne3A_814 : i1
      %add3A_821 = arith.addi %rem3A_812, %select_n3A_811 : i32
      %select_n3A_822 = arith.select %and3A_820, %add3A_821, %rem3A_812 : i32
      %mul3A_823 = arith.constant 16 : i32
      %mul3A_824 = arith.muli %select_n3A_822, %mul3A_823 : i32
      %add3A_825 = arith.addi %add3A_806, %mul3A_824 : i32
      %dma_wait3A_826 = arith.constant 0 : i32
      %dma_wait3A_827 = tpu.memref_slice %arg2[%add3A_825, %dma_wait3A_826] : memref<65536x768xf32, #tpu.memory_space<hbm>> -> memref<16x768xf32, #tpu.memory_space<hbm>>
      %dma_wait3A_828 = arith.constant 0 : i32
      %dma_wait3A_829 = tpu.memref_slice %arg2[%add3A_825, %dma_wait3A_828] : memref<65536x768xf32, #tpu.memory_space<hbm>> -> memref<16x768xf32, #tpu.memory_space<hbm>>
      tpu.wait_dma2 semaphore(%arg19 : memref<!tpu.dma_semaphore, #tpu.memory_space<semaphore_mem>>) src(%dma_wait3A_829 : memref<16x768xf32, #tpu.memory_space<hbm>>) dst(%arg11 : memref<16x768xf32, #tpu.memory_space<vmem>>)
      %jit3A_830 = arith.constant 2 : i32
      %eq3A_831 = arith.constant 0 : i32
      %eq3A_832 = arith.cmpi eq, %jit3A_830, %eq3A_831 : i32
      %jit3A_833 = arith.constant 1 : i32
      %select_n3A_834 = arith.select %eq3A_832, %jit3A_833, %jit3A_830 : i32
      %rem3A_835 = arith.remsi %add3A_779, %select_n3A_834 : i32
      %ne3A_836 = arith.constant 0 : i32
      %ne3A_837 = arith.cmpi ne, %rem3A_835, %ne3A_836 : i32
      %lt3A_838 = arith.constant 0 : i32
      %lt3A_839 = arith.cmpi slt, %rem3A_835, %lt3A_838 : i32
      %lt3A_840 = arith.constant 0 : i32
      %lt3A_841 = arith.cmpi slt, %select_n3A_834, %lt3A_840 : i32
      %ne3A_842 = arith.xori %lt3A_839, %lt3A_841 : i1
      %and3A_843 = arith.andi %ne3A_842, %ne3A_837 : i1
      %add3A_844 = arith.addi %rem3A_835, %select_n3A_834 : i32
      %select_n3A_845 = arith.select %and3A_843, %add3A_844, %rem3A_835 : i32
      %mul3A_846 = arith.constant 16 : i32
      %mul3A_847 = arith.muli %select_n3A_845, %mul3A_846 : i32
      %scan3A_848 = arith.constant 0 : i32
      %scan3A_849 = arith.constant 16 : i32
      %scan3A_850 = arith.addi %scan3A_848, %scan3A_849 : i32
      %scan3A_851 = arith.constant 1 : i32
      scf.for %scan3A_1198 = %scan3A_848 to %scan3A_850 step %scan3A_851  : i32 {
        %mul3A_1199 = arith.constant 1 : i32
        %mul3A_1200 = arith.muli %scan3A_1198, %mul3A_1199 : i32
        %add3A_1201 = arith.constant 0 : i32
        %add3A_1202 = arith.addi %add3A_1201, %mul3A_1200 : i32
        %parallel_loop3A = arith.constant 0 : i32
        %parallel_loop3A_1203 = arith.constant 768 : i32
        %parallel_loop3A_1204 = arith.constant 16 : i32
        scf.for %parallel_loop3A_1205 = %parallel_loop3A to %parallel_loop3A_1203 step %parallel_loop3A_1204  : i32 {
          %parallel_loop3A_1206 = arith.index_cast %add3A_1202 : i32 to index
          %parallel_loop3A_1207 = arith.index_cast %parallel_loop3A_1205 : i32 to index
          %parallel_loop3A_1208 = tpu.vector_load %arg11[%parallel_loop3A_1206, %parallel_loop3A_1207] {strides = array<i32>} : memref<16x768xf32, #tpu.memory_space<vmem>>, vector<1x16xf32>,
          %parallel_loop3A_1209 = vector.shape_cast %parallel_loop3A_1208 : vector<1x16xf32> to vector<16xf32>
          %parallel_loop3A_1210 = arith.addi %mul3A_847, %add3A_1202 : i32
          %parallel_loop3A_1211 = arith.index_cast %parallel_loop3A_1210 : i32 to index
          %parallel_loop3A_1212 = arith.index_cast %parallel_loop3A_1205 : i32 to index
          %parallel_loop3A_1213 = tpu.vector_load %arg5[%parallel_loop3A_1211, %parallel_loop3A_1212] {strides = array<i32>} : memref<32x768xf32, #tpu.memory_space<vmem>>, vector<1x16xf32>,
          %parallel_loop3A_1214 = vector.shape_cast %parallel_loop3A_1213 : vector<1x16xf32> to vector<16xf32>
          %parallel_loop3A_1215 = arith.addf %parallel_loop3A_1209, %parallel_loop3A_1214 : vector<16xf32>
          %parallel_loop3A_1216 = arith.index_cast %add3A_1202 : i32 to index
          %parallel_loop3A_1217 = arith.index_cast %parallel_loop3A_1205 : i32 to index
          %parallel_loop3A_1218 = tpu.vector_load %arg11[%parallel_loop3A_1216, %parallel_loop3A_1217] {strides = array<i32>} : memref<16x768xf32, #tpu.memory_space<vmem>>, vector<1x16xf32>,
          %parallel_loop3A_1219 = vector.shape_cast %parallel_loop3A_1218 : vector<1x16xf32> to vector<16xf32>
          %parallel_loop3A_1220 = vector.shape_cast %parallel_loop3A_1215 : vector<16xf32> to vector<1x16xf32>
          tpu.vector_store %arg11[%parallel_loop3A_1216, %parallel_loop3A_1217], %parallel_loop3A_1220 {strides = array<i32>} : memref<16x768xf32, #tpu.memory_space<vmem>>, vector<1x16xf32>,
        } {sc.loop_unroll_factor = 16 : i64, sc.parallel_access}
      }
      %scan3A_852 = arith.constant 16 : i32
      %jit3A_853 = arith.constant 2 : i32
      %div3A_854 = arith.divsi %add3A_779, %jit3A_853 : i32
      %sign3A_855 = arith.constant 0 : i32
      %sign3A_856 = arith.cmpi sgt, %add3A_779, %sign3A_855 : i32
      %sign3A_857 = arith.extui %sign3A_856 : i1 to i32
      %sign3A_858 = arith.constant 0 : i32
      %sign3A_859 = arith.cmpi slt, %add3A_779, %sign3A_858 : i32
      %sign3A_860 = arith.extui %sign3A_859 : i1 to i32
      %sign3A_861 = arith.subi %sign3A_857, %sign3A_860 : i32
      %sign3A_862 = arith.constant 0 : i32
      %sign3A_863 = arith.cmpi sgt, %jit3A_853, %sign3A_862 : i32
      %sign3A_864 = arith.extui %sign3A_863 : i1 to i32
      %sign3A_865 = arith.constant 0 : i32
      %sign3A_866 = arith.cmpi slt, %jit3A_853, %sign3A_865 : i32
      %sign3A_867 = arith.extui %sign3A_866 : i1 to i32
      %sign3A_868 = arith.subi %sign3A_864, %sign3A_867 : i32
      %ne3A_869 = arith.cmpi ne, %sign3A_861, %sign3A_868 : i32
      %rem3A_870 = arith.remsi %add3A_779, %jit3A_853 : i32
      %ne3A_871 = arith.constant 0 : i32
      %ne3A_872 = arith.cmpi ne, %rem3A_870, %ne3A_871 : i32
      %and3A_873 = arith.andi %ne3A_869, %ne3A_872 : i1
      %sub3A_874 = arith.constant 1 : i32
      %sub3A_875 = arith.subi %div3A_854, %sub3A_874 : i32
      %select_n3A_876 = arith.select %and3A_873, %sub3A_875, %div3A_854 : i32
      %mul3A_877 = arith.constant 1024 : i32
      %mul3A_878 = arith.muli %select_n3A_876, %mul3A_877 : i32
      %add3A_879 = arith.addi %mul3A_878, %mul3A_2 : i32
      %jit3A_880 = arith.constant 2 : i32
      %eq3A_881 = arith.constant 0 : i32
      %eq3A_882 = arith.cmpi eq, %jit3A_880, %eq3A_881 : i32
      %jit3A_883 = arith.constant 1 : i32
      %select_n3A_884 = arith.select %eq3A_882, %jit3A_883, %jit3A_880 : i32
      %rem3A_885 = arith.remsi %add3A_779, %select_n3A_884 : i32
      %ne3A_886 = arith.constant 0 : i32
      %ne3A_887 = arith.cmpi ne, %rem3A_885, %ne3A_886 : i32
      %lt3A_888 = arith.constant 0 : i32
      %lt3A_889 = arith.cmpi slt, %rem3A_885, %lt3A_888 : i32
      %lt3A_890 = arith.constant 0 : i32
      %lt3A_891 = arith.cmpi slt, %select_n3A_884, %lt3A_890 : i32
      %ne3A_892 = arith.xori %lt3A_889, %lt3A_891 : i1
      %and3A_893 = arith.andi %ne3A_892, %ne3A_887 : i1
      %add3A_894 = arith.addi %rem3A_885, %select_n3A_884 : i32
      %select_n3A_895 = arith.select %and3A_893, %add3A_894, %rem3A_885 : i32
      %mul3A_896 = arith.constant 16 : i32
      %mul3A_897 = arith.muli %select_n3A_895, %mul3A_896 : i32
      %add3A_898 = arith.addi %add3A_879, %mul3A_897 : i32
      %dma_start3A_899 = arith.constant 0 : i32
      %dma_start3A_900 = tpu.memref_slice %arg4[%add3A_898, %dma_start3A_899] : memref<65536x768xf32, #tpu.memory_space<hbm>> -> memref<16x768xf32, #tpu.memory_space<hbm>>
      %dma_start3A_901 = arith.constant 0 : i32
      %dma_start3A_902 = tpu.memref_slice %arg4[%add3A_898, %dma_start3A_901] : memref<65536x768xf32, #tpu.memory_space<hbm>> -> memref<16x768xf32, #tpu.memory_space<hbm>>
      tpu.enqueue_dma source(%arg11 : memref<16x768xf32, #tpu.memory_space<vmem>>) target(%dma_start3A_902 : memref<16x768xf32, #tpu.memory_space<hbm>>) target_semaphore(%arg27 : memref<!tpu.dma_semaphore, #tpu.memory_space<semaphore_mem>>)
      %add3A_903 = arith.constant 3 : i32
      %add3A_904 = arith.addi %add3A_137, %add3A_903 : i32
      %add3A_905 = arith.constant 8 : i32
      %add3A_906 = arith.addi %add3A_904, %add3A_905 : i32
      %lt3A_907 = arith.constant 128 : i32
      %lt3A_908 = arith.cmpi slt, %add3A_906, %lt3A_907 : i32
      %convert_element_type3A_909 = arith.extui %lt3A_908 : i1 to i32
      %cond3A_910 = arith.constant 0 : i32
      %cond3A_911 = arith.cmpi ne, %convert_element_type3A_909, %cond3A_910 : i32
      scf.if %cond3A_911 {
        %jit3A_1198 = arith.constant 2 : i32
        %div3A_1199 = arith.divsi %add3A_904, %jit3A_1198 : i32
        %sign3A_1200 = arith.constant 0 : i32
        %sign3A_1201 = arith.cmpi sgt, %add3A_904, %sign3A_1200 : i32
        %sign3A_1202 = arith.extui %sign3A_1201 : i1 to i32
        %sign3A_1203 = arith.constant 0 : i32
        %sign3A_1204 = arith.cmpi slt, %add3A_904, %sign3A_1203 : i32
        %sign3A_1205 = arith.extui %sign3A_1204 : i1 to i32
        %sign3A_1206 = arith.subi %sign3A_1202, %sign3A_1205 : i32
        %sign3A_1207 = arith.constant 0 : i32
        %sign3A_1208 = arith.cmpi sgt, %jit3A_1198, %sign3A_1207 : i32
        %sign3A_1209 = arith.extui %sign3A_1208 : i1 to i32
        %sign3A_1210 = arith.constant 0 : i32
        %sign3A_1211 = arith.cmpi slt, %jit3A_1198, %sign3A_1210 : i32
        %sign3A_1212 = arith.extui %sign3A_1211 : i1 to i32
        %sign3A_1213 = arith.subi %sign3A_1209, %sign3A_1212 : i32
        %ne3A_1214 = arith.cmpi ne, %sign3A_1206, %sign3A_1213 : i32
        %rem3A_1215 = arith.remsi %add3A_904, %jit3A_1198 : i32
        %ne3A_1216 = arith.constant 0 : i32
        %ne3A_1217 = arith.cmpi ne, %rem3A_1215, %ne3A_1216 : i32
        %and3A_1218 = arith.andi %ne3A_1214, %ne3A_1217 : i1
        %sub3A_1219 = arith.constant 1 : i32
        %sub3A_1220 = arith.subi %div3A_1199, %sub3A_1219 : i32
        %select_n3A_1221 = arith.select %and3A_1218, %sub3A_1220, %div3A_1199 : i32
        %mul3A_1222 = arith.constant 1024 : i32
        %mul3A_1223 = arith.muli %select_n3A_1221, %mul3A_1222 : i32
        %add3A_1224 = arith.addi %mul3A_1223, %mul3A_2 : i32
        %jit3A_1225 = arith.constant 2 : i32
        %eq3A_1226 = arith.constant 0 : i32
        %eq3A_1227 = arith.cmpi eq, %jit3A_1225, %eq3A_1226 : i32
        %jit3A_1228 = arith.constant 1 : i32
        %select_n3A_1229 = arith.select %eq3A_1227, %jit3A_1228, %jit3A_1225 : i32
        %rem3A_1230 = arith.remsi %add3A_904, %select_n3A_1229 : i32
        %ne3A_1231 = arith.constant 0 : i32
        %ne3A_1232 = arith.cmpi ne, %rem3A_1230, %ne3A_1231 : i32
        %lt3A_1233 = arith.constant 0 : i32
        %lt3A_1234 = arith.cmpi slt, %rem3A_1230, %lt3A_1233 : i32
        %lt3A_1235 = arith.constant 0 : i32
        %lt3A_1236 = arith.cmpi slt, %select_n3A_1229, %lt3A_1235 : i32
        %ne3A_1237 = arith.xori %lt3A_1234, %lt3A_1236 : i1
        %and3A_1238 = arith.andi %ne3A_1237, %ne3A_1232 : i1
        %add3A_1239 = arith.addi %rem3A_1230, %select_n3A_1229 : i32
        %select_n3A_1240 = arith.select %and3A_1238, %add3A_1239, %rem3A_1230 : i32
        %mul3A_1241 = arith.constant 16 : i32
        %mul3A_1242 = arith.muli %select_n3A_1240, %mul3A_1241 : i32
        %add3A_1243 = arith.addi %add3A_1224, %mul3A_1242 : i32
        %dma_wait3A_1244 = arith.constant 0 : i32
        %dma_wait3A_1245 = tpu.memref_slice %arg4[%add3A_1243, %dma_wait3A_1244] : memref<65536x768xf32, #tpu.memory_space<hbm>> -> memref<16x768xf32, #tpu.memory_space<hbm>>
        %dma_wait3A_1246 = arith.constant 0 : i32
        %dma_wait3A_1247 = tpu.memref_slice %arg4[%add3A_1243, %dma_wait3A_1246] : memref<65536x768xf32, #tpu.memory_space<hbm>> -> memref<16x768xf32, #tpu.memory_space<hbm>>
        tpu.wait_dma2 semaphore(%arg25 : memref<!tpu.dma_semaphore, #tpu.memory_space<semaphore_mem>>) src(%arg9 : memref<16x768xf32, #tpu.memory_space<vmem>>) dst(%dma_wait3A_1247 : memref<16x768xf32, #tpu.memory_space<hbm>>)
        %add3A_1248 = arith.constant 8 : i32
        %add3A_1249 = arith.addi %add3A_904, %add3A_1248 : i32
        %jit3A_1250 = arith.constant 2 : i32
        %div3A_1251 = arith.divsi %add3A_1249, %jit3A_1250 : i32
        %sign3A_1252 = arith.constant 0 : i32
        %sign3A_1253 = arith.cmpi sgt, %add3A_1249, %sign3A_1252 : i32
        %sign3A_1254 = arith.extui %sign3A_1253 : i1 to i32
        %sign3A_1255 = arith.constant 0 : i32
        %sign3A_1256 = arith.cmpi slt, %add3A_1249, %sign3A_1255 : i32
        %sign3A_1257 = arith.extui %sign3A_1256 : i1 to i32
        %sign3A_1258 = arith.subi %sign3A_1254, %sign3A_1257 : i32
        %sign3A_1259 = arith.constant 0 : i32
        %sign3A_1260 = arith.cmpi sgt, %jit3A_1250, %sign3A_1259 : i32
        %sign3A_1261 = arith.extui %sign3A_1260 : i1 to i32
        %sign3A_1262 = arith.constant 0 : i32
        %sign3A_1263 = arith.cmpi slt, %jit3A_1250, %sign3A_1262 : i32
        %sign3A_1264 = arith.extui %sign3A_1263 : i1 to i32
        %sign3A_1265 = arith.subi %sign3A_1261, %sign3A_1264 : i32
        %ne3A_1266 = arith.cmpi ne, %sign3A_1258, %sign3A_1265 : i32
        %rem3A_1267 = arith.remsi %add3A_1249, %jit3A_1250 : i32
        %ne3A_1268 = arith.constant 0 : i32
        %ne3A_1269 = arith.cmpi ne, %rem3A_1267, %ne3A_1268 : i32
        %and3A_1270 = arith.andi %ne3A_1266, %ne3A_1269 : i1
        %sub3A_1271 = arith.constant 1 : i32
        %sub3A_1272 = arith.subi %div3A_1251, %sub3A_1271 : i32
        %select_n3A_1273 = arith.select %and3A_1270, %sub3A_1272, %div3A_1251 : i32
        %mul3A_1274 = arith.constant 1024 : i32
        %mul3A_1275 = arith.muli %select_n3A_1273, %mul3A_1274 : i32
        %add3A_1276 = arith.addi %mul3A_1275, %mul3A_2 : i32
        %jit3A_1277 = arith.constant 2 : i32
        %eq3A_1278 = arith.constant 0 : i32
        %eq3A_1279 = arith.cmpi eq, %jit3A_1277, %eq3A_1278 : i32
        %jit3A_1280 = arith.constant 1 : i32
        %select_n3A_1281 = arith.select %eq3A_1279, %jit3A_1280, %jit3A_1277 : i32
        %rem3A_1282 = arith.remsi %add3A_1249, %select_n3A_1281 : i32
        %ne3A_1283 = arith.constant 0 : i32
        %ne3A_1284 = arith.cmpi ne, %rem3A_1282, %ne3A_1283 : i32
        %lt3A_1285 = arith.constant 0 : i32
        %lt3A_1286 = arith.cmpi slt, %rem3A_1282, %lt3A_1285 : i32
        %lt3A_1287 = arith.constant 0 : i32
        %lt3A_1288 = arith.cmpi slt, %select_n3A_1281, %lt3A_1287 : i32
        %ne3A_1289 = arith.xori %lt3A_1286, %lt3A_1288 : i1
        %and3A_1290 = arith.andi %ne3A_1289, %ne3A_1284 : i1
        %add3A_1291 = arith.addi %rem3A_1282, %select_n3A_1281 : i32
        %select_n3A_1292 = arith.select %and3A_1290, %add3A_1291, %rem3A_1282 : i32
        %mul3A_1293 = arith.constant 16 : i32
        %mul3A_1294 = arith.muli %select_n3A_1292, %mul3A_1293 : i32
        %add3A_1295 = arith.addi %add3A_1276, %mul3A_1294 : i32
        %dma_start3A_1296 = arith.constant 0 : i32
        %dma_start3A_1297 = tpu.memref_slice %arg2[%add3A_1295, %dma_start3A_1296] : memref<65536x768xf32, #tpu.memory_space<hbm>> -> memref<16x768xf32, #tpu.memory_space<hbm>>
        %dma_start3A_1298 = arith.constant 0 : i32
        %dma_start3A_1299 = tpu.memref_slice %arg2[%add3A_1295, %dma_start3A_1298] : memref<65536x768xf32, #tpu.memory_space<hbm>> -> memref<16x768xf32, #tpu.memory_space<hbm>>
        tpu.enqueue_dma source(%dma_start3A_1299 : memref<16x768xf32, #tpu.memory_space<hbm>>) target(%arg9 : memref<16x768xf32, #tpu.memory_space<vmem>>) target_semaphore(%arg17 : memref<!tpu.dma_semaphore, #tpu.memory_space<semaphore_mem>>)
      } else {
      }
      %add3A_912 = arith.constant 6 : i32
      %add3A_913 = arith.addi %add3A_137, %add3A_912 : i32
      %jit3A_914 = arith.constant 2 : i32
      %div3A_915 = arith.divsi %add3A_913, %jit3A_914 : i32
      %sign3A_916 = arith.constant 0 : i32
      %sign3A_917 = arith.cmpi sgt, %add3A_913, %sign3A_916 : i32
      %sign3A_918 = arith.extui %sign3A_917 : i1 to i32
      %sign3A_919 = arith.constant 0 : i32
      %sign3A_920 = arith.cmpi slt, %add3A_913, %sign3A_919 : i32
      %sign3A_921 = arith.extui %sign3A_920 : i1 to i32
      %sign3A_922 = arith.subi %sign3A_918, %sign3A_921 : i32
      %sign3A_923 = arith.constant 0 : i32
      %sign3A_924 = arith.cmpi sgt, %jit3A_914, %sign3A_923 : i32
      %sign3A_925 = arith.extui %sign3A_924 : i1 to i32
      %sign3A_926 = arith.constant 0 : i32
      %sign3A_927 = arith.cmpi slt, %jit3A_914, %sign3A_926 : i32
      %sign3A_928 = arith.extui %sign3A_927 : i1 to i32
      %sign3A_929 = arith.subi %sign3A_925, %sign3A_928 : i32
      %ne3A_930 = arith.cmpi ne, %sign3A_922, %sign3A_929 : i32
      %rem3A_931 = arith.remsi %add3A_913, %jit3A_914 : i32
      %ne3A_932 = arith.constant 0 : i32
      %ne3A_933 = arith.cmpi ne, %rem3A_931, %ne3A_932 : i32
      %and3A_934 = arith.andi %ne3A_930, %ne3A_933 : i1
      %sub3A_935 = arith.constant 1 : i32
      %sub3A_936 = arith.subi %div3A_915, %sub3A_935 : i32
      %select_n3A_937 = arith.select %and3A_934, %sub3A_936, %div3A_915 : i32
      %mul3A_938 = arith.constant 1024 : i32
      %mul3A_939 = arith.muli %select_n3A_937, %mul3A_938 : i32
      %add3A_940 = arith.addi %mul3A_939, %mul3A_2 : i32
      %jit3A_941 = arith.constant 2 : i32
      %eq3A_942 = arith.constant 0 : i32
      %eq3A_943 = arith.cmpi eq, %jit3A_941, %eq3A_942 : i32
      %jit3A_944 = arith.constant 1 : i32
      %select_n3A_945 = arith.select %eq3A_943, %jit3A_944, %jit3A_941 : i32
      %rem3A_946 = arith.remsi %add3A_913, %select_n3A_945 : i32
      %ne3A_947 = arith.constant 0 : i32
      %ne3A_948 = arith.cmpi ne, %rem3A_946, %ne3A_947 : i32
      %lt3A_949 = arith.constant 0 : i32
      %lt3A_950 = arith.cmpi slt, %rem3A_946, %lt3A_949 : i32
      %lt3A_951 = arith.constant 0 : i32
      %lt3A_952 = arith.cmpi slt, %select_n3A_945, %lt3A_951 : i32
      %ne3A_953 = arith.xori %lt3A_950, %lt3A_952 : i1
      %and3A_954 = arith.andi %ne3A_953, %ne3A_948 : i1
      %add3A_955 = arith.addi %rem3A_946, %select_n3A_945 : i32
      %select_n3A_956 = arith.select %and3A_954, %add3A_955, %rem3A_946 : i32
      %mul3A_957 = arith.constant 16 : i32
      %mul3A_958 = arith.muli %select_n3A_956, %mul3A_957 : i32
      %add3A_959 = arith.addi %add3A_940, %mul3A_958 : i32
      %dma_wait3A_960 = arith.constant 0 : i32
      %dma_wait3A_961 = tpu.memref_slice %arg2[%add3A_959, %dma_wait3A_960] : memref<65536x768xf32, #tpu.memory_space<hbm>> -> memref<16x768xf32, #tpu.memory_space<hbm>>
      %dma_wait3A_962 = arith.constant 0 : i32
      %dma_wait3A_963 = tpu.memref_slice %arg2[%add3A_959, %dma_wait3A_962] : memref<65536x768xf32, #tpu.memory_space<hbm>> -> memref<16x768xf32, #tpu.memory_space<hbm>>
      tpu.wait_dma2 semaphore(%arg20 : memref<!tpu.dma_semaphore, #tpu.memory_space<semaphore_mem>>) src(%dma_wait3A_963 : memref<16x768xf32, #tpu.memory_space<hbm>>) dst(%arg12 : memref<16x768xf32, #tpu.memory_space<vmem>>)
      %jit3A_964 = arith.constant 2 : i32
      %eq3A_965 = arith.constant 0 : i32
      %eq3A_966 = arith.cmpi eq, %jit3A_964, %eq3A_965 : i32
      %jit3A_967 = arith.constant 1 : i32
      %select_n3A_968 = arith.select %eq3A_966, %jit3A_967, %jit3A_964 : i32
      %rem3A_969 = arith.remsi %add3A_913, %select_n3A_968 : i32
      %ne3A_970 = arith.constant 0 : i32
      %ne3A_971 = arith.cmpi ne, %rem3A_969, %ne3A_970 : i32
      %lt3A_972 = arith.constant 0 : i32
      %lt3A_973 = arith.cmpi slt, %rem3A_969, %lt3A_972 : i32
      %lt3A_974 = arith.constant 0 : i32
      %lt3A_975 = arith.cmpi slt, %select_n3A_968, %lt3A_974 : i32
      %ne3A_976 = arith.xori %lt3A_973, %lt3A_975 : i1
      %and3A_977 = arith.andi %ne3A_976, %ne3A_971 : i1
      %add3A_978 = arith.addi %rem3A_969, %select_n3A_968 : i32
      %select_n3A_979 = arith.select %and3A_977, %add3A_978, %rem3A_969 : i32
      %mul3A_980 = arith.constant 16 : i32
      %mul3A_981 = arith.muli %select_n3A_979, %mul3A_980 : i32
      %scan3A_982 = arith.constant 0 : i32
      %scan3A_983 = arith.constant 16 : i32
      %scan3A_984 = arith.addi %scan3A_982, %scan3A_983 : i32
      %scan3A_985 = arith.constant 1 : i32
      scf.for %scan3A_1198 = %scan3A_982 to %scan3A_984 step %scan3A_985  : i32 {
        %mul3A_1199 = arith.constant 1 : i32
        %mul3A_1200 = arith.muli %scan3A_1198, %mul3A_1199 : i32
        %add3A_1201 = arith.constant 0 : i32
        %add3A_1202 = arith.addi %add3A_1201, %mul3A_1200 : i32
        %parallel_loop3A = arith.constant 0 : i32
        %parallel_loop3A_1203 = arith.constant 768 : i32
        %parallel_loop3A_1204 = arith.constant 16 : i32
        scf.for %parallel_loop3A_1205 = %parallel_loop3A to %parallel_loop3A_1203 step %parallel_loop3A_1204  : i32 {
          %parallel_loop3A_1206 = arith.index_cast %add3A_1202 : i32 to index
          %parallel_loop3A_1207 = arith.index_cast %parallel_loop3A_1205 : i32 to index
          %parallel_loop3A_1208 = tpu.vector_load %arg12[%parallel_loop3A_1206, %parallel_loop3A_1207] {strides = array<i32>} : memref<16x768xf32, #tpu.memory_space<vmem>>, vector<1x16xf32>,
          %parallel_loop3A_1209 = vector.shape_cast %parallel_loop3A_1208 : vector<1x16xf32> to vector<16xf32>
          %parallel_loop3A_1210 = arith.addi %mul3A_981, %add3A_1202 : i32
          %parallel_loop3A_1211 = arith.index_cast %parallel_loop3A_1210 : i32 to index
          %parallel_loop3A_1212 = arith.index_cast %parallel_loop3A_1205 : i32 to index
          %parallel_loop3A_1213 = tpu.vector_load %arg5[%parallel_loop3A_1211, %parallel_loop3A_1212] {strides = array<i32>} : memref<32x768xf32, #tpu.memory_space<vmem>>, vector<1x16xf32>,
          %parallel_loop3A_1214 = vector.shape_cast %parallel_loop3A_1213 : vector<1x16xf32> to vector<16xf32>
          %parallel_loop3A_1215 = arith.addf %parallel_loop3A_1209, %parallel_loop3A_1214 : vector<16xf32>
          %parallel_loop3A_1216 = arith.index_cast %add3A_1202 : i32 to index
          %parallel_loop3A_1217 = arith.index_cast %parallel_loop3A_1205 : i32 to index
          %parallel_loop3A_1218 = tpu.vector_load %arg12[%parallel_loop3A_1216, %parallel_loop3A_1217] {strides = array<i32>} : memref<16x768xf32, #tpu.memory_space<vmem>>, vector<1x16xf32>,
          %parallel_loop3A_1219 = vector.shape_cast %parallel_loop3A_1218 : vector<1x16xf32> to vector<16xf32>
          %parallel_loop3A_1220 = vector.shape_cast %parallel_loop3A_1215 : vector<16xf32> to vector<1x16xf32>
          tpu.vector_store %arg12[%parallel_loop3A_1216, %parallel_loop3A_1217], %parallel_loop3A_1220 {strides = array<i32>} : memref<16x768xf32, #tpu.memory_space<vmem>>, vector<1x16xf32>,
        } {sc.loop_unroll_factor = 16 : i64, sc.parallel_access}
      }
      %scan3A_986 = arith.constant 16 : i32
      %jit3A_987 = arith.constant 2 : i32
      %div3A_988 = arith.divsi %add3A_913, %jit3A_987 : i32
      %sign3A_989 = arith.constant 0 : i32
      %sign3A_990 = arith.cmpi sgt, %add3A_913, %sign3A_989 : i32
      %sign3A_991 = arith.extui %sign3A_990 : i1 to i32
      %sign3A_992 = arith.constant 0 : i32
      %sign3A_993 = arith.cmpi slt, %add3A_913, %sign3A_992 : i32
      %sign3A_994 = arith.extui %sign3A_993 : i1 to i32
      %sign3A_995 = arith.subi %sign3A_991, %sign3A_994 : i32
      %sign3A_996 = arith.constant 0 : i32
      %sign3A_997 = arith.cmpi sgt, %jit3A_987, %sign3A_996 : i32
      %sign3A_998 = arith.extui %sign3A_997 : i1 to i32
      %sign3A_999 = arith.constant 0 : i32
      %sign3A_1000 = arith.cmpi slt, %jit3A_987, %sign3A_999 : i32
      %sign3A_1001 = arith.extui %sign3A_1000 : i1 to i32
      %sign3A_1002 = arith.subi %sign3A_998, %sign3A_1001 : i32
      %ne3A_1003 = arith.cmpi ne, %sign3A_995, %sign3A_1002 : i32
      %rem3A_1004 = arith.remsi %add3A_913, %jit3A_987 : i32
      %ne3A_1005 = arith.constant 0 : i32
      %ne3A_1006 = arith.cmpi ne, %rem3A_1004, %ne3A_1005 : i32
      %and3A_1007 = arith.andi %ne3A_1003, %ne3A_1006 : i1
      %sub3A_1008 = arith.constant 1 : i32
      %sub3A_1009 = arith.subi %div3A_988, %sub3A_1008 : i32
      %select_n3A_1010 = arith.select %and3A_1007, %sub3A_1009, %div3A_988 : i32
      %mul3A_1011 = arith.constant 1024 : i32
      %mul3A_1012 = arith.muli %select_n3A_1010, %mul3A_1011 : i32
      %add3A_1013 = arith.addi %mul3A_1012, %mul3A_2 : i32
      %jit3A_1014 = arith.constant 2 : i32
      %eq3A_1015 = arith.constant 0 : i32
      %eq3A_1016 = arith.cmpi eq, %jit3A_1014, %eq3A_1015 : i32
      %jit3A_1017 = arith.constant 1 : i32
      %select_n3A_1018 = arith.select %eq3A_1016, %jit3A_1017, %jit3A_1014 : i32
      %rem3A_1019 = arith.remsi %add3A_913, %select_n3A_1018 : i32
      %ne3A_1020 = arith.constant 0 : i32
      %ne3A_1021 = arith.cmpi ne, %rem3A_1019, %ne3A_1020 : i32
      %lt3A_1022 = arith.constant 0 : i32
      %lt3A_1023 = arith.cmpi slt, %rem3A_1019, %lt3A_1022 : i32
      %lt3A_1024 = arith.constant 0 : i32
      %lt3A_1025 = arith.cmpi slt, %select_n3A_1018, %lt3A_1024 : i32
      %ne3A_1026 = arith.xori %lt3A_1023, %lt3A_1025 : i1
      %and3A_1027 = arith.andi %ne3A_1026, %ne3A_1021 : i1
      %add3A_1028 = arith.addi %rem3A_1019, %select_n3A_1018 : i32
      %select_n3A_1029 = arith.select %and3A_1027, %add3A_1028, %rem3A_1019 : i32
      %mul3A_1030 = arith.constant 16 : i32
      %mul3A_1031 = arith.muli %select_n3A_1029, %mul3A_1030 : i32
      %add3A_1032 = arith.addi %add3A_1013, %mul3A_1031 : i32
      %dma_start3A_1033 = arith.constant 0 : i32
      %dma_start3A_1034 = tpu.memref_slice %arg4[%add3A_1032, %dma_start3A_1033] : memref<65536x768xf32, #tpu.memory_space<hbm>> -> memref<16x768xf32, #tpu.memory_space<hbm>>
      %dma_start3A_1035 = arith.constant 0 : i32
      %dma_start3A_1036 = tpu.memref_slice %arg4[%add3A_1032, %dma_start3A_1035] : memref<65536x768xf32, #tpu.memory_space<hbm>> -> memref<16x768xf32, #tpu.memory_space<hbm>>
      tpu.enqueue_dma source(%arg12 : memref<16x768xf32, #tpu.memory_space<vmem>>) target(%dma_start3A_1036 : memref<16x768xf32, #tpu.memory_space<hbm>>) target_semaphore(%arg28 : memref<!tpu.dma_semaphore, #tpu.memory_space<semaphore_mem>>)
      %add3A_1037 = arith.constant 4 : i32
      %add3A_1038 = arith.addi %add3A_137, %add3A_1037 : i32
      %add3A_1039 = arith.constant 8 : i32
      %add3A_1040 = arith.addi %add3A_1038, %add3A_1039 : i32
      %lt3A_1041 = arith.constant 128 : i32
      %lt3A_1042 = arith.cmpi slt, %add3A_1040, %lt3A_1041 : i32
      %convert_element_type3A_1043 = arith.extui %lt3A_1042 : i1 to i32
      %cond3A_1044 = arith.constant 0 : i32
      %cond3A_1045 = arith.cmpi ne, %convert_element_type3A_1043, %cond3A_1044 : i32
      scf.if %cond3A_1045 {
        %jit3A_1198 = arith.constant 2 : i32
        %div3A_1199 = arith.divsi %add3A_1038, %jit3A_1198 : i32
        %sign3A_1200 = arith.constant 0 : i32
        %sign3A_1201 = arith.cmpi sgt, %add3A_1038, %sign3A_1200 : i32
        %sign3A_1202 = arith.extui %sign3A_1201 : i1 to i32
        %sign3A_1203 = arith.constant 0 : i32
        %sign3A_1204 = arith.cmpi slt, %add3A_1038, %sign3A_1203 : i32
        %sign3A_1205 = arith.extui %sign3A_1204 : i1 to i32
        %sign3A_1206 = arith.subi %sign3A_1202, %sign3A_1205 : i32
        %sign3A_1207 = arith.constant 0 : i32
        %sign3A_1208 = arith.cmpi sgt, %jit3A_1198, %sign3A_1207 : i32
        %sign3A_1209 = arith.extui %sign3A_1208 : i1 to i32
        %sign3A_1210 = arith.constant 0 : i32
        %sign3A_1211 = arith.cmpi slt, %jit3A_1198, %sign3A_1210 : i32
        %sign3A_1212 = arith.extui %sign3A_1211 : i1 to i32
        %sign3A_1213 = arith.subi %sign3A_1209, %sign3A_1212 : i32
        %ne3A_1214 = arith.cmpi ne, %sign3A_1206, %sign3A_1213 : i32
        %rem3A_1215 = arith.remsi %add3A_1038, %jit3A_1198 : i32
        %ne3A_1216 = arith.constant 0 : i32
        %ne3A_1217 = arith.cmpi ne, %rem3A_1215, %ne3A_1216 : i32
        %and3A_1218 = arith.andi %ne3A_1214, %ne3A_1217 : i1
        %sub3A_1219 = arith.constant 1 : i32
        %sub3A_1220 = arith.subi %div3A_1199, %sub3A_1219 : i32
        %select_n3A_1221 = arith.select %and3A_1218, %sub3A_1220, %div3A_1199 : i32
        %mul3A_1222 = arith.constant 1024 : i32
        %mul3A_1223 = arith.muli %select_n3A_1221, %mul3A_1222 : i32
        %add3A_1224 = arith.addi %mul3A_1223, %mul3A_2 : i32
        %jit3A_1225 = arith.constant 2 : i32
        %eq3A_1226 = arith.constant 0 : i32
        %eq3A_1227 = arith.cmpi eq, %jit3A_1225, %eq3A_1226 : i32
        %jit3A_1228 = arith.constant 1 : i32
        %select_n3A_1229 = arith.select %eq3A_1227, %jit3A_1228, %jit3A_1225 : i32
        %rem3A_1230 = arith.remsi %add3A_1038, %select_n3A_1229 : i32
        %ne3A_1231 = arith.constant 0 : i32
        %ne3A_1232 = arith.cmpi ne, %rem3A_1230, %ne3A_1231 : i32
        %lt3A_1233 = arith.constant 0 : i32
        %lt3A_1234 = arith.cmpi slt, %rem3A_1230, %lt3A_1233 : i32
        %lt3A_1235 = arith.constant 0 : i32
        %lt3A_1236 = arith.cmpi slt, %select_n3A_1229, %lt3A_1235 : i32
        %ne3A_1237 = arith.xori %lt3A_1234, %lt3A_1236 : i1
        %and3A_1238 = arith.andi %ne3A_1237, %ne3A_1232 : i1
        %add3A_1239 = arith.addi %rem3A_1230, %select_n3A_1229 : i32
        %select_n3A_1240 = arith.select %and3A_1238, %add3A_1239, %rem3A_1230 : i32
        %mul3A_1241 = arith.constant 16 : i32
        %mul3A_1242 = arith.muli %select_n3A_1240, %mul3A_1241 : i32
        %add3A_1243 = arith.addi %add3A_1224, %mul3A_1242 : i32
        %dma_wait3A_1244 = arith.constant 0 : i32
        %dma_wait3A_1245 = tpu.memref_slice %arg4[%add3A_1243, %dma_wait3A_1244] : memref<65536x768xf32, #tpu.memory_space<hbm>> -> memref<16x768xf32, #tpu.memory_space<hbm>>
        %dma_wait3A_1246 = arith.constant 0 : i32
        %dma_wait3A_1247 = tpu.memref_slice %arg4[%add3A_1243, %dma_wait3A_1246] : memref<65536x768xf32, #tpu.memory_space<hbm>> -> memref<16x768xf32, #tpu.memory_space<hbm>>
        tpu.wait_dma2 semaphore(%arg26 : memref<!tpu.dma_semaphore, #tpu.memory_space<semaphore_mem>>) src(%arg10 : memref<16x768xf32, #tpu.memory_space<vmem>>) dst(%dma_wait3A_1247 : memref<16x768xf32, #tpu.memory_space<hbm>>)
        %add3A_1248 = arith.constant 8 : i32
        %add3A_1249 = arith.addi %add3A_1038, %add3A_1248 : i32
        %jit3A_1250 = arith.constant 2 : i32
        %div3A_1251 = arith.divsi %add3A_1249, %jit3A_1250 : i32
        %sign3A_1252 = arith.constant 0 : i32
        %sign3A_1253 = arith.cmpi sgt, %add3A_1249, %sign3A_1252 : i32
        %sign3A_1254 = arith.extui %sign3A_1253 : i1 to i32
        %sign3A_1255 = arith.constant 0 : i32
        %sign3A_1256 = arith.cmpi slt, %add3A_1249, %sign3A_1255 : i32
        %sign3A_1257 = arith.extui %sign3A_1256 : i1 to i32
        %sign3A_1258 = arith.subi %sign3A_1254, %sign3A_1257 : i32
        %sign3A_1259 = arith.constant 0 : i32
        %sign3A_1260 = arith.cmpi sgt, %jit3A_1250, %sign3A_1259 : i32
        %sign3A_1261 = arith.extui %sign3A_1260 : i1 to i32
        %sign3A_1262 = arith.constant 0 : i32
        %sign3A_1263 = arith.cmpi slt, %jit3A_1250, %sign3A_1262 : i32
        %sign3A_1264 = arith.extui %sign3A_1263 : i1 to i32
        %sign3A_1265 = arith.subi %sign3A_1261, %sign3A_1264 : i32
        %ne3A_1266 = arith.cmpi ne, %sign3A_1258, %sign3A_1265 : i32
        %rem3A_1267 = arith.remsi %add3A_1249, %jit3A_1250 : i32
        %ne3A_1268 = arith.constant 0 : i32
        %ne3A_1269 = arith.cmpi ne, %rem3A_1267, %ne3A_1268 : i32
        %and3A_1270 = arith.andi %ne3A_1266, %ne3A_1269 : i1
        %sub3A_1271 = arith.constant 1 : i32
        %sub3A_1272 = arith.subi %div3A_1251, %sub3A_1271 : i32
        %select_n3A_1273 = arith.select %and3A_1270, %sub3A_1272, %div3A_1251 : i32
        %mul3A_1274 = arith.constant 1024 : i32
        %mul3A_1275 = arith.muli %select_n3A_1273, %mul3A_1274 : i32
        %add3A_1276 = arith.addi %mul3A_1275, %mul3A_2 : i32
        %jit3A_1277 = arith.constant 2 : i32
        %eq3A_1278 = arith.constant 0 : i32
        %eq3A_1279 = arith.cmpi eq, %jit3A_1277, %eq3A_1278 : i32
        %jit3A_1280 = arith.constant 1 : i32
        %select_n3A_1281 = arith.select %eq3A_1279, %jit3A_1280, %jit3A_1277 : i32
        %rem3A_1282 = arith.remsi %add3A_1249, %select_n3A_1281 : i32
        %ne3A_1283 = arith.constant 0 : i32
        %ne3A_1284 = arith.cmpi ne, %rem3A_1282, %ne3A_1283 : i32
        %lt3A_1285 = arith.constant 0 : i32
        %lt3A_1286 = arith.cmpi slt, %rem3A_1282, %lt3A_1285 : i32
        %lt3A_1287 = arith.constant 0 : i32
        %lt3A_1288 = arith.cmpi slt, %select_n3A_1281, %lt3A_1287 : i32
        %ne3A_1289 = arith.xori %lt3A_1286, %lt3A_1288 : i1
        %and3A_1290 = arith.andi %ne3A_1289, %ne3A_1284 : i1
        %add3A_1291 = arith.addi %rem3A_1282, %select_n3A_1281 : i32
        %select_n3A_1292 = arith.select %and3A_1290, %add3A_1291, %rem3A_1282 : i32
        %mul3A_1293 = arith.constant 16 : i32
        %mul3A_1294 = arith.muli %select_n3A_1292, %mul3A_1293 : i32
        %add3A_1295 = arith.addi %add3A_1276, %mul3A_1294 : i32
        %dma_start3A_1296 = arith.constant 0 : i32
        %dma_start3A_1297 = tpu.memref_slice %arg2[%add3A_1295, %dma_start3A_1296] : memref<65536x768xf32, #tpu.memory_space<hbm>> -> memref<16x768xf32, #tpu.memory_space<hbm>>
        %dma_start3A_1298 = arith.constant 0 : i32
        %dma_start3A_1299 = tpu.memref_slice %arg2[%add3A_1295, %dma_start3A_1298] : memref<65536x768xf32, #tpu.memory_space<hbm>> -> memref<16x768xf32, #tpu.memory_space<hbm>>
        tpu.enqueue_dma source(%dma_start3A_1299 : memref<16x768xf32, #tpu.memory_space<hbm>>) target(%arg10 : memref<16x768xf32, #tpu.memory_space<vmem>>) target_semaphore(%arg18 : memref<!tpu.dma_semaphore, #tpu.memory_space<semaphore_mem>>)
      } else {
      }
      %add3A_1046 = arith.constant 7 : i32
      %add3A_1047 = arith.addi %add3A_137, %add3A_1046 : i32
      %jit3A_1048 = arith.constant 2 : i32
      %div3A_1049 = arith.divsi %add3A_1047, %jit3A_1048 : i32
      %sign3A_1050 = arith.constant 0 : i32
      %sign3A_1051 = arith.cmpi sgt, %add3A_1047, %sign3A_1050 : i32
      %sign3A_1052 = arith.extui %sign3A_1051 : i1 to i32
      %sign3A_1053 = arith.constant 0 : i32
      %sign3A_1054 = arith.cmpi slt, %add3A_1047, %sign3A_1053 : i32
      %sign3A_1055 = arith.extui %sign3A_1054 : i1 to i32
      %sign3A_1056 = arith.subi %sign3A_1052, %sign3A_1055 : i32
      %sign3A_1057 = arith.constant 0 : i32
      %sign3A_1058 = arith.cmpi sgt, %jit3A_1048, %sign3A_1057 : i32
      %sign3A_1059 = arith.extui %sign3A_1058 : i1 to i32
      %sign3A_1060 = arith.constant 0 : i32
      %sign3A_1061 = arith.cmpi slt, %jit3A_1048, %sign3A_1060 : i32
      %sign3A_1062 = arith.extui %sign3A_1061 : i1 to i32
      %sign3A_1063 = arith.subi %sign3A_1059, %sign3A_1062 : i32
      %ne3A_1064 = arith.cmpi ne, %sign3A_1056, %sign3A_1063 : i32
      %rem3A_1065 = arith.remsi %add3A_1047, %jit3A_1048 : i32
      %ne3A_1066 = arith.constant 0 : i32
      %ne3A_1067 = arith.cmpi ne, %rem3A_1065, %ne3A_1066 : i32
      %and3A_1068 = arith.andi %ne3A_1064, %ne3A_1067 : i1
      %sub3A_1069 = arith.constant 1 : i32
      %sub3A_1070 = arith.subi %div3A_1049, %sub3A_1069 : i32
      %select_n3A_1071 = arith.select %and3A_1068, %sub3A_1070, %div3A_1049 : i32
      %mul3A_1072 = arith.constant 1024 : i32
      %mul3A_1073 = arith.muli %select_n3A_1071, %mul3A_1072 : i32
      %add3A_1074 = arith.addi %mul3A_1073, %mul3A_2 : i32
      %jit3A_1075 = arith.constant 2 : i32
      %eq3A_1076 = arith.constant 0 : i32
      %eq3A_1077 = arith.cmpi eq, %jit3A_1075, %eq3A_1076 : i32
      %jit3A_1078 = arith.constant 1 : i32
      %select_n3A_1079 = arith.select %eq3A_1077, %jit3A_1078, %jit3A_1075 : i32
      %rem3A_1080 = arith.remsi %add3A_1047, %select_n3A_1079 : i32
      %ne3A_1081 = arith.constant 0 : i32
      %ne3A_1082 = arith.cmpi ne, %rem3A_1080, %ne3A_1081 : i32
      %lt3A_1083 = arith.constant 0 : i32
      %lt3A_1084 = arith.cmpi slt, %rem3A_1080, %lt3A_1083 : i32
      %lt3A_1085 = arith.constant 0 : i32
      %lt3A_1086 = arith.cmpi slt, %select_n3A_1079, %lt3A_1085 : i32
      %ne3A_1087 = arith.xori %lt3A_1084, %lt3A_1086 : i1
      %and3A_1088 = arith.andi %ne3A_1087, %ne3A_1082 : i1
      %add3A_1089 = arith.addi %rem3A_1080, %select_n3A_1079 : i32
      %select_n3A_1090 = arith.select %and3A_1088, %add3A_1089, %rem3A_1080 : i32
      %mul3A_1091 = arith.constant 16 : i32
      %mul3A_1092 = arith.muli %select_n3A_1090, %mul3A_1091 : i32
      %add3A_1093 = arith.addi %add3A_1074, %mul3A_1092 : i32
      %dma_wait3A_1094 = arith.constant 0 : i32
      %dma_wait3A_1095 = tpu.memref_slice %arg2[%add3A_1093, %dma_wait3A_1094] : memref<65536x768xf32, #tpu.memory_space<hbm>> -> memref<16x768xf32, #tpu.memory_space<hbm>>
      %dma_wait3A_1096 = arith.constant 0 : i32
      %dma_wait3A_1097 = tpu.memref_slice %arg2[%add3A_1093, %dma_wait3A_1096] : memref<65536x768xf32, #tpu.memory_space<hbm>> -> memref<16x768xf32, #tpu.memory_space<hbm>>
      tpu.wait_dma2 semaphore(%arg21 : memref<!tpu.dma_semaphore, #tpu.memory_space<semaphore_mem>>) src(%dma_wait3A_1097 : memref<16x768xf32, #tpu.memory_space<hbm>>) dst(%arg13 : memref<16x768xf32, #tpu.memory_space<vmem>>)
      %jit3A_1098 = arith.constant 2 : i32
      %eq3A_1099 = arith.constant 0 : i32
      %eq3A_1100 = arith.cmpi eq, %jit3A_1098, %eq3A_1099 : i32
      %jit3A_1101 = arith.constant 1 : i32
      %select_n3A_1102 = arith.select %eq3A_1100, %jit3A_1101, %jit3A_1098 : i32
      %rem3A_1103 = arith.remsi %add3A_1047, %select_n3A_1102 : i32
      %ne3A_1104 = arith.constant 0 : i32
      %ne3A_1105 = arith.cmpi ne, %rem3A_1103, %ne3A_1104 : i32
      %lt3A_1106 = arith.constant 0 : i32
      %lt3A_1107 = arith.cmpi slt, %rem3A_1103, %lt3A_1106 : i32
      %lt3A_1108 = arith.constant 0 : i32
      %lt3A_1109 = arith.cmpi slt, %select_n3A_1102, %lt3A_1108 : i32
      %ne3A_1110 = arith.xori %lt3A_1107, %lt3A_1109 : i1
      %and3A_1111 = arith.andi %ne3A_1110, %ne3A_1105 : i1
      %add3A_1112 = arith.addi %rem3A_1103, %select_n3A_1102 : i32
      %select_n3A_1113 = arith.select %and3A_1111, %add3A_1112, %rem3A_1103 : i32
      %mul3A_1114 = arith.constant 16 : i32
      %mul3A_1115 = arith.muli %select_n3A_1113, %mul3A_1114 : i32
      %scan3A_1116 = arith.constant 0 : i32
      %scan3A_1117 = arith.constant 16 : i32
      %scan3A_1118 = arith.addi %scan3A_1116, %scan3A_1117 : i32
      %scan3A_1119 = arith.constant 1 : i32
      scf.for %scan3A_1198 = %scan3A_1116 to %scan3A_1118 step %scan3A_1119  : i32 {
        %mul3A_1199 = arith.constant 1 : i32
        %mul3A_1200 = arith.muli %scan3A_1198, %mul3A_1199 : i32
        %add3A_1201 = arith.constant 0 : i32
        %add3A_1202 = arith.addi %add3A_1201, %mul3A_1200 : i32
        %parallel_loop3A = arith.constant 0 : i32
        %parallel_loop3A_1203 = arith.constant 768 : i32
        %parallel_loop3A_1204 = arith.constant 16 : i32
        scf.for %parallel_loop3A_1205 = %parallel_loop3A to %parallel_loop3A_1203 step %parallel_loop3A_1204  : i32 {
          %parallel_loop3A_1206 = arith.index_cast %add3A_1202 : i32 to index
          %parallel_loop3A_1207 = arith.index_cast %parallel_loop3A_1205 : i32 to index
          %parallel_loop3A_1208 = tpu.vector_load %arg13[%parallel_loop3A_1206, %parallel_loop3A_1207] {strides = array<i32>} : memref<16x768xf32, #tpu.memory_space<vmem>>, vector<1x16xf32>,
          %parallel_loop3A_1209 = vector.shape_cast %parallel_loop3A_1208 : vector<1x16xf32> to vector<16xf32>
          %parallel_loop3A_1210 = arith.addi %mul3A_1115, %add3A_1202 : i32
          %parallel_loop3A_1211 = arith.index_cast %parallel_loop3A_1210 : i32 to index
          %parallel_loop3A_1212 = arith.index_cast %parallel_loop3A_1205 : i32 to index
          %parallel_loop3A_1213 = tpu.vector_load %arg5[%parallel_loop3A_1211, %parallel_loop3A_1212] {strides = array<i32>} : memref<32x768xf32, #tpu.memory_space<vmem>>, vector<1x16xf32>,
          %parallel_loop3A_1214 = vector.shape_cast %parallel_loop3A_1213 : vector<1x16xf32> to vector<16xf32>
          %parallel_loop3A_1215 = arith.addf %parallel_loop3A_1209, %parallel_loop3A_1214 : vector<16xf32>
          %parallel_loop3A_1216 = arith.index_cast %add3A_1202 : i32 to index
          %parallel_loop3A_1217 = arith.index_cast %parallel_loop3A_1205 : i32 to index
          %parallel_loop3A_1218 = tpu.vector_load %arg13[%parallel_loop3A_1216, %parallel_loop3A_1217] {strides = array<i32>} : memref<16x768xf32, #tpu.memory_space<vmem>>, vector<1x16xf32>,
          %parallel_loop3A_1219 = vector.shape_cast %parallel_loop3A_1218 : vector<1x16xf32> to vector<16xf32>
          %parallel_loop3A_1220 = vector.shape_cast %parallel_loop3A_1215 : vector<16xf32> to vector<1x16xf32>
          tpu.vector_store %arg13[%parallel_loop3A_1216, %parallel_loop3A_1217], %parallel_loop3A_1220 {strides = array<i32>} : memref<16x768xf32, #tpu.memory_space<vmem>>, vector<1x16xf32>,
        } {sc.loop_unroll_factor = 16 : i64, sc.parallel_access}
      }
      %scan3A_1120 = arith.constant 16 : i32
      %jit3A_1121 = arith.constant 2 : i32
      %div3A_1122 = arith.divsi %add3A_1047, %jit3A_1121 : i32
      %sign3A_1123 = arith.constant 0 : i32
      %sign3A_1124 = arith.cmpi sgt, %add3A_1047, %sign3A_1123 : i32
      %sign3A_1125 = arith.extui %sign3A_1124 : i1 to i32
      %sign3A_1126 = arith.constant 0 : i32
      %sign3A_1127 = arith.cmpi slt, %add3A_1047, %sign3A_1126 : i32
      %sign3A_1128 = arith.extui %sign3A_1127 : i1 to i32
      %sign3A_1129 = arith.subi %sign3A_1125, %sign3A_1128 : i32
      %sign3A_1130 = arith.constant 0 : i32
      %sign3A_1131 = arith.cmpi sgt, %jit3A_1121, %sign3A_1130 : i32
      %sign3A_1132 = arith.extui %sign3A_1131 : i1 to i32
      %sign3A_1133 = arith.constant 0 : i32
      %sign3A_1134 = arith.cmpi slt, %jit3A_1121, %sign3A_1133 : i32
      %sign3A_1135 = arith.extui %sign3A_1134 : i1 to i32
      %sign3A_1136 = arith.subi %sign3A_1132, %sign3A_1135 : i32
      %ne3A_1137 = arith.cmpi ne, %sign3A_1129, %sign3A_1136 : i32
      %rem3A_1138 = arith.remsi %add3A_1047, %jit3A_1121 : i32
      %ne3A_1139 = arith.constant 0 : i32
      %ne3A_1140 = arith.cmpi ne, %rem3A_1138, %ne3A_1139 : i32
      %and3A_1141 = arith.andi %ne3A_1137, %ne3A_1140 : i1
      %sub3A_1142 = arith.constant 1 : i32
      %sub3A_1143 = arith.subi %div3A_1122, %sub3A_1142 : i32
      %select_n3A_1144 = arith.select %and3A_1141, %sub3A_1143, %div3A_1122 : i32
      %mul3A_1145 = arith.constant 1024 : i32
      %mul3A_1146 = arith.muli %select_n3A_1144, %mul3A_1145 : i32
      %add3A_1147 = arith.addi %mul3A_1146, %mul3A_2 : i32
      %jit3A_1148 = arith.constant 2 : i32
      %eq3A_1149 = arith.constant 0 : i32
      %eq3A_1150 = arith.cmpi eq, %jit3A_1148, %eq3A_1149 : i32
      %jit3A_1151 = arith.constant 1 : i32
      %select_n3A_1152 = arith.select %eq3A_1150, %jit3A_1151, %jit3A_1148 : i32
      %rem3A_1153 = arith.remsi %add3A_1047, %select_n3A_1152 : i32
      %ne3A_1154 = arith.constant 0 : i32
      %ne3A_1155 = arith.cmpi ne, %rem3A_1153, %ne3A_1154 : i32
      %lt3A_1156 = arith.constant 0 : i32
      %lt3A_1157 = arith.cmpi slt, %rem3A_1153, %lt3A_1156 : i32
      %lt3A_1158 = arith.constant 0 : i32
      %lt3A_1159 = arith.cmpi slt, %select_n3A_1152, %lt3A_1158 : i32
      %ne3A_1160 = arith.xori %lt3A_1157, %lt3A_1159 : i1
      %and3A_1161 = arith.andi %ne3A_1160, %ne3A_1155 : i1
      %add3A_1162 = arith.addi %rem3A_1153, %select_n3A_1152 : i32
      %select_n3A_1163 = arith.select %and3A_1161, %add3A_1162, %rem3A_1153 : i32
      %mul3A_1164 = arith.constant 16 : i32
      %mul3A_1165 = arith.muli %select_n3A_1163, %mul3A_1164 : i32
      %add3A_1166 = arith.addi %add3A_1147, %mul3A_1165 : i32
      %dma_start3A_1167 = arith.constant 0 : i32
      %dma_start3A_1168 = tpu.memref_slice %arg4[%add3A_1166, %dma_start3A_1167] : memref<65536x768xf32, #tpu.memory_space<hbm>> -> memref<16x768xf32, #tpu.memory_space<hbm>>
      %dma_start3A_1169 = arith.constant 0 : i32
      %dma_start3A_1170 = tpu.memref_slice %arg4[%add3A_1166, %dma_start3A_1169] : memref<65536x768xf32, #tpu.memory_space<hbm>> -> memref<16x768xf32, #tpu.memory_space<hbm>>
      tpu.enqueue_dma source(%arg13 : memref<16x768xf32, #tpu.memory_space<vmem>>) target(%dma_start3A_1170 : memref<16x768xf32, #tpu.memory_space<hbm>>) target_semaphore(%arg29 : memref<!tpu.dma_semaphore, #tpu.memory_space<semaphore_mem>>)
      %add3A_1171 = arith.constant 5 : i32
      %add3A_1172 = arith.addi %add3A_137, %add3A_1171 : i32
      %add3A_1173 = arith.constant 8 : i32
      %add3A_1174 = arith.addi %add3A_1172, %add3A_1173 : i32
      %lt3A_1175 = arith.constant 128 : i32
      %lt3A_1176 = arith.cmpi slt, %add3A_1174, %lt3A_1175 : i32
      %convert_element_type3A_1177 = arith.extui %lt3A_1176 : i1 to i32
      %cond3A_1178 = arith.constant 0 : i32
      %cond3A_1179 = arith.cmpi ne, %convert_element_type3A_1177, %cond3A_1178 : i32
      scf.if %cond3A_1179 {
        %jit3A_1198 = arith.constant 2 : i32
        %div3A_1199 = arith.divsi %add3A_1172, %jit3A_1198 : i32
        %sign3A_1200 = arith.constant 0 : i32
        %sign3A_1201 = arith.cmpi sgt, %add3A_1172, %sign3A_1200 : i32
        %sign3A_1202 = arith.extui %sign3A_1201 : i1 to i32
        %sign3A_1203 = arith.constant 0 : i32
        %sign3A_1204 = arith.cmpi slt, %add3A_1172, %sign3A_1203 : i32
        %sign3A_1205 = arith.extui %sign3A_1204 : i1 to i32
        %sign3A_1206 = arith.subi %sign3A_1202, %sign3A_1205 : i32
        %sign3A_1207 = arith.constant 0 : i32
        %sign3A_1208 = arith.cmpi sgt, %jit3A_1198, %sign3A_1207 : i32
        %sign3A_1209 = arith.extui %sign3A_1208 : i1 to i32
        %sign3A_1210 = arith.constant 0 : i32
        %sign3A_1211 = arith.cmpi slt, %jit3A_1198, %sign3A_1210 : i32
        %sign3A_1212 = arith.extui %sign3A_1211 : i1 to i32
        %sign3A_1213 = arith.subi %sign3A_1209, %sign3A_1212 : i32
        %ne3A_1214 = arith.cmpi ne, %sign3A_1206, %sign3A_1213 : i32
        %rem3A_1215 = arith.remsi %add3A_1172, %jit3A_1198 : i32
        %ne3A_1216 = arith.constant 0 : i32
        %ne3A_1217 = arith.cmpi ne, %rem3A_1215, %ne3A_1216 : i32
        %and3A_1218 = arith.andi %ne3A_1214, %ne3A_1217 : i1
        %sub3A_1219 = arith.constant 1 : i32
        %sub3A_1220 = arith.subi %div3A_1199, %sub3A_1219 : i32
        %select_n3A_1221 = arith.select %and3A_1218, %sub3A_1220, %div3A_1199 : i32
        %mul3A_1222 = arith.constant 1024 : i32
        %mul3A_1223 = arith.muli %select_n3A_1221, %mul3A_1222 : i32
        %add3A_1224 = arith.addi %mul3A_1223, %mul3A_2 : i32
        %jit3A_1225 = arith.constant 2 : i32
        %eq3A_1226 = arith.constant 0 : i32
        %eq3A_1227 = arith.cmpi eq, %jit3A_1225, %eq3A_1226 : i32
        %jit3A_1228 = arith.constant 1 : i32
        %select_n3A_1229 = arith.select %eq3A_1227, %jit3A_1228, %jit3A_1225 : i32
        %rem3A_1230 = arith.remsi %add3A_1172, %select_n3A_1229 : i32
        %ne3A_1231 = arith.constant 0 : i32
        %ne3A_1232 = arith.cmpi ne, %rem3A_1230, %ne3A_1231 : i32
        %lt3A_1233 = arith.constant 0 : i32
        %lt3A_1234 = arith.cmpi slt, %rem3A_1230, %lt3A_1233 : i32
        %lt3A_1235 = arith.constant 0 : i32
        %lt3A_1236 = arith.cmpi slt, %select_n3A_1229, %lt3A_1235 : i32
        %ne3A_1237 = arith.xori %lt3A_1234, %lt3A_1236 : i1
        %and3A_1238 = arith.andi %ne3A_1237, %ne3A_1232 : i1
        %add3A_1239 = arith.addi %rem3A_1230, %select_n3A_1229 : i32
        %select_n3A_1240 = arith.select %and3A_1238, %add3A_1239, %rem3A_1230 : i32
        %mul3A_1241 = arith.constant 16 : i32
        %mul3A_1242 = arith.muli %select_n3A_1240, %mul3A_1241 : i32
        %add3A_1243 = arith.addi %add3A_1224, %mul3A_1242 : i32
        %dma_wait3A_1244 = arith.constant 0 : i32
        %dma_wait3A_1245 = tpu.memref_slice %arg4[%add3A_1243, %dma_wait3A_1244] : memref<65536x768xf32, #tpu.memory_space<hbm>> -> memref<16x768xf32, #tpu.memory_space<hbm>>
        %dma_wait3A_1246 = arith.constant 0 : i32
        %dma_wait3A_1247 = tpu.memref_slice %arg4[%add3A_1243, %dma_wait3A_1246] : memref<65536x768xf32, #tpu.memory_space<hbm>> -> memref<16x768xf32, #tpu.memory_space<hbm>>
        tpu.wait_dma2 semaphore(%arg27 : memref<!tpu.dma_semaphore, #tpu.memory_space<semaphore_mem>>) src(%arg11 : memref<16x768xf32, #tpu.memory_space<vmem>>) dst(%dma_wait3A_1247 : memref<16x768xf32, #tpu.memory_space<hbm>>)
        %add3A_1248 = arith.constant 8 : i32
        %add3A_1249 = arith.addi %add3A_1172, %add3A_1248 : i32
        %jit3A_1250 = arith.constant 2 : i32
        %div3A_1251 = arith.divsi %add3A_1249, %jit3A_1250 : i32
        %sign3A_1252 = arith.constant 0 : i32
        %sign3A_1253 = arith.cmpi sgt, %add3A_1249, %sign3A_1252 : i32
        %sign3A_1254 = arith.extui %sign3A_1253 : i1 to i32
        %sign3A_1255 = arith.constant 0 : i32
        %sign3A_1256 = arith.cmpi slt, %add3A_1249, %sign3A_1255 : i32
        %sign3A_1257 = arith.extui %sign3A_1256 : i1 to i32
        %sign3A_1258 = arith.subi %sign3A_1254, %sign3A_1257 : i32
        %sign3A_1259 = arith.constant 0 : i32
        %sign3A_1260 = arith.cmpi sgt, %jit3A_1250, %sign3A_1259 : i32
        %sign3A_1261 = arith.extui %sign3A_1260 : i1 to i32
        %sign3A_1262 = arith.constant 0 : i32
        %sign3A_1263 = arith.cmpi slt, %jit3A_1250, %sign3A_1262 : i32
        %sign3A_1264 = arith.extui %sign3A_1263 : i1 to i32
        %sign3A_1265 = arith.subi %sign3A_1261, %sign3A_1264 : i32
        %ne3A_1266 = arith.cmpi ne, %sign3A_1258, %sign3A_1265 : i32
        %rem3A_1267 = arith.remsi %add3A_1249, %jit3A_1250 : i32
        %ne3A_1268 = arith.constant 0 : i32
        %ne3A_1269 = arith.cmpi ne, %rem3A_1267, %ne3A_1268 : i32
        %and3A_1270 = arith.andi %ne3A_1266, %ne3A_1269 : i1
        %sub3A_1271 = arith.constant 1 : i32
        %sub3A_1272 = arith.subi %div3A_1251, %sub3A_1271 : i32
        %select_n3A_1273 = arith.select %and3A_1270, %sub3A_1272, %div3A_1251 : i32
        %mul3A_1274 = arith.constant 1024 : i32
        %mul3A_1275 = arith.muli %select_n3A_1273, %mul3A_1274 : i32
        %add3A_1276 = arith.addi %mul3A_1275, %mul3A_2 : i32
        %jit3A_1277 = arith.constant 2 : i32
        %eq3A_1278 = arith.constant 0 : i32
        %eq3A_1279 = arith.cmpi eq, %jit3A_1277, %eq3A_1278 : i32
        %jit3A_1280 = arith.constant 1 : i32
        %select_n3A_1281 = arith.select %eq3A_1279, %jit3A_1280, %jit3A_1277 : i32
        %rem3A_1282 = arith.remsi %add3A_1249, %select_n3A_1281 : i32
        %ne3A_1283 = arith.constant 0 : i32
        %ne3A_1284 = arith.cmpi ne, %rem3A_1282, %ne3A_1283 : i32
        %lt3A_1285 = arith.constant 0 : i32
        %lt3A_1286 = arith.cmpi slt, %rem3A_1282, %lt3A_1285 : i32
        %lt3A_1287 = arith.constant 0 : i32
        %lt3A_1288 = arith.cmpi slt, %select_n3A_1281, %lt3A_1287 : i32
        %ne3A_1289 = arith.xori %lt3A_1286, %lt3A_1288 : i1
        %and3A_1290 = arith.andi %ne3A_1289, %ne3A_1284 : i1
        %add3A_1291 = arith.addi %rem3A_1282, %select_n3A_1281 : i32
        %select_n3A_1292 = arith.select %and3A_1290, %add3A_1291, %rem3A_1282 : i32
        %mul3A_1293 = arith.constant 16 : i32
        %mul3A_1294 = arith.muli %select_n3A_1292, %mul3A_1293 : i32
        %add3A_1295 = arith.addi %add3A_1276, %mul3A_1294 : i32
        %dma_start3A_1296 = arith.constant 0 : i32
        %dma_start3A_1297 = tpu.memref_slice %arg2[%add3A_1295, %dma_start3A_1296] : memref<65536x768xf32, #tpu.memory_space<hbm>> -> memref<16x768xf32, #tpu.memory_space<hbm>>
        %dma_start3A_1298 = arith.constant 0 : i32
        %dma_start3A_1299 = tpu.memref_slice %arg2[%add3A_1295, %dma_start3A_1298] : memref<65536x768xf32, #tpu.memory_space<hbm>> -> memref<16x768xf32, #tpu.memory_space<hbm>>
        tpu.enqueue_dma source(%dma_start3A_1299 : memref<16x768xf32, #tpu.memory_space<hbm>>) target(%arg11 : memref<16x768xf32, #tpu.memory_space<vmem>>) target_semaphore(%arg19 : memref<!tpu.dma_semaphore, #tpu.memory_space<semaphore_mem>>)
      } else {
      }
      %add3A_1180 = arith.constant 6 : i32
      %add3A_1181 = arith.addi %add3A_137, %add3A_1180 : i32
      %add3A_1182 = arith.constant 8 : i32
      %add3A_1183 = arith.addi %add3A_1181, %add3A_1182 : i32
      %lt3A_1184 = arith.constant 128 : i32
      %lt3A_1185 = arith.cmpi slt, %add3A_1183, %lt3A_1184 : i32
      %convert_element_type3A_1186 = arith.extui %lt3A_1185 : i1 to i32
      %cond3A_1187 = arith.constant 0 : i32
      %cond3A_1188 = arith.cmpi ne, %convert_element_type3A_1186, %cond3A_1187 : i32
      scf.if %cond3A_1188 {
        %jit3A_1198 = arith.constant 2 : i32
        %div3A_1199 = arith.divsi %add3A_1181, %jit3A_1198 : i32
        %sign3A_1200 = arith.constant 0 : i32
        %sign3A_1201 = arith.cmpi sgt, %add3A_1181, %sign3A_1200 : i32
        %sign3A_1202 = arith.extui %sign3A_1201 : i1 to i32
        %sign3A_1203 = arith.constant 0 : i32
        %sign3A_1204 = arith.cmpi slt, %add3A_1181, %sign3A_1203 : i32
        %sign3A_1205 = arith.extui %sign3A_1204 : i1 to i32
        %sign3A_1206 = arith.subi %sign3A_1202, %sign3A_1205 : i32
        %sign3A_1207 = arith.constant 0 : i32
        %sign3A_1208 = arith.cmpi sgt, %jit3A_1198, %sign3A_1207 : i32
        %sign3A_1209 = arith.extui %sign3A_1208 : i1 to i32
        %sign3A_1210 = arith.constant 0 : i32
        %sign3A_1211 = arith.cmpi slt, %jit3A_1198, %sign3A_1210 : i32
        %sign3A_1212 = arith.extui %sign3A_1211 : i1 to i32
        %sign3A_1213 = arith.subi %sign3A_1209, %sign3A_1212 : i32
        %ne3A_1214 = arith.cmpi ne, %sign3A_1206, %sign3A_1213 : i32
        %rem3A_1215 = arith.remsi %add3A_1181, %jit3A_1198 : i32
        %ne3A_1216 = arith.constant 0 : i32
        %ne3A_1217 = arith.cmpi ne, %rem3A_1215, %ne3A_1216 : i32
        %and3A_1218 = arith.andi %ne3A_1214, %ne3A_1217 : i1
        %sub3A_1219 = arith.constant 1 : i32
        %sub3A_1220 = arith.subi %div3A_1199, %sub3A_1219 : i32
        %select_n3A_1221 = arith.select %and3A_1218, %sub3A_1220, %div3A_1199 : i32
        %mul3A_1222 = arith.constant 1024 : i32
        %mul3A_1223 = arith.muli %select_n3A_1221, %mul3A_1222 : i32
        %add3A_1224 = arith.addi %mul3A_1223, %mul3A_2 : i32
        %jit3A_1225 = arith.constant 2 : i32
        %eq3A_1226 = arith.constant 0 : i32
        %eq3A_1227 = arith.cmpi eq, %jit3A_1225, %eq3A_1226 : i32
        %jit3A_1228 = arith.constant 1 : i32
        %select_n3A_1229 = arith.select %eq3A_1227, %jit3A_1228, %jit3A_1225 : i32
        %rem3A_1230 = arith.remsi %add3A_1181, %select_n3A_1229 : i32
        %ne3A_1231 = arith.constant 0 : i32
        %ne3A_1232 = arith.cmpi ne, %rem3A_1230, %ne3A_1231 : i32
        %lt3A_1233 = arith.constant 0 : i32
        %lt3A_1234 = arith.cmpi slt, %rem3A_1230, %lt3A_1233 : i32
        %lt3A_1235 = arith.constant 0 : i32
        %lt3A_1236 = arith.cmpi slt, %select_n3A_1229, %lt3A_1235 : i32
        %ne3A_1237 = arith.xori %lt3A_1234, %lt3A_1236 : i1
        %and3A_1238 = arith.andi %ne3A_1237, %ne3A_1232 : i1
        %add3A_1239 = arith.addi %rem3A_1230, %select_n3A_1229 : i32
        %select_n3A_1240 = arith.select %and3A_1238, %add3A_1239, %rem3A_1230 : i32
        %mul3A_1241 = arith.constant 16 : i32
        %mul3A_1242 = arith.muli %select_n3A_1240, %mul3A_1241 : i32
        %add3A_1243 = arith.addi %add3A_1224, %mul3A_1242 : i32
        %dma_wait3A_1244 = arith.constant 0 : i32
        %dma_wait3A_1245 = tpu.memref_slice %arg4[%add3A_1243, %dma_wait3A_1244] : memref<65536x768xf32, #tpu.memory_space<hbm>> -> memref<16x768xf32, #tpu.memory_space<hbm>>
        %dma_wait3A_1246 = arith.constant 0 : i32
        %dma_wait3A_1247 = tpu.memref_slice %arg4[%add3A_1243, %dma_wait3A_1246] : memref<65536x768xf32, #tpu.memory_space<hbm>> -> memref<16x768xf32, #tpu.memory_space<hbm>>
        tpu.wait_dma2 semaphore(%arg28 : memref<!tpu.dma_semaphore, #tpu.memory_space<semaphore_mem>>) src(%arg12 : memref<16x768xf32, #tpu.memory_space<vmem>>) dst(%dma_wait3A_1247 : memref<16x768xf32, #tpu.memory_space<hbm>>)
        %add3A_1248 = arith.constant 8 : i32
        %add3A_1249 = arith.addi %add3A_1181, %add3A_1248 : i32
        %jit3A_1250 = arith.constant 2 : i32
        %div3A_1251 = arith.divsi %add3A_1249, %jit3A_1250 : i32
        %sign3A_1252 = arith.constant 0 : i32
        %sign3A_1253 = arith.cmpi sgt, %add3A_1249, %sign3A_1252 : i32
        %sign3A_1254 = arith.extui %sign3A_1253 : i1 to i32
        %sign3A_1255 = arith.constant 0 : i32
        %sign3A_1256 = arith.cmpi slt, %add3A_1249, %sign3A_1255 : i32
        %sign3A_1257 = arith.extui %sign3A_1256 : i1 to i32
        %sign3A_1258 = arith.subi %sign3A_1254, %sign3A_1257 : i32
        %sign3A_1259 = arith.constant 0 : i32
        %sign3A_1260 = arith.cmpi sgt, %jit3A_1250, %sign3A_1259 : i32
        %sign3A_1261 = arith.extui %sign3A_1260 : i1 to i32
        %sign3A_1262 = arith.constant 0 : i32
        %sign3A_1263 = arith.cmpi slt, %jit3A_1250, %sign3A_1262 : i32
        %sign3A_1264 = arith.extui %sign3A_1263 : i1 to i32
        %sign3A_1265 = arith.subi %sign3A_1261, %sign3A_1264 : i32
        %ne3A_1266 = arith.cmpi ne, %sign3A_1258, %sign3A_1265 : i32
        %rem3A_1267 = arith.remsi %add3A_1249, %jit3A_1250 : i32
        %ne3A_1268 = arith.constant 0 : i32
        %ne3A_1269 = arith.cmpi ne, %rem3A_1267, %ne3A_1268 : i32
        %and3A_1270 = arith.andi %ne3A_1266, %ne3A_1269 : i1
        %sub3A_1271 = arith.constant 1 : i32
        %sub3A_1272 = arith.subi %div3A_1251, %sub3A_1271 : i32
        %select_n3A_1273 = arith.select %and3A_1270, %sub3A_1272, %div3A_1251 : i32
        %mul3A_1274 = arith.constant 1024 : i32
        %mul3A_1275 = arith.muli %select_n3A_1273, %mul3A_1274 : i32
        %add3A_1276 = arith.addi %mul3A_1275, %mul3A_2 : i32
        %jit3A_1277 = arith.constant 2 : i32
        %eq3A_1278 = arith.constant 0 : i32
        %eq3A_1279 = arith.cmpi eq, %jit3A_1277, %eq3A_1278 : i32
        %jit3A_1280 = arith.constant 1 : i32
        %select_n3A_1281 = arith.select %eq3A_1279, %jit3A_1280, %jit3A_1277 : i32
        %rem3A_1282 = arith.remsi %add3A_1249, %select_n3A_1281 : i32
        %ne3A_1283 = arith.constant 0 : i32
        %ne3A_1284 = arith.cmpi ne, %rem3A_1282, %ne3A_1283 : i32
        %lt3A_1285 = arith.constant 0 : i32
        %lt3A_1286 = arith.cmpi slt, %rem3A_1282, %lt3A_1285 : i32
        %lt3A_1287 = arith.constant 0 : i32
        %lt3A_1288 = arith.cmpi slt, %select_n3A_1281, %lt3A_1287 : i32
        %ne3A_1289 = arith.xori %lt3A_1286, %lt3A_1288 : i1
        %and3A_1290 = arith.andi %ne3A_1289, %ne3A_1284 : i1
        %add3A_1291 = arith.addi %rem3A_1282, %select_n3A_1281 : i32
        %select_n3A_1292 = arith.select %and3A_1290, %add3A_1291, %rem3A_1282 : i32
        %mul3A_1293 = arith.constant 16 : i32
        %mul3A_1294 = arith.muli %select_n3A_1292, %mul3A_1293 : i32
        %add3A_1295 = arith.addi %add3A_1276, %mul3A_1294 : i32
        %dma_start3A_1296 = arith.constant 0 : i32
        %dma_start3A_1297 = tpu.memref_slice %arg2[%add3A_1295, %dma_start3A_1296] : memref<65536x768xf32, #tpu.memory_space<hbm>> -> memref<16x768xf32, #tpu.memory_space<hbm>>
        %dma_start3A_1298 = arith.constant 0 : i32
        %dma_start3A_1299 = tpu.memref_slice %arg2[%add3A_1295, %dma_start3A_1298] : memref<65536x768xf32, #tpu.memory_space<hbm>> -> memref<16x768xf32, #tpu.memory_space<hbm>>
        tpu.enqueue_dma source(%dma_start3A_1299 : memref<16x768xf32, #tpu.memory_space<hbm>>) target(%arg12 : memref<16x768xf32, #tpu.memory_space<vmem>>) target_semaphore(%arg20 : memref<!tpu.dma_semaphore, #tpu.memory_space<semaphore_mem>>)
      } else {
      }
      %add3A_1189 = arith.constant 7 : i32
      %add3A_1190 = arith.addi %add3A_137, %add3A_1189 : i32
      %add3A_1191 = arith.constant 8 : i32
      %add3A_1192 = arith.addi %add3A_1190, %add3A_1191 : i32
      %lt3A_1193 = arith.constant 128 : i32
      %lt3A_1194 = arith.cmpi slt, %add3A_1192, %lt3A_1193 : i32
      %convert_element_type3A_1195 = arith.extui %lt3A_1194 : i1 to i32
      %cond3A_1196 = arith.constant 0 : i32
      %cond3A_1197 = arith.cmpi ne, %convert_element_type3A_1195, %cond3A_1196 : i32
      scf.if %cond3A_1197 {
        %jit3A_1198 = arith.constant 2 : i32
        %div3A_1199 = arith.divsi %add3A_1190, %jit3A_1198 : i32
        %sign3A_1200 = arith.constant 0 : i32
        %sign3A_1201 = arith.cmpi sgt, %add3A_1190, %sign3A_1200 : i32
        %sign3A_1202 = arith.extui %sign3A_1201 : i1 to i32
        %sign3A_1203 = arith.constant 0 : i32
        %sign3A_1204 = arith.cmpi slt, %add3A_1190, %sign3A_1203 : i32
        %sign3A_1205 = arith.extui %sign3A_1204 : i1 to i32
        %sign3A_1206 = arith.subi %sign3A_1202, %sign3A_1205 : i32
        %sign3A_1207 = arith.constant 0 : i32
        %sign3A_1208 = arith.cmpi sgt, %jit3A_1198, %sign3A_1207 : i32
        %sign3A_1209 = arith.extui %sign3A_1208 : i1 to i32
        %sign3A_1210 = arith.constant 0 : i32
        %sign3A_1211 = arith.cmpi slt, %jit3A_1198, %sign3A_1210 : i32
        %sign3A_1212 = arith.extui %sign3A_1211 : i1 to i32
        %sign3A_1213 = arith.subi %sign3A_1209, %sign3A_1212 : i32
        %ne3A_1214 = arith.cmpi ne, %sign3A_1206, %sign3A_1213 : i32
        %rem3A_1215 = arith.remsi %add3A_1190, %jit3A_1198 : i32
        %ne3A_1216 = arith.constant 0 : i32
        %ne3A_1217 = arith.cmpi ne, %rem3A_1215, %ne3A_1216 : i32
        %and3A_1218 = arith.andi %ne3A_1214, %ne3A_1217 : i1
        %sub3A_1219 = arith.constant 1 : i32
        %sub3A_1220 = arith.subi %div3A_1199, %sub3A_1219 : i32
        %select_n3A_1221 = arith.select %and3A_1218, %sub3A_1220, %div3A_1199 : i32
        %mul3A_1222 = arith.constant 1024 : i32
        %mul3A_1223 = arith.muli %select_n3A_1221, %mul3A_1222 : i32
        %add3A_1224 = arith.addi %mul3A_1223, %mul3A_2 : i32
        %jit3A_1225 = arith.constant 2 : i32
        %eq3A_1226 = arith.constant 0 : i32
        %eq3A_1227 = arith.cmpi eq, %jit3A_1225, %eq3A_1226 : i32
        %jit3A_1228 = arith.constant 1 : i32
        %select_n3A_1229 = arith.select %eq3A_1227, %jit3A_1228, %jit3A_1225 : i32
        %rem3A_1230 = arith.remsi %add3A_1190, %select_n3A_1229 : i32
        %ne3A_1231 = arith.constant 0 : i32
        %ne3A_1232 = arith.cmpi ne, %rem3A_1230, %ne3A_1231 : i32
        %lt3A_1233 = arith.constant 0 : i32
        %lt3A_1234 = arith.cmpi slt, %rem3A_1230, %lt3A_1233 : i32
        %lt3A_1235 = arith.constant 0 : i32
        %lt3A_1236 = arith.cmpi slt, %select_n3A_1229, %lt3A_1235 : i32
        %ne3A_1237 = arith.xori %lt3A_1234, %lt3A_1236 : i1
        %and3A_1238 = arith.andi %ne3A_1237, %ne3A_1232 : i1
        %add3A_1239 = arith.addi %rem3A_1230, %select_n3A_1229 : i32
        %select_n3A_1240 = arith.select %and3A_1238, %add3A_1239, %rem3A_1230 : i32
        %mul3A_1241 = arith.constant 16 : i32
        %mul3A_1242 = arith.muli %select_n3A_1240, %mul3A_1241 : i32
        %add3A_1243 = arith.addi %add3A_1224, %mul3A_1242 : i32
        %dma_wait3A_1244 = arith.constant 0 : i32
        %dma_wait3A_1245 = tpu.memref_slice %arg4[%add3A_1243, %dma_wait3A_1244] : memref<65536x768xf32, #tpu.memory_space<hbm>> -> memref<16x768xf32, #tpu.memory_space<hbm>>
        %dma_wait3A_1246 = arith.constant 0 : i32
        %dma_wait3A_1247 = tpu.memref_slice %arg4[%add3A_1243, %dma_wait3A_1246] : memref<65536x768xf32, #tpu.memory_space<hbm>> -> memref<16x768xf32, #tpu.memory_space<hbm>>
        tpu.wait_dma2 semaphore(%arg29 : memref<!tpu.dma_semaphore, #tpu.memory_space<semaphore_mem>>) src(%arg13 : memref<16x768xf32, #tpu.memory_space<vmem>>) dst(%dma_wait3A_1247 : memref<16x768xf32, #tpu.memory_space<hbm>>)
        %add3A_1248 = arith.constant 8 : i32
        %add3A_1249 = arith.addi %add3A_1190, %add3A_1248 : i32
        %jit3A_1250 = arith.constant 2 : i32
        %div3A_1251 = arith.divsi %add3A_1249, %jit3A_1250 : i32
        %sign3A_1252 = arith.constant 0 : i32
        %sign3A_1253 = arith.cmpi sgt, %add3A_1249, %sign3A_1252 : i32
        %sign3A_1254 = arith.extui %sign3A_1253 : i1 to i32
        %sign3A_1255 = arith.constant 0 : i32
        %sign3A_1256 = arith.cmpi slt, %add3A_1249, %sign3A_1255 : i32
        %sign3A_1257 = arith.extui %sign3A_1256 : i1 to i32
        %sign3A_1258 = arith.subi %sign3A_1254, %sign3A_1257 : i32
        %sign3A_1259 = arith.constant 0 : i32
        %sign3A_1260 = arith.cmpi sgt, %jit3A_1250, %sign3A_1259 : i32
        %sign3A_1261 = arith.extui %sign3A_1260 : i1 to i32
        %sign3A_1262 = arith.constant 0 : i32
        %sign3A_1263 = arith.cmpi slt, %jit3A_1250, %sign3A_1262 : i32
        %sign3A_1264 = arith.extui %sign3A_1263 : i1 to i32
        %sign3A_1265 = arith.subi %sign3A_1261, %sign3A_1264 : i32
        %ne3A_1266 = arith.cmpi ne, %sign3A_1258, %sign3A_1265 : i32
        %rem3A_1267 = arith.remsi %add3A_1249, %jit3A_1250 : i32
        %ne3A_1268 = arith.constant 0 : i32
        %ne3A_1269 = arith.cmpi ne, %rem3A_1267, %ne3A_1268 : i32
        %and3A_1270 = arith.andi %ne3A_1266, %ne3A_1269 : i1
        %sub3A_1271 = arith.constant 1 : i32
        %sub3A_1272 = arith.subi %div3A_1251, %sub3A_1271 : i32
        %select_n3A_1273 = arith.select %and3A_1270, %sub3A_1272, %div3A_1251 : i32
        %mul3A_1274 = arith.constant 1024 : i32
        %mul3A_1275 = arith.muli %select_n3A_1273, %mul3A_1274 : i32
        %add3A_1276 = arith.addi %mul3A_1275, %mul3A_2 : i32
        %jit3A_1277 = arith.constant 2 : i32
        %eq3A_1278 = arith.constant 0 : i32
        %eq3A_1279 = arith.cmpi eq, %jit3A_1277, %eq3A_1278 : i32
        %jit3A_1280 = arith.constant 1 : i32
        %select_n3A_1281 = arith.select %eq3A_1279, %jit3A_1280, %jit3A_1277 : i32
        %rem3A_1282 = arith.remsi %add3A_1249, %select_n3A_1281 : i32
        %ne3A_1283 = arith.constant 0 : i32
        %ne3A_1284 = arith.cmpi ne, %rem3A_1282, %ne3A_1283 : i32
        %lt3A_1285 = arith.constant 0 : i32
        %lt3A_1286 = arith.cmpi slt, %rem3A_1282, %lt3A_1285 : i32
        %lt3A_1287 = arith.constant 0 : i32
        %lt3A_1288 = arith.cmpi slt, %select_n3A_1281, %lt3A_1287 : i32
        %ne3A_1289 = arith.xori %lt3A_1286, %lt3A_1288 : i1
        %and3A_1290 = arith.andi %ne3A_1289, %ne3A_1284 : i1
        %add3A_1291 = arith.addi %rem3A_1282, %select_n3A_1281 : i32
        %select_n3A_1292 = arith.select %and3A_1290, %add3A_1291, %rem3A_1282 : i32
        %mul3A_1293 = arith.constant 16 : i32
        %mul3A_1294 = arith.muli %select_n3A_1292, %mul3A_1293 : i32
        %add3A_1295 = arith.addi %add3A_1276, %mul3A_1294 : i32
        %dma_start3A_1296 = arith.constant 0 : i32
        %dma_start3A_1297 = tpu.memref_slice %arg2[%add3A_1295, %dma_start3A_1296] : memref<65536x768xf32, #tpu.memory_space<hbm>> -> memref<16x768xf32, #tpu.memory_space<hbm>>
        %dma_start3A_1298 = arith.constant 0 : i32
        %dma_start3A_1299 = tpu.memref_slice %arg2[%add3A_1295, %dma_start3A_1298] : memref<65536x768xf32, #tpu.memory_space<hbm>> -> memref<16x768xf32, #tpu.memory_space<hbm>>
        tpu.enqueue_dma source(%dma_start3A_1299 : memref<16x768xf32, #tpu.memory_space<hbm>>) target(%arg13 : memref<16x768xf32, #tpu.memory_space<vmem>>) target_semaphore(%arg21 : memref<!tpu.dma_semaphore, #tpu.memory_space<semaphore_mem>>)
      } else {
      }
    }
    %scan3A_69 = arith.constant 16 : i32
    %add3A_70 = arith.constant 61440 : i32
    %add3A_71 = arith.addi %add3A_70, %mul3A_2 : i32
    %add3A_72 = arith.constant 0 : i32
    %add3A_73 = arith.addi %add3A_71, %add3A_72 : i32
    %dma_wait3A = arith.constant 0 : i32
    %dma_wait3A_74 = tpu.memref_slice %arg4[%add3A_73, %dma_wait3A] : memref<65536x768xf32, #tpu.memory_space<hbm>> -> memref<16x768xf32, #tpu.memory_space<hbm>>
    %dma_wait3A_75 = arith.constant 0 : i32
    %dma_wait3A_76 = tpu.memref_slice %arg4[%add3A_73, %dma_wait3A_75] : memref<65536x768xf32, #tpu.memory_space<hbm>> -> memref<16x768xf32, #tpu.memory_space<hbm>>
    tpu.wait_dma2 semaphore(%arg22 : memref<!tpu.dma_semaphore, #tpu.memory_space<semaphore_mem>>) src(%arg6 : memref<16x768xf32, #tpu.memory_space<vmem>>) dst(%dma_wait3A_76 : memref<16x768xf32, #tpu.memory_space<hbm>>)
    %add3A_77 = arith.constant 61440 : i32
    %add3A_78 = arith.addi %add3A_77, %mul3A_2 : i32
    %add3A_79 = arith.constant 16 : i32
    %add3A_80 = arith.addi %add3A_78, %add3A_79 : i32
    %dma_wait3A_81 = arith.constant 0 : i32
    %dma_wait3A_82 = tpu.memref_slice %arg4[%add3A_80, %dma_wait3A_81] : memref<65536x768xf32, #tpu.memory_space<hbm>> -> memref<16x768xf32, #tpu.memory_space<hbm>>
    %dma_wait3A_83 = arith.constant 0 : i32
    %dma_wait3A_84 = tpu.memref_slice %arg4[%add3A_80, %dma_wait3A_83] : memref<65536x768xf32, #tpu.memory_space<hbm>> -> memref<16x768xf32, #tpu.memory_space<hbm>>
    tpu.wait_dma2 semaphore(%arg23 : memref<!tpu.dma_semaphore, #tpu.memory_space<semaphore_mem>>) src(%arg7 : memref<16x768xf32, #tpu.memory_space<vmem>>) dst(%dma_wait3A_84 : memref<16x768xf32, #tpu.memory_space<hbm>>)
    %add3A_85 = arith.constant 62464 : i32
    %add3A_86 = arith.addi %add3A_85, %mul3A_2 : i32
    %add3A_87 = arith.constant 0 : i32
    %add3A_88 = arith.addi %add3A_86, %add3A_87 : i32
    %dma_wait3A_89 = arith.constant 0 : i32
    %dma_wait3A_90 = tpu.memref_slice %arg4[%add3A_88, %dma_wait3A_89] : memref<65536x768xf32, #tpu.memory_space<hbm>> -> memref<16x768xf32, #tpu.memory_space<hbm>>
    %dma_wait3A_91 = arith.constant 0 : i32
    %dma_wait3A_92 = tpu.memref_slice %arg4[%add3A_88, %dma_wait3A_91] : memref<65536x768xf32, #tpu.memory_space<hbm>> -> memref<16x768xf32, #tpu.memory_space<hbm>>
    tpu.wait_dma2 semaphore(%arg24 : memref<!tpu.dma_semaphore, #tpu.memory_space<semaphore_mem>>) src(%arg8 : memref<16x768xf32, #tpu.memory_space<vmem>>) dst(%dma_wait3A_92 : memref<16x768xf32, #tpu.memory_space<hbm>>)
    %add3A_93 = arith.constant 62464 : i32
    %add3A_94 = arith.addi %add3A_93, %mul3A_2 : i32
    %add3A_95 = arith.constant 16 : i32
    %add3A_96 = arith.addi %add3A_94, %add3A_95 : i32
    %dma_wait3A_97 = arith.constant 0 : i32
    %dma_wait3A_98 = tpu.memref_slice %arg4[%add3A_96, %dma_wait3A_97] : memref<65536x768xf32, #tpu.memory_space<hbm>> -> memref<16x768xf32, #tpu.memory_space<hbm>>
    %dma_wait3A_99 = arith.constant 0 : i32
    %dma_wait3A_100 = tpu.memref_slice %arg4[%add3A_96, %dma_wait3A_99] : memref<65536x768xf32, #tpu.memory_space<hbm>> -> memref<16x768xf32, #tpu.memory_space<hbm>>
    tpu.wait_dma2 semaphore(%arg25 : memref<!tpu.dma_semaphore, #tpu.memory_space<semaphore_mem>>) src(%arg9 : memref<16x768xf32, #tpu.memory_space<vmem>>) dst(%dma_wait3A_100 : memref<16x768xf32, #tpu.memory_space<hbm>>)
    %add3A_101 = arith.constant 63488 : i32
    %add3A_102 = arith.addi %add3A_101, %mul3A_2 : i32
    %add3A_103 = arith.constant 0 : i32
    %add3A_104 = arith.addi %add3A_102, %add3A_103 : i32
    %dma_wait3A_105 = arith.constant 0 : i32
    %dma_wait3A_106 = tpu.memref_slice %arg4[%add3A_104, %dma_wait3A_105] : memref<65536x768xf32, #tpu.memory_space<hbm>> -> memref<16x768xf32, #tpu.memory_space<hbm>>
    %dma_wait3A_107 = arith.constant 0 : i32
    %dma_wait3A_108 = tpu.memref_slice %arg4[%add3A_104, %dma_wait3A_107] : memref<65536x768xf32, #tpu.memory_space<hbm>> -> memref<16x768xf32, #tpu.memory_space<hbm>>
    tpu.wait_dma2 semaphore(%arg26 : memref<!tpu.dma_semaphore, #tpu.memory_space<semaphore_mem>>) src(%arg10 : memref<16x768xf32, #tpu.memory_space<vmem>>) dst(%dma_wait3A_108 : memref<16x768xf32, #tpu.memory_space<hbm>>)
    %add3A_109 = arith.constant 63488 : i32
    %add3A_110 = arith.addi %add3A_109, %mul3A_2 : i32
    %add3A_111 = arith.constant 16 : i32
    %add3A_112 = arith.addi %add3A_110, %add3A_111 : i32
    %dma_wait3A_113 = arith.constant 0 : i32
    %dma_wait3A_114 = tpu.memref_slice %arg4[%add3A_112, %dma_wait3A_113] : memref<65536x768xf32, #tpu.memory_space<hbm>> -> memref<16x768xf32, #tpu.memory_space<hbm>>
    %dma_wait3A_115 = arith.constant 0 : i32
    %dma_wait3A_116 = tpu.memref_slice %arg4[%add3A_112, %dma_wait3A_115] : memref<65536x768xf32, #tpu.memory_space<hbm>> -> memref<16x768xf32, #tpu.memory_space<hbm>>
    tpu.wait_dma2 semaphore(%arg27 : memref<!tpu.dma_semaphore, #tpu.memory_space<semaphore_mem>>) src(%arg11 : memref<16x768xf32, #tpu.memory_space<vmem>>) dst(%dma_wait3A_116 : memref<16x768xf32, #tpu.memory_space<hbm>>)
    %add3A_117 = arith.constant 64512 : i32
    %add3A_118 = arith.addi %add3A_117, %mul3A_2 : i32
    %add3A_119 = arith.constant 0 : i32
    %add3A_120 = arith.addi %add3A_118, %add3A_119 : i32
    %dma_wait3A_121 = arith.constant 0 : i32
    %dma_wait3A_122 = tpu.memref_slice %arg4[%add3A_120, %dma_wait3A_121] : memref<65536x768xf32, #tpu.memory_space<hbm>> -> memref<16x768xf32, #tpu.memory_space<hbm>>
    %dma_wait3A_123 = arith.constant 0 : i32
    %dma_wait3A_124 = tpu.memref_slice %arg4[%add3A_120, %dma_wait3A_123] : memref<65536x768xf32, #tpu.memory_space<hbm>> -> memref<16x768xf32, #tpu.memory_space<hbm>>
    tpu.wait_dma2 semaphore(%arg28 : memref<!tpu.dma_semaphore, #tpu.memory_space<semaphore_mem>>) src(%arg12 : memref<16x768xf32, #tpu.memory_space<vmem>>) dst(%dma_wait3A_124 : memref<16x768xf32, #tpu.memory_space<hbm>>)
    %add3A_125 = arith.constant 64512 : i32
    %add3A_126 = arith.addi %add3A_125, %mul3A_2 : i32
    %add3A_127 = arith.constant 16 : i32
    %add3A_128 = arith.addi %add3A_126, %add3A_127 : i32
    %dma_wait3A_129 = arith.constant 0 : i32
    %dma_wait3A_130 = tpu.memref_slice %arg4[%add3A_128, %dma_wait3A_129] : memref<65536x768xf32, #tpu.memory_space<hbm>> -> memref<16x768xf32, #tpu.memory_space<hbm>>
    %dma_wait3A_131 = arith.constant 0 : i32
    %dma_wait3A_132 = tpu.memref_slice %arg4[%add3A_128, %dma_wait3A_131] : memref<65536x768xf32, #tpu.memory_space<hbm>> -> memref<16x768xf32, #tpu.memory_space<hbm>>
    tpu.wait_dma2 semaphore(%arg29 : memref<!tpu.dma_semaphore, #tpu.memory_space<semaphore_mem>>) src(%arg13 : memref<16x768xf32, #tpu.memory_space<vmem>>) dst(%dma_wait3A_132 : memref<16x768xf32, #tpu.memory_space<hbm>>)
    return
  }
}

</mosaic_0001>

<sc_bundles>
// kernel: kernel.3.cloned.1.call-start
scs
__scs_entry_jumppad:
0x0: {  	(pc) =	sbr.rel $0x88, $3  }
0x1: {  	(tag) =	ssettag $0x0;
	lr =	simm.s32 $0x1  }
0x2: {  	[smem:$0x3F9F] =	sst lr;
	_ =	strace $0xD0000000  }
0x3: {  	_ = 	snop  }
0x4: {  	_ = 	snop  }
0x5: {  	_ = 	snop  }
0x6: {  	_ = 	snop  }
0x7: {  	_ = 	snop  }
__scs_overlays_trampoline_lowered:
0x8: {  	[smem:$0x3FAE] =	sst s0  }
0x9: {  	[smem:$0x3FAF] =	sst s1  }
0xa: {  	[smem:$0x3FB0] =	sst s2  }
0xb: {  	[smem:$0x3FB1] =	sst s3  }
0xc: {  	[smem:$0x3FB2] =	sst s4  }
0xd: {  	[smem:$0x3FB3] =	sst s5  }
0xe: {  	[smem:$0x3FB4] =	sst s6  }
0xf: {  	[smem:$0x3FB5] =	sst s7  }
0x10: {  	[smem:$0x3FB6] =	sst s8  }
0x11: {  	[smem:$0x3FB7] =	sst s9;
	s0 =	simm.s32 @!p0 $0x0  }
0x12: {  	s1 =	sld [smem:$0x3F9D];
	s0 =	simm.s32 @p0 $0x1  }
0x13: {  	[smem:$0x3FB8] =	sst s0;
	s0 =	simm.s32 @!p1 $0x0  }
0x14: {  	s2 =	sld [smem:$0x3F9C];
	s0 =	simm.s32 @p1 $0x1  }
0x15: {  	[smem:$0x3FB9] =	sst s0;
	s0 =	simm.s32 @!p2 $0x0  }
0x16: {  	s3 =	sld [smem:$0x3FDB];
	s0 =	simm.s32 @p2 $0x1  }
0x17: {  	s4 =	simm.s32 $0x1BF5;
	[smem:$0x3FBB] =	sst s0  }
0x18: {  	s0 =	sld [smem:$0x3F9E];
	_ =	swait.ge [sflag:s4], $0x0  }
0x19: {  	s7 =	sld [smem:$0x3F9F]  }
0x1a: {  	s8 =	sadd.s32 $0xFFFFE003, lr  }
0x1b: {  	s9 =	sadd.s32 $0xFFFFFEF7, lr;
	s5 =	simm.s32 $0xFFFFFFFF;
	p2 =	slt.u32 s8, $0xFFFFF086  }
0x1c: {  	p1 =	slt.u32 s9, $0xF7A;
	s5 =	simm.s32 @!p2 $0x0  }
0x1d: {  	s5 =	simm.s32 @p1 $0x1;
	p0 =	seq.s32 s7, s2  }
0x1e: {  	s7 =	smul.u32 @!p0 $0xF7A, s2;
	p2 =	seq.s32 @!p0 s5, $0x0  }
0x1f: {  	s9 =	smul.u32 $0xF7A, s1;
	s8 =	simm.s32 @!p0 $0x1BF5;
	p2 =	por !p2, p0  }
0x20: {  	[sflag:s8] =	ssyncset.s32 @!p0 $0xFFFFF086;
	s6 =	sadd.s32 @!p0 s3, s7;
	s7 =	simm.s32 @!p0 $0x108  }
0x21: {  	s3 =	sadd.s32 s3, s9;
	s6 =	sadd.s32 @!p0 $0x88, s6;
	s7 =	simm.s32 @p2 $0x1082  }
0x22: {  	[simem:s7], [sflag:s8] =	dma.local @!p0 [hbm:s6], $0xF7A  }
0x23: {  	s9 =	sor.u32 $0xD0000000, s2;
	s6 =	simm.s32 $0x108;
	_ =	swait.ge @!p0 [sflag:s8], $0x0  }
0x24: {  	s3 =	sadd.s32 $0x88, s3;
	s6 =	simm.s32 @!p1 $0x1082;
	[sflag:s4] =	ssyncset.s32 $0xFFFFF086  }
0x25: {  	[simem:s6], [sflag:s4] =	dma.local [hbm:s3], $0xF7A  }
0x26: {  	[smem:$0x3F9F] =	sst s1;
	(tag) =	ssettag s2;
	_ =	strace s9  }
0x27: {  	s1 =	sld [smem:$0x3FAF]  }
0x28: {  	s2 =	sld [smem:$0x3FB0]  }
0x29: {  	s4 =	sld [smem:$0x3FB2]  }
0x2a: {  	p0 =	seq.s32 s5, $0x0;
	s5 =	sld [smem:$0x3FB3]  }
0x2b: {  	s6 =	sld [smem:$0x3FB4]  }
0x2c: {  	s7 =	sld [smem:$0x3FB5]  }
0x2d: {  	s3 =	simm.s32 $0x108;
	s8 =	sld [smem:$0x3FB6]  }
0x2e: {  	s3 =	simm.s32 @!p0 $0x1082;
	s9 =	sld [smem:$0x3FB7]  }
0x2f: {  	lr =	sadd.s32 s0, s3;
	s0 =	sld [smem:$0x3FAE]  }
0x30: {  	s3 =	sld [smem:$0x3FB1]  }
0x31: {  	[smem:$0x3FBA] =	sst s10  }
0x32: {  	s10 =	sld [smem:$0x3FB8];
	_ =	sdelay $0x3  }
0x33: {  	p0 =	seq.s32 s10, $0x1;
	s10 =	sld [smem:$0x3FBA];
	_ =	sdelay $0x3  }
0x34: {  	[smem:$0x3FBA] =	sst s10  }
0x35: {  	s10 =	sld [smem:$0x3FB9];
	_ =	sdelay $0x3  }
0x36: {  	p1 =	seq.s32 s10, $0x1;
	s10 =	sld [smem:$0x3FBA];
	_ =	sdelay $0x3  }
0x37: {  	[smem:$0x3FBA] =	sst s10  }
0x38: {  	s10 =	sld [smem:$0x3FBB]  }
0x39: {  	_ = 	snop;
	(pc) =	sbr.ind lr, $3  }
0x3a: {  	_ = 	snop  }
0x3b: {  	_ = 	snop  }
0x3c: {  	p2 =	seq.s32 s10, $0x1;
	s10 =	sld [smem:$0x3FBA]  }
0x3d: {  	_ =	shalt  }
0x3e: {  	_ =	shalt  }
0x3f: {  	_ =	shalt  }
0x40: {  	_ =	shalt  }
0x41: {  	_ =	shalt  }
0x42: {  	_ =	shalt  }
0x43: {  	_ =	shalt  }
0x44: {  	_ =	shalt  }
0x45: {  	_ =	shalt  }
0x46: {  	_ =	shalt  }
0x47: {  	_ =	shalt  }
0x48: {  	_ =	shalt  }
0x49: {  	_ =	shalt  }
0x4a: {  	_ =	shalt  }
0x4b: {  	_ =	shalt  }
0x4c: {  	_ =	shalt  }
0x4d: {  	_ =	shalt  }
0x4e: {  	_ =	shalt  }
0x4f: {  	_ =	shalt  }
0x50: {  	_ =	shalt  }
0x51: {  	_ =	shalt  }
0x52: {  	_ =	shalt  }
0x53: {  	_ =	shalt  }
0x54: {  	_ =	shalt  }
0x55: {  	_ =	shalt  }
0x56: {  	_ =	shalt  }
0x57: {  	_ =	shalt  }
0x58: {  	_ =	shalt  }
0x59: {  	_ =	shalt  }
0x5a: {  	_ =	shalt  }
0x5b: {  	_ =	shalt  }
0x5c: {  	_ =	shalt  }
0x5d: {  	_ =	shalt  }
0x5e: {  	_ =	shalt  }
0x5f: {  	_ =	shalt  }
0x60: {  	_ =	shalt  }
0x61: {  	_ =	shalt  }
0x62: {  	_ =	shalt  }
0x63: {  	_ =	shalt  }
0x64: {  	_ =	shalt  }
0x65: {  	_ =	shalt  }
0x66: {  	_ =	shalt  }
0x67: {  	_ =	shalt  }
0x68: {  	_ =	shalt  }
0x69: {  	_ =	shalt  }
0x6a: {  	_ =	shalt  }
0x6b: {  	_ =	shalt  }
0x6c: {  	_ =	shalt  }
0x6d: {  	_ =	shalt  }
0x6e: {  	_ =	shalt  }
0x6f: {  	_ =	shalt  }
0x70: {  	_ =	shalt  }
0x71: {  	_ =	shalt  }
0x72: {  	_ =	shalt  }
0x73: {  	_ =	shalt  }
0x74: {  	_ =	shalt  }
0x75: {  	_ =	shalt  }
0x76: {  	_ =	shalt  }
0x77: {  	_ =	shalt  }
0x78: {  	_ =	shalt  }
0x79: {  	_ =	shalt  }
0x7a: {  	_ =	shalt  }
0x7b: {  	_ =	shalt  }
0x7c: {  	_ =	shalt  }
0x7d: {  	_ =	shalt  }
0x7e: {  	_ =	shalt  }
0x7f: {  	_ =	shalt  }
0x80: {  	_ =	shalt  }
0x81: {  	_ =	shalt  }
0x82: {  	_ =	shalt  }
0x83: {  	_ =	shalt  }
0x84: {  	_ =	shalt  }
0x85: {  	_ =	shalt  }
0x86: {  	_ =	shalt  }
0x87: {  	_ =	shalt  }
.Lfunc_end0:
.L_simem_size_0:
called_computation_lowered:
.L_overlay_start_0:
0x88: {  	s2 =	sld [smem:$0x3FD9]  }
0x89: {  	s3 =	sld [smem:$0x3FFE];
	_ =	sdelay $0x1  }
0x8a: {  	s1 =	srdreg.scid  }
0x8b: {  	s0 =	sand.u32 $0x1, s1  }
0x8c: {  	s18 =	sshll.u32 s0, $0xA;
	s2 =	sadd.s32 s3, s2  }
0x8d: {  	s2 =	sadd.s32 s2, s18  }
0x8e: {  	[smem:$0x3FC6] =	sst s2  }
0x8f: {  	_ = 	snop  }
0x90: {  	s2 =	sld [smem:$0x3FC9]  }
0x91: {  	s19 =	sld [smem:$0x3FC8]  }
0x92: {  	s4 =	sld [smem:$0x3FD0];
	(tm) =	ssettm $0x1  }
0x93: {  	s5 =	sld [smem:$0x3FFB];
	_ =	sdelay $0x3  }
0x94: {  	_ =	strace s5  }
0x95: {  	s5 =	sld [smem:$0x3FFC];
	_ =	sdelay $0x3  }
0x96: {  	_ =	strace s5  }
0x97: {  	s5 =	sld [smem:$0x3FFD];
	_ =	sdelay $0x3  }
0x98: {  	_ =	strace s5  }
0x99: {  	_ =	strace $0x8FFFFFFF  }
0x9a: {  	s20 =	sld [smem:$0x3FDB];
	_ =	sdelay $0x1  }
0x9b: {  	s6 =	simm.s32 $_scs_section_size  }
0x9c: {  	s7 =	simm.s32 $_size__tile_overlayer_lowered;
	s8 =	simm.s32 $_tile_overlayer_lowered  }
0x9d: {  	s23 =	simm.s32 $0x1BFF;
	s22 =	sshll.u32 s8, $0x1;
	s5 =	sadd.s32 s6, s20  }
0x9e: {  	s9 =	simm.s32 $0x0;
	s21 =	sshll.u32 s7, $0x1;
	s7 =	sadd.s32 s22, s5  }
0x9f: {  	[timem:s9], [sflag:s23] =	dma.local [hbm:s7], s21  }
0xa0: {  	_ =	swait.ge [sflag:s23], s21  }
0xa1: {  	s6 =	ssub.s32 $0x0, s21;
	[sflag:s23] =	ssyncset.done $0x0  }
0xa2: {  	[sflag:s23] =	ssyncadd.s32 s6;
	_ =	sdelay $0x1  }
0xa3: {  	s24 =	simm.s32 $0x1B8B  }
0xa4: {  	_ =	swait.ge [sflag:s24], $0x1  }
0xa5: {  	[sflag:s24] =	ssyncset.done $0x0  }
0xa6: {  	s25 =	simm.s32 $0x1B8E;
	[sflag:s24] =	ssyncadd.s32 $0xFFFFFFFF  }
0xa7: {  	s26 =	simm.s32 $execute0_lowered;
	[smem:$0x3FD2] =	sst s25  }
0xa8: {  	s6 =	sshll.u32 s26, $0x1;
	_ =	strace $0x80000046;
	[dreg:$0x1] =	wrdreg $0xFFFFFFFF  }
0xa9: {  	s28 =	simm.s32 $_size_execute0_lowered;
	s5 =	sadd.s32 s5, s6;
	[dreg:$0x0] =	wrdreg $0x0  }
0xaa: {  	s6 =	sshll.u32 s28, $0x1;
	[dreg:$0x2] =	wrdreg s5  }
0xab: {  	[dreg:$0x3] =	wrdreg s6  }
0xac: {  	[dreg:$0x4] =	wrdreg $0xC0  }
0xad: {  	_ =	task [dreg:s9], $0x5FFFF  }
0xae: {  	[dreg:$0x1] =	wrdreg $0xFFFFFFFF  }
0xaf: {  	[dreg:$0x0] =	wrdreg $0x60  }
0xb0: {  	[dreg:$0x2] =	wrdreg s2  }
0xb1: {  	[dreg:$0x3] =	wrdreg s19  }
0xb2: {  	[dreg:$0x4] =	wrdreg s4  }
0xb3: {  	[dreg:$0x5] =	wrdreg $0x9  }
0xb4: {  	_ =	task.clear_ibuf [dreg:s9], $0x6FFFF;
	_ =	strace $0x90000046  }
0xb5: {  	s29 =	simm.s32 $0x9;
	_ =	strace $0x80000048  }
0xb6: {  	_ =	swait.ge [sflag:s29], $0x1  }
0xb7: {  	[sflag:s29] =	ssyncadd.s32 $0xFFFFFFFF  }
0xb8: {  	_ =	strace $0x90000048  }
0xb9: {  	_ =	sfence  }
0xba: {  	s30 =	sld [smem:$0x0];
	_ =	sdelay $0x2  }
0xbb: {  	s31 =	sshll.u32 s1, $0xD;
	s1 =	sshrl.u32 s1, $0x2  }
0xbc: {  	s3 =	sand.u32 $0x4000, s31;
	s1 =	sadd.s32 s1, s30  }
0xbd: {  	s0 =	sor.u32 s3, s0;
	s1 =	sshll.u32 s1, $0x11  }
0xbe: {  	s0 =	sor.u32 s1, s0  }
0xbf: {  	s0 =	sadd.s32 $0x8F2B, s0  }
0xc0: {  	[sflag:s0] =	ssyncadd.remote.s32 $0x1  }
0xc1: {  	_ =	sfence.sel $0xFFFF  }
0xc2: {  	[dreg:$0x0] =	wrdreg $0xFFFFFFFF;
	(pc) =	sbr.abs _section_cstart, $3  }
0xc3: {  	[dreg:$0x1] =	wrdreg $0xFFFFFFFF  }
0xc4: {  	_ =	task.clear_ibuf [dreg:s9], $0x2FFFF;
	_ =	strace $0x9FFFFFFF  }
0xc5: {  	(tm) =	ssettm $0x7FFFFFFF  }
tec
execute0_lowered:
.L_overlay_start_1:
0x0: {  	(tag) =	ssettag $0x1  }
0x1: {  	s1 =	rddreg [dreg:$0x0]  }
0x2: {  	s0 =	srdreg.scid;
	s4 =	rddreg [dreg:$0x1]  }
0x3: {  	s2 =	stileid.u32;
	s20 =	rddreg [dreg:$0x2];
	s5 =	simm.s32 $0x0  }
0x4: {  	s30 =	simm.s32 $0x15000;
	s31 =	simm.s32 $0x18000;
	s8 =	simm.s32 $0x3  }
0x5: {  	s9 =	simm.s32 $0x4;
	s10 =	simm.s32 $0x5;
	s11 =	simm.s32 $0x6  }
0x6: {  	s0 =	sand.u32 $0x1, s0;
	s2 =	sshll.u32 s2, $0x6;
	[smem:$0x7FF] =	sst s5  }
0x7: {  	s28 =	sadd.s32 $0x18000, s20;
	s29 =	sadd.s32 $0x30000, s20;
	s3 =	sshll.u32 s0, $0x5  }
0x8: {  	s0 =	ssub.s32 $0x2, s0;
	_ =	strace $0x80000047;
	[dreg:$0x10] =	wrdreg s28  }
0x9: {  	[dreg:$0x11] =	wrdreg s29;
	s7 =	sor.u32 s3, s2;
	s6 =	sshrl.u32 s0, $0x1  }
0xa: {  	s2 =	sshrl.u32 s7, $0x3;
	s0 =	ssub.s32 s0, s6;
	s24 =	sor.u32 $0x1000, s7  }
0xb: {  	s25 =	sor.u32 $0x1400, s7;
	s14 =	smul.u32 $0x1800, s2;
	[dreg:$0xd] =	wrdreg s24  }
0xc: {  	s26 =	sor.u32 $0x1C00, s7;
	s2 =	smul.u32 $0x300, s2;
	[dreg:$0xe] =	wrdreg s25  }
0xd: {  	s12 =	simm.s32 $0x7;
	[dreg:$0xf] =	wrdreg s26;
	s0 =	smax.u32 s0, $0x1  }
0xe: {  	[dreg:$0x12] =	wrdreg s0;
	s15 =	sadd.s32 s1, s2;
	s2 =	sadd.s32 s4, s2  }
0xf: {  	s13 =	simm.s32 $0x8;
	s6 =	simm.s32 $0xF;
	[dreg:$0x5] =	wrdreg s2  }
0x10: {  	s0 =	simm.s32 $0x1;
	s17 =	sadd.s32 $0x18000, s15;
	[dreg:$0x4] =	wrdreg s15  }
0x11: {  	s3 =	sshrl.u32 s14, $0x3;
	s18 =	sadd.s32 $0x18600, s15;
	[dreg:$0x7] =	wrdreg s17  }
0x12: {  	s4 =	simm.s32 $0x0;
	s19 =	sadd.s32 $0x30000, s15;
	[dreg:$0x8] =	wrdreg s18  }
0x13: {  	s3 =	sadd.s32 s1, s3;
	s21 =	sadd.s32 $0x30600, s15;
	[dreg:$0x9] =	wrdreg s19  }
.Ltmp0:
0x14: {  	s22 =	sadd.s32 $0x48000, s15;
	[dreg:$0xa] =	wrdreg s21;
	(pc) =	sbr.rel .LBB2_1-.Ltmp0, $4  }
0x15: {  	s23 =	sadd.s32 $0x48600, s15;
	s2 =	simm.s32 $0x1B000;
	[dreg:$0xb] =	wrdreg s22  }
0x16: {  	s16 =	sadd.s32 $0x600, s3;
	[dreg:$0xc] =	wrdreg s23;
	s17 =	sor.u32 $0x1800, s7  }
0x17: {  	s19 =	smov.u32 s7;
	s21 =	sadd.s32 $0x48000, s20;
	s7 =	simm.s32 $0x2  }
0x18: {  	s22 =	simm.s32 $0xE;
	s23 =	simm.s32 $0x10;
	[dreg:$0x6] =	wrdreg s16  }
.LBB2_36:
0x19: {  	s3 =	simm.s32 $0x9  }
0x1a: {  	_ =	swait.ge [sflag:s3], $0x3000  }
0x1b: {  	[sflag:s3] =	ssyncset.done $0x0  }
0x1c: {  	s24 =	simm.s32 $0xA;
	[sflag:s3] =	ssyncadd.s32 $0xFFFFD000  }
0x1d: {  	_ =	swait.ge [sflag:s24], $0x3000  }
0x1e: {  	[sflag:s24] =	ssyncset.done $0x0  }
0x1f: {  	s25 =	simm.s32 $0xB;
	[sflag:s24] =	ssyncadd.s32 $0xFFFFD000  }
0x20: {  	_ =	swait.ge [sflag:s25], $0x3000  }
0x21: {  	[sflag:s25] =	ssyncset.done $0x0  }
0x22: {  	s26 =	simm.s32 $0xC;
	[sflag:s25] =	ssyncadd.s32 $0xFFFFD000  }
0x23: {  	_ =	swait.ge [sflag:s26], $0x3000  }
0x24: {  	[sflag:s26] =	ssyncset.done $0x0  }
0x25: {  	s28 =	simm.s32 $0xD;
	[sflag:s26] =	ssyncadd.s32 $0xFFFFD000  }
0x26: {  	_ =	swait.ge [sflag:s28], $0x3000  }
0x27: {  	[sflag:s28] =	ssyncset.done $0x0  }
0x28: {  	[sflag:s28] =	ssyncadd.s32 $0xFFFFD000  }
0x29: {  	_ =	swait.ge [sflag:s22], $0x3000  }
0x2a: {  	[sflag:s22] =	ssyncset.done $0x0  }
0x2b: {  	[sflag:s22] =	ssyncadd.s32 $0xFFFFD000  }
0x2c: {  	_ =	swait.ge [sflag:s6], $0x3000  }
0x2d: {  	[sflag:s6] =	ssyncset.done $0x0  }
0x2e: {  	[sflag:s6] =	ssyncadd.s32 $0xFFFFD000  }
0x2f: {  	_ =	swait.ge [sflag:s23], $0x3000  }
0x30: {  	s4 =	rddreg [dreg:$0x13]  }
0x31: {  	s29 =	rddreg [dreg:$0x12];
	s4 =	sadd.s32 $0x1, s4  }
0x32: {  	p0 =	sne.s32 s4, s29  }
.Ltmp1:
0x33: {  	_ = 	snop;
	(pc) =	sbr.rel @!p0 .LBB2_37-.Ltmp1, $3  }
0x34: {  	_ =	sdelay $0x1  }
0x35: {  	[sflag:s23] =	ssyncset.done $0x0  }
0x36: {  	[sflag:s23] =	ssyncadd.s32 $0xFFFFD000  }
.LBB2_1:
0x37: {  	[dreg:$0x13] =	wrdreg s4  }
0x38: {  	s3 =	rddreg [dreg:$0x5];
	s24 =	simm.s32 $0x11  }
0x39: {  	[tilespmem:s5], [sflag:$0x11] =	stream.linear.gather [hbm4b:s3+s5], $0x6000, $0x38;
	[tilespmem:$0x1E000] =	vst v63  }
0x3a: {  	_ =	swait.ge [sflag:s24], $0x6000  }
0x3b: {  	[sflag:s24] =	ssyncset.done $0x0  }
0x3c: {  	s26 =	simm.s32 $0x6000;
	s25 =	rddreg [dreg:$0x4];
	[sflag:s24] =	ssyncadd.s32 $0xFFFFA000  }
0x3d: {  	[tilespmem:s26], [sflag:$0x1] =	stream.linear.gather [hbm4b:s25+s5], $0x3000, $0x38;
	[tilespmem:$0x1E000] =	vst v63  }
0x3e: {  	s29 =	simm.s32 $0x9000;
	s28 =	rddreg [dreg:$0x6]  }
0x3f: {  	[tilespmem:s29], [sflag:$0x2] =	stream.linear.gather [hbm4b:s28+s5], $0x3000, $0x38;
	[tilespmem:$0x1E000] =	vst v63  }
0x40: {  	s15 =	simm.s32 $0xC000;
	s14 =	rddreg [dreg:$0x7]  }
0x41: {  	[tilespmem:s15], [sflag:$0x3] =	stream.linear.gather [hbm4b:s14+s5], $0x3000, $0x38;
	[tilespmem:$0x1E000] =	vst v63  }
0x42: {  	s18 =	simm.s32 $0xF000;
	s16 =	rddreg [dreg:$0x8]  }
0x43: {  	[tilespmem:s18], [sflag:$0x4] =	stream.linear.gather [hbm4b:s16+s5], $0x3000, $0x38;
	[tilespmem:$0x1E000] =	vst v63  }
0x44: {  	s24 =	rddreg [dreg:$0x9];
	s25 =	simm.s32 $0x12000  }
0x45: {  	[tilespmem:s25], [sflag:$0x5] =	stream.linear.gather [hbm4b:s24+s5], $0x3000, $0x38;
	[tilespmem:$0x1E000] =	vst v63  }
0x46: {  	s26 =	rddreg [dreg:$0xa]  }
0x47: {  	[tilespmem:s30], [sflag:$0x6] =	stream.linear.gather [hbm4b:s26+s5], $0x3000, $0x38;
	[tilespmem:$0x1E000] =	vst v63  }
0x48: {  	s28 =	rddreg [dreg:$0xb]  }
0x49: {  	[tilespmem:s31], [sflag:$0x7] =	stream.linear.gather [hbm4b:s28+s5], $0x3000, $0x38;
	[tilespmem:$0x1E000] =	vst v63  }
0x4a: {  	s29 =	rddreg [dreg:$0xc];
	s14 =	simm.s32 $0x0  }
0x4b: {  	[tilespmem:s2], [sflag:$0x8] =	stream.linear.gather [hbm4b:s29+s5], $0x3000, $0x38;
	[tilespmem:$0x1E000] =	vst v63  }
.LBB2_2:
0x4c: {  	_ =	swait.ge [sflag:s0], $0x3000  }
0x4d: {  	[sflag:s0] =	ssyncset.done $0x0  }
0x4e: {  	s24 =	simm.s32 $0x0;
	s25 =	simm.s32 $0x0;
	[sflag:s0] =	ssyncadd.s32 $0xFFFFD000  }
.LBB2_3:
0x4f: {  	s3 =	sshrl.u32 s25, $0x3  }
0x50: {  	s4 =	sand.u32 $0x7, s24;
	s3 =	smul.u32 $0x6000, s3  }
0x51: {  	s4 =	sshll.u32 s4, $0x9  }
0x52: {  	s3 =	sor.u32 s4, s3  }
0x53: {  	s3 =	sshra.s32 s3, $0x2  }
0x54: {  	s18 =	sadd.s32 $0x6400, s3  }
0x55: {  	s4 =	sor.u32 $0x400, s3;
	v1 =	vld [tilespmem:s18+$0x70]  }
0x56: {  	v2 =	vld [tilespmem:s4+$0x70]  }
0x57: {  	v0 =	vld [tilespmem:s4+$0xFFFFFC00]  }
0x58: {  	v3 =	vld [tilespmem:s18+$0xFFFFFC10]  }
0x59: {  	v4 =	vld [tilespmem:s4+$0xFFFFFC10]  }
0x5a: {  	v5 =	vld [tilespmem:s18+$0xFFFFFC20]  }
0x5b: {  	v6 =	vld [tilespmem:s4+$0xFFFFFC20]  }
0x5c: {  	v7 =	vld [tilespmem:s18+$0xFFFFFC30]  }
0x5d: {  	v8 =	vld [tilespmem:s4+$0xFFFFFC30]  }
0x5e: {  	v9 =	vld [tilespmem:s18+$0xFFFFFC40]  }
0x5f: {  	v10 =	vld [tilespmem:s4+$0xFFFFFC40]  }
0x60: {  	v11 =	vld [tilespmem:s18+$0xFFFFFC50]  }
0x61: {  	v12 =	vld [tilespmem:s4+$0xFFFFFC50]  }
0x62: {  	v13 =	vld [tilespmem:s18+$0xFFFFFC60]  }
0x63: {  	v14 =	vld [tilespmem:s4+$0xFFFFFC60]  }
0x64: {  	v15 =	vld [tilespmem:s18+$0xFFFFFC70]  }
0x65: {  	v16 =	vld [tilespmem:s4+$0xFFFFFC70]  }
0x66: {  	v17 =	vld [tilespmem:s18+$0x0]  }
0x67: {  	v61 =	vld [tilespmem:s4+$0x30];
	v1 =	vadd.f32 v2, v1  }
0x68: {  	v2 =	vld [tilespmem:s4+$0x0];
	v3 =	vadd.f32 v4, v3  }
0x69: {  	v4 =	vld [tilespmem:s18+$0x10];
	[tilespmem:s18+$0x70] =	vst v1;
	v1 =	vadd.f32 v6, v5  }
0x6a: {  	v5 =	vld [tilespmem:s4+$0x10];
	[tilespmem:s18+$0xFFFFFC10] =	vst v3;
	v3 =	vadd.f32 v8, v7  }
0x6b: {  	v6 =	vld [tilespmem:s18+$0x20];
	[tilespmem:s18+$0xFFFFFC20] =	vst v1;
	v1 =	vadd.f32 v10, v9  }
0x6c: {  	v7 =	vld [tilespmem:s4+$0x20];
	[tilespmem:s18+$0xFFFFFC30] =	vst v3;
	v3 =	vadd.f32 v12, v11  }
0x6d: {  	v8 =	vld [tilespmem:s18+$0x30];
	v2 =	vadd.f32 v2, v17;
	[tilespmem:s18+$0xFFFFFC40] =	vst v1  }
0x6e: {  	v62 =	vld [tilespmem:s18+$0x40];
	v1 =	vadd.f32 v14, v13;
	[tilespmem:s18+$0xFFFFFC50] =	vst v3  }
0x6f: {  	v63 =	vld [tilespmem:s4+$0x40];
	v3 =	vadd.f32 v16, v15;
	[tilespmem:s18+$0x0] =	vst v2  }
0x70: {  	v4 =	vadd.f32 v5, v4;
	[tilespmem:s18+$0xFFFFFC60] =	vst v1;
	v1 =	vld [tilespmem:s18+$0x50]  }
0x71: {  	v5 =	vadd.f32 v7, v6;
	[tilespmem:s18+$0xFFFFFC70] =	vst v3;
	v3 =	vld [tilespmem:s4+$0x50]  }
0x72: {  	v6 =	vadd.f32 v61, v8;
	v2 =	vld [tilespmem:s18+$0x60];
	[tilespmem:s18+$0x10] =	vst v4  }
0x73: {  	[tilespmem:s18+$0x20] =	vst v5;
	v5 =	vld [tilespmem:s4+$0x60]  }
0x74: {  	s3 =	simm.s32 $0x0;
	s15 =	sadd.s32 $0x800, s18;
	v4 =	vld [tilespmem:s18+$0xFFFFFC00];
	[tilespmem:s18+$0x30] =	vst v6;
	v6 =	vadd.f32 v63, v62  }
.LBB2_4:
0x75: {  	v7 =	vld [tilespmem:s15+$0x70];
	s4 =	sadd.s32 $0x800, s4  }
0x76: {  	s3 =	sadd.s32 $0x100, s3;
	v8 =	vld [tilespmem:s4+$0x70];
	[tilespmem:s18+$0x40] =	vst v6;
	v1 =	vadd.f32 v3, v1  }
0x77: {  	p0 =	slt.u32 s3, $0x200;
	v3 =	vld [tilespmem:s4+$0xFFFFFC00]  }
0x78: {  	v6 =	vld [tilespmem:s15+$0xFFFFFC10];
	[tilespmem:s18+$0x50] =	vst v1;
	v1 =	vadd.f32 v5, v2  }
0x79: {  	v2 =	vld [tilespmem:s4+$0xFFFFFC10];
	v9 =	vadd.f32 v0, v4  }
0x7a: {  	v4 =	vld [tilespmem:s15+$0xFFFFFC20];
	[tilespmem:s18+$0x60] =	vst v1  }
0x7b: {  	v1 =	vld [tilespmem:s4+$0xFFFFFC20];
	v5 =	vadd.f32 v8, v7;
	[tilespmem:s18+$0xFFFFFC00] =	vst v9;
	s18 =	smov.u32 s15  }
0x7c: {  	v7 =	vld [tilespmem:s15+$0xFFFFFC30];
	v0 =	vmov v3  }
0x7d: {  	v3 =	vld [tilespmem:s4+$0xFFFFFC30];
	[tilespmem:s15+$0x70] =	vst v5  }
0x7e: {  	v2 =	vadd.f32 v2, v6;
	v5 =	vld [tilespmem:s15+$0xFFFFFC40]  }
0x7f: {  	v6 =	vld [tilespmem:s4+$0xFFFFFC40]  }
0x80: {  	[tilespmem:s15+$0xFFFFFC10] =	vst v2;
	v1 =	vadd.f32 v1, v4;
	v2 =	vld [tilespmem:s15+$0xFFFFFC50]  }
0x81: {  	v4 =	vld [tilespmem:s4+$0xFFFFFC50]  }
0x82: {  	[tilespmem:s15+$0xFFFFFC20] =	vst v1;
	v1 =	vadd.f32 v3, v7;
	v3 =	vld [tilespmem:s15+$0xFFFFFC60]  }
0x83: {  	v7 =	vld [tilespmem:s4+$0xFFFFFC60]  }
0x84: {  	[tilespmem:s15+$0xFFFFFC30] =	vst v1;
	v1 =	vadd.f32 v6, v5;
	v5 =	vld [tilespmem:s15+$0xFFFFFC70]  }
0x85: {  	v6 =	vld [tilespmem:s4+$0xFFFFFC70]  }
0x86: {  	[tilespmem:s15+$0xFFFFFC40] =	vst v1;
	v1 =	vadd.f32 v4, v2;
	v2 =	vld [tilespmem:s15+$0x0]  }
0x87: {  	v4 =	vld [tilespmem:s4+$0x0]  }
0x88: {  	[tilespmem:s15+$0xFFFFFC50] =	vst v1;
	v1 =	vadd.f32 v7, v3;
	v3 =	vld [tilespmem:s15+$0x10]  }
0x89: {  	v7 =	vld [tilespmem:s4+$0x10]  }
0x8a: {  	[tilespmem:s15+$0xFFFFFC60] =	vst v1;
	v1 =	vadd.f32 v6, v5;
	v5 =	vld [tilespmem:s15+$0x20]  }
0x8b: {  	v6 =	vld [tilespmem:s4+$0x20]  }
0x8c: {  	[tilespmem:s15+$0xFFFFFC70] =	vst v1;
	v1 =	vadd.f32 v4, v2;
	v2 =	vld [tilespmem:s15+$0x30]  }
0x8d: {  	v4 =	vld [tilespmem:s4+$0x30]  }
0x8e: {  	[tilespmem:s15+$0x0] =	vst v1;
	v1 =	vadd.f32 v7, v3;
	v7 =	vld [tilespmem:s15+$0x40]  }
0x8f: {  	v8 =	vld [tilespmem:s4+$0x40]  }
.Ltmp2:
0x90: {  	[tilespmem:s15+$0x10] =	vst v1;
	v5 =	vadd.f32 v6, v5;
	v1 =	vld [tilespmem:s15+$0x50];
	(pc) =	sbr.rel @p0 .LBB2_4-.Ltmp2, $4  }
0x91: {  	v3 =	vld [tilespmem:s4+$0x50]  }
0x92: {  	[tilespmem:s15+$0x20] =	vst v5;
	v6 =	vadd.f32 v4, v2;
	v2 =	vld [tilespmem:s15+$0x60]  }
0x93: {  	v5 =	vld [tilespmem:s4+$0x60]  }
0x94: {  	s15 =	sadd.s32 $0x800, s15;
	v4 =	vld [tilespmem:s18+$0xFFFFFC00];
	[tilespmem:s18+$0x30] =	vst v6;
	v6 =	vadd.f32 v8, v7  }
0x95: {  	s25 =	sadd.s32 $0x1, s25  }
0x96: {  	p0 =	sne.s32 s25, $0x10  }
.Ltmp3:
0x97: {  	v1 =	vadd.f32 v3, v1;
	(pc) =	sbr.rel @p0 .LBB2_3-.Ltmp3, $4  }
0x98: {  	[tilespmem:s18+$0x40] =	vst v6;
	v2 =	vadd.f32 v5, v2  }
0x99: {  	[tilespmem:s18+$0x50] =	vst v1;
	v0 =	vadd.f32 v0, v4  }
0x9a: {  	[tilespmem:s18+$0x60] =	vst v2  }
0x9b: {  	s24 =	sadd.s32 $0x1, s24;
	[tilespmem:s18+$0xFFFFFC00] =	vst v0  }
0x9c: {  	s24 =	sshll.u32 s14, $0xC  }
0x9d: {  	s3 =	sor.u32 s19, s24  }
0x9e: {  	s25 =	sshrl.u32 s3, $0x3  }
0x9f: {  	s26 =	smul.u32 $0x300, s25;
	_ =	sdelay $0x1  }
0xa0: {  	s28 =	simm.s32 $0x0;
	s4 =	simm.s32 $0x6000;
	s18 =	sadd.s32 s20, s26  }
0xa1: {  	[hbm4b:s18+s28] =	stream.linear.scatter [tilespmem:s4], [sflag:$0x9], $0x3000, $0x38;
	[tilespmem:$0x1E000] =	vst v63  }
0xa2: {  	_ =	swait.ge [sflag:s7], $0x3000  }
0xa3: {  	[sflag:s7] =	ssyncset.done $0x0  }
0xa4: {  	s29 =	simm.s32 $0x0;
	[sflag:s7] =	ssyncadd.s32 $0xFFFFD000  }
.LBB2_7:
0xa5: {  	s3 =	sshrl.u32 s29, $0x3  }
0xa6: {  	s4 =	sand.u32 $0x7, s28;
	s3 =	smul.u32 $0x6000, s3  }
0xa7: {  	s4 =	sshll.u32 s4, $0x9  }
0xa8: {  	s3 =	sor.u32 s4, s3  }
0xa9: {  	s3 =	sshra.s32 s3, $0x2  }
0xaa: {  	s18 =	sadd.s32 $0x9400, s3  }
0xab: {  	s4 =	sadd.s32 $0x3470, s3;
	v1 =	vld [tilespmem:s18+$0x70]  }
0xac: {  	v2 =	vld [tilespmem:s4+$0x0]  }
0xad: {  	v0 =	vld [tilespmem:s4+$0xFFFFFB90]  }
0xae: {  	v3 =	vld [tilespmem:s18+$0xFFFFFC10]  }
0xaf: {  	v4 =	vld [tilespmem:s4+$0xFFFFFBA0]  }
0xb0: {  	v5 =	vld [tilespmem:s18+$0xFFFFFC20]  }
0xb1: {  	v6 =	vld [tilespmem:s4+$0xFFFFFBB0]  }
0xb2: {  	v7 =	vld [tilespmem:s18+$0xFFFFFC30]  }
0xb3: {  	v8 =	vld [tilespmem:s4+$0xFFFFFBC0]  }
0xb4: {  	v9 =	vld [tilespmem:s18+$0xFFFFFC40]  }
0xb5: {  	v10 =	vld [tilespmem:s4+$0xFFFFFBD0]  }
0xb6: {  	v11 =	vld [tilespmem:s18+$0xFFFFFC50]  }
0xb7: {  	v12 =	vld [tilespmem:s4+$0xFFFFFBE0]  }
0xb8: {  	v13 =	vld [tilespmem:s18+$0xFFFFFC60]  }
0xb9: {  	v14 =	vld [tilespmem:s4+$0xFFFFFBF0]  }
0xba: {  	v15 =	vld [tilespmem:s18+$0xFFFFFC70]  }
0xbb: {  	v16 =	vld [tilespmem:s4+$0xFFFFFC00]  }
0xbc: {  	v17 =	vld [tilespmem:s18+$0x0]  }
0xbd: {  	v61 =	vld [tilespmem:s4+$0xFFFFFFC0];
	v1 =	vadd.f32 v2, v1  }
0xbe: {  	v2 =	vld [tilespmem:s4+$0xFFFFFF90];
	v3 =	vadd.f32 v4, v3  }
0xbf: {  	v4 =	vld [tilespmem:s18+$0x10];
	[tilespmem:s18+$0x70] =	vst v1;
	v1 =	vadd.f32 v6, v5  }
0xc0: {  	v5 =	vld [tilespmem:s4+$0xFFFFFFA0];
	[tilespmem:s18+$0xFFFFFC10] =	vst v3;
	v3 =	vadd.f32 v8, v7  }
0xc1: {  	v6 =	vld [tilespmem:s18+$0x20];
	[tilespmem:s18+$0xFFFFFC20] =	vst v1;
	v1 =	vadd.f32 v10, v9  }
0xc2: {  	v7 =	vld [tilespmem:s4+$0xFFFFFFB0];
	[tilespmem:s18+$0xFFFFFC30] =	vst v3;
	v3 =	vadd.f32 v12, v11  }
0xc3: {  	v8 =	vld [tilespmem:s18+$0x30];
	v2 =	vadd.f32 v2, v17;
	[tilespmem:s18+$0xFFFFFC40] =	vst v1  }
0xc4: {  	v62 =	vld [tilespmem:s18+$0x40];
	v1 =	vadd.f32 v14, v13;
	[tilespmem:s18+$0xFFFFFC50] =	vst v3  }
0xc5: {  	v63 =	vld [tilespmem:s4+$0xFFFFFFD0];
	v3 =	vadd.f32 v16, v15;
	[tilespmem:s18+$0x0] =	vst v2  }
0xc6: {  	v4 =	vadd.f32 v5, v4;
	[tilespmem:s18+$0xFFFFFC60] =	vst v1;
	v1 =	vld [tilespmem:s18+$0x50]  }
0xc7: {  	v5 =	vadd.f32 v7, v6;
	[tilespmem:s18+$0xFFFFFC70] =	vst v3;
	v3 =	vld [tilespmem:s4+$0xFFFFFFE0]  }
0xc8: {  	v6 =	vadd.f32 v61, v8;
	v2 =	vld [tilespmem:s18+$0x60];
	[tilespmem:s18+$0x10] =	vst v4  }
0xc9: {  	[tilespmem:s18+$0x20] =	vst v5;
	v5 =	vld [tilespmem:s4+$0xFFFFFFF0]  }
0xca: {  	s3 =	simm.s32 $0x0;
	s15 =	sadd.s32 $0x800, s18;
	v4 =	vld [tilespmem:s18+$0xFFFFFC00];
	[tilespmem:s18+$0x30] =	vst v6;
	v6 =	vadd.f32 v63, v62  }
.LBB2_8:
0xcb: {  	v7 =	vld [tilespmem:s15+$0x70];
	s4 =	sadd.s32 $0x800, s4  }
0xcc: {  	s3 =	sadd.s32 $0x100, s3;
	v8 =	vld [tilespmem:s4+$0x0];
	[tilespmem:s18+$0x40] =	vst v6;
	v1 =	vadd.f32 v3, v1  }
0xcd: {  	p0 =	slt.u32 s3, $0x200;
	v3 =	vld [tilespmem:s4+$0xFFFFFB90]  }
0xce: {  	v6 =	vld [tilespmem:s15+$0xFFFFFC10];
	[tilespmem:s18+$0x50] =	vst v1;
	v1 =	vadd.f32 v5, v2  }
0xcf: {  	v2 =	vld [tilespmem:s4+$0xFFFFFBA0];
	v9 =	vadd.f32 v0, v4  }
0xd0: {  	v4 =	vld [tilespmem:s15+$0xFFFFFC20];
	[tilespmem:s18+$0x60] =	vst v1  }
0xd1: {  	v1 =	vld [tilespmem:s4+$0xFFFFFBB0];
	v5 =	vadd.f32 v8, v7;
	[tilespmem:s18+$0xFFFFFC00] =	vst v9;
	s18 =	smov.u32 s15  }
0xd2: {  	v7 =	vld [tilespmem:s15+$0xFFFFFC30];
	v0 =	vmov v3  }
0xd3: {  	v3 =	vld [tilespmem:s4+$0xFFFFFBC0];
	[tilespmem:s15+$0x70] =	vst v5  }
0xd4: {  	v2 =	vadd.f32 v2, v6;
	v5 =	vld [tilespmem:s15+$0xFFFFFC40]  }
0xd5: {  	v6 =	vld [tilespmem:s4+$0xFFFFFBD0]  }
0xd6: {  	[tilespmem:s15+$0xFFFFFC10] =	vst v2;
	v1 =	vadd.f32 v1, v4;
	v2 =	vld [tilespmem:s15+$0xFFFFFC50]  }
0xd7: {  	v4 =	vld [tilespmem:s4+$0xFFFFFBE0]  }
0xd8: {  	[tilespmem:s15+$0xFFFFFC20] =	vst v1;
	v1 =	vadd.f32 v3, v7;
	v3 =	vld [tilespmem:s15+$0xFFFFFC60]  }
0xd9: {  	v7 =	vld [tilespmem:s4+$0xFFFFFBF0]  }
0xda: {  	[tilespmem:s15+$0xFFFFFC30] =	vst v1;
	v1 =	vadd.f32 v6, v5;
	v5 =	vld [tilespmem:s15+$0xFFFFFC70]  }
0xdb: {  	v6 =	vld [tilespmem:s4+$0xFFFFFC00]  }
0xdc: {  	[tilespmem:s15+$0xFFFFFC40] =	vst v1;
	v1 =	vadd.f32 v4, v2;
	v2 =	vld [tilespmem:s15+$0x0]  }
0xdd: {  	v4 =	vld [tilespmem:s4+$0xFFFFFF90]  }
0xde: {  	[tilespmem:s15+$0xFFFFFC50] =	vst v1;
	v1 =	vadd.f32 v7, v3;
	v3 =	vld [tilespmem:s15+$0x10]  }
0xdf: {  	v7 =	vld [tilespmem:s4+$0xFFFFFFA0]  }
0xe0: {  	[tilespmem:s15+$0xFFFFFC60] =	vst v1;
	v1 =	vadd.f32 v6, v5;
	v5 =	vld [tilespmem:s15+$0x20]  }
0xe1: {  	v6 =	vld [tilespmem:s4+$0xFFFFFFB0]  }
0xe2: {  	[tilespmem:s15+$0xFFFFFC70] =	vst v1;
	v1 =	vadd.f32 v4, v2;
	v2 =	vld [tilespmem:s15+$0x30]  }
0xe3: {  	v4 =	vld [tilespmem:s4+$0xFFFFFFC0]  }
0xe4: {  	[tilespmem:s15+$0x0] =	vst v1;
	v1 =	vadd.f32 v7, v3;
	v7 =	vld [tilespmem:s15+$0x40]  }
0xe5: {  	v8 =	vld [tilespmem:s4+$0xFFFFFFD0]  }
.Ltmp4:
0xe6: {  	[tilespmem:s15+$0x10] =	vst v1;
	v5 =	vadd.f32 v6, v5;
	v1 =	vld [tilespmem:s15+$0x50];
	(pc) =	sbr.rel @p0 .LBB2_8-.Ltmp4, $4  }
0xe7: {  	v3 =	vld [tilespmem:s4+$0xFFFFFFE0]  }
0xe8: {  	[tilespmem:s15+$0x20] =	vst v5;
	v6 =	vadd.f32 v4, v2;
	v2 =	vld [tilespmem:s15+$0x60]  }
0xe9: {  	v5 =	vld [tilespmem:s4+$0xFFFFFFF0]  }
0xea: {  	s15 =	sadd.s32 $0x800, s15;
	v4 =	vld [tilespmem:s18+$0xFFFFFC00];
	[tilespmem:s18+$0x30] =	vst v6;
	v6 =	vadd.f32 v8, v7  }
0xeb: {  	s29 =	sadd.s32 $0x1, s29  }
0xec: {  	p0 =	sne.s32 s29, $0x10  }
.Ltmp5:
0xed: {  	v1 =	vadd.f32 v3, v1;
	(pc) =	sbr.rel @p0 .LBB2_7-.Ltmp5, $4  }
0xee: {  	[tilespmem:s18+$0x40] =	vst v6;
	v2 =	vadd.f32 v5, v2  }
0xef: {  	[tilespmem:s18+$0x50] =	vst v1;
	v0 =	vadd.f32 v0, v4  }
0xf0: {  	[tilespmem:s18+$0x60] =	vst v2  }
0xf1: {  	s28 =	sadd.s32 $0x1, s28;
	[tilespmem:s18+$0xFFFFFC00] =	vst v0  }
0xf2: {  	s3 =	smul.u32 $0x1800, s25;
	_ =	sdelay $0x1  }
0xf3: {  	s3 =	sshrl.u32 s3, $0x3  }
0xf4: {  	s25 =	sadd.s32 s20, s3  }
0xf5: {  	s28 =	simm.s32 $0x0;
	s4 =	simm.s32 $0x9000;
	s3 =	sadd.s32 $0x600, s25  }
0xf6: {  	[hbm4b:s3+s28] =	stream.linear.scatter [tilespmem:s4], [sflag:$0xA], $0x3000, $0x38;
	[tilespmem:$0x1E000] =	vst v63  }
0xf7: {  	_ =	swait.ge [sflag:s8], $0x3000  }
0xf8: {  	[sflag:s8] =	ssyncset.done $0x0  }
0xf9: {  	s29 =	simm.s32 $0x0;
	[sflag:s8] =	ssyncadd.s32 $0xFFFFD000  }
.LBB2_11:
0xfa: {  	s3 =	sshrl.u32 s29, $0x3  }
0xfb: {  	s4 =	sand.u32 $0x7, s28;
	s3 =	smul.u32 $0x6000, s3  }
0xfc: {  	s4 =	sshll.u32 s4, $0x9  }
0xfd: {  	s3 =	sor.u32 s4, s3  }
0xfe: {  	s3 =	sshra.s32 s3, $0x2  }
0xff: {  	s18 =	sadd.s32 $0xC400, s3  }
0x100: {  	s4 =	sor.u32 $0x400, s3;
	v1 =	vld [tilespmem:s18+$0x70]  }
0x101: {  	v2 =	vld [tilespmem:s4+$0x70]  }
0x102: {  	v0 =	vld [tilespmem:s4+$0xFFFFFC00]  }
0x103: {  	v3 =	vld [tilespmem:s18+$0xFFFFFC10]  }
0x104: {  	v4 =	vld [tilespmem:s4+$0xFFFFFC10]  }
0x105: {  	v5 =	vld [tilespmem:s18+$0xFFFFFC20]  }
0x106: {  	v6 =	vld [tilespmem:s4+$0xFFFFFC20]  }
0x107: {  	v7 =	vld [tilespmem:s18+$0xFFFFFC30]  }
0x108: {  	v8 =	vld [tilespmem:s4+$0xFFFFFC30]  }
0x109: {  	v9 =	vld [tilespmem:s18+$0xFFFFFC40]  }
0x10a: {  	v10 =	vld [tilespmem:s4+$0xFFFFFC40]  }
0x10b: {  	v11 =	vld [tilespmem:s18+$0xFFFFFC50]  }
0x10c: {  	v12 =	vld [tilespmem:s4+$0xFFFFFC50]  }
0x10d: {  	v13 =	vld [tilespmem:s18+$0xFFFFFC60]  }
0x10e: {  	v14 =	vld [tilespmem:s4+$0xFFFFFC60]  }
0x10f: {  	v15 =	vld [tilespmem:s18+$0xFFFFFC70]  }
0x110: {  	v16 =	vld [tilespmem:s4+$0xFFFFFC70]  }
0x111: {  	v17 =	vld [tilespmem:s18+$0x0]  }
0x112: {  	v61 =	vld [tilespmem:s4+$0x30];
	v1 =	vadd.f32 v2, v1  }
0x113: {  	v2 =	vld [tilespmem:s4+$0x0];
	v3 =	vadd.f32 v4, v3  }
0x114: {  	v4 =	vld [tilespmem:s18+$0x10];
	[tilespmem:s18+$0x70] =	vst v1;
	v1 =	vadd.f32 v6, v5  }
0x115: {  	v5 =	vld [tilespmem:s4+$0x10];
	[tilespmem:s18+$0xFFFFFC10] =	vst v3;
	v3 =	vadd.f32 v8, v7  }
0x116: {  	v6 =	vld [tilespmem:s18+$0x20];
	[tilespmem:s18+$0xFFFFFC20] =	vst v1;
	v1 =	vadd.f32 v10, v9  }
0x117: {  	v7 =	vld [tilespmem:s4+$0x20];
	[tilespmem:s18+$0xFFFFFC30] =	vst v3;
	v3 =	vadd.f32 v12, v11  }
0x118: {  	v8 =	vld [tilespmem:s18+$0x30];
	v2 =	vadd.f32 v2, v17;
	[tilespmem:s18+$0xFFFFFC40] =	vst v1  }
0x119: {  	v62 =	vld [tilespmem:s18+$0x40];
	v1 =	vadd.f32 v14, v13;
	[tilespmem:s18+$0xFFFFFC50] =	vst v3  }
0x11a: {  	v63 =	vld [tilespmem:s4+$0x40];
	v3 =	vadd.f32 v16, v15;
	[tilespmem:s18+$0x0] =	vst v2  }
0x11b: {  	v4 =	vadd.f32 v5, v4;
	[tilespmem:s18+$0xFFFFFC60] =	vst v1;
	v1 =	vld [tilespmem:s18+$0x50]  }
0x11c: {  	v5 =	vadd.f32 v7, v6;
	[tilespmem:s18+$0xFFFFFC70] =	vst v3;
	v3 =	vld [tilespmem:s4+$0x50]  }
0x11d: {  	v6 =	vadd.f32 v61, v8;
	v2 =	vld [tilespmem:s18+$0x60];
	[tilespmem:s18+$0x10] =	vst v4  }
0x11e: {  	[tilespmem:s18+$0x20] =	vst v5;
	v5 =	vld [tilespmem:s4+$0x60]  }
0x11f: {  	s3 =	simm.s32 $0x0;
	s15 =	sadd.s32 $0x800, s18;
	v4 =	vld [tilespmem:s18+$0xFFFFFC00];
	[tilespmem:s18+$0x30] =	vst v6;
	v6 =	vadd.f32 v63, v62  }
.LBB2_12:
0x120: {  	v7 =	vld [tilespmem:s15+$0x70];
	s4 =	sadd.s32 $0x800, s4  }
0x121: {  	s3 =	sadd.s32 $0x100, s3;
	v8 =	vld [tilespmem:s4+$0x70];
	[tilespmem:s18+$0x40] =	vst v6;
	v1 =	vadd.f32 v3, v1  }
0x122: {  	p0 =	slt.u32 s3, $0x200;
	v3 =	vld [tilespmem:s4+$0xFFFFFC00]  }
0x123: {  	v6 =	vld [tilespmem:s15+$0xFFFFFC10];
	[tilespmem:s18+$0x50] =	vst v1;
	v1 =	vadd.f32 v5, v2  }
0x124: {  	v2 =	vld [tilespmem:s4+$0xFFFFFC10];
	v9 =	vadd.f32 v0, v4  }
0x125: {  	v4 =	vld [tilespmem:s15+$0xFFFFFC20];
	[tilespmem:s18+$0x60] =	vst v1  }
0x126: {  	v1 =	vld [tilespmem:s4+$0xFFFFFC20];
	v5 =	vadd.f32 v8, v7;
	[tilespmem:s18+$0xFFFFFC00] =	vst v9;
	s18 =	smov.u32 s15  }
0x127: {  	v7 =	vld [tilespmem:s15+$0xFFFFFC30];
	v0 =	vmov v3  }
0x128: {  	v3 =	vld [tilespmem:s4+$0xFFFFFC30];
	[tilespmem:s15+$0x70] =	vst v5  }
0x129: {  	v2 =	vadd.f32 v2, v6;
	v5 =	vld [tilespmem:s15+$0xFFFFFC40]  }
0x12a: {  	v6 =	vld [tilespmem:s4+$0xFFFFFC40]  }
0x12b: {  	[tilespmem:s15+$0xFFFFFC10] =	vst v2;
	v1 =	vadd.f32 v1, v4;
	v2 =	vld [tilespmem:s15+$0xFFFFFC50]  }
0x12c: {  	v4 =	vld [tilespmem:s4+$0xFFFFFC50]  }
0x12d: {  	[tilespmem:s15+$0xFFFFFC20] =	vst v1;
	v1 =	vadd.f32 v3, v7;
	v3 =	vld [tilespmem:s15+$0xFFFFFC60]  }
0x12e: {  	v7 =	vld [tilespmem:s4+$0xFFFFFC60]  }
0x12f: {  	[tilespmem:s15+$0xFFFFFC30] =	vst v1;
	v1 =	vadd.f32 v6, v5;
	v5 =	vld [tilespmem:s15+$0xFFFFFC70]  }
0x130: {  	v6 =	vld [tilespmem:s4+$0xFFFFFC70]  }
0x131: {  	[tilespmem:s15+$0xFFFFFC40] =	vst v1;
	v1 =	vadd.f32 v4, v2;
	v2 =	vld [tilespmem:s15+$0x0]  }
0x132: {  	v4 =	vld [tilespmem:s4+$0x0]  }
0x133: {  	[tilespmem:s15+$0xFFFFFC50] =	vst v1;
	v1 =	vadd.f32 v7, v3;
	v3 =	vld [tilespmem:s15+$0x10]  }
0x134: {  	v7 =	vld [tilespmem:s4+$0x10]  }
0x135: {  	[tilespmem:s15+$0xFFFFFC60] =	vst v1;
	v1 =	vadd.f32 v6, v5;
	v5 =	vld [tilespmem:s15+$0x20]  }
0x136: {  	v6 =	vld [tilespmem:s4+$0x20]  }
0x137: {  	[tilespmem:s15+$0xFFFFFC70] =	vst v1;
	v1 =	vadd.f32 v4, v2;
	v2 =	vld [tilespmem:s15+$0x30]  }
0x138: {  	v4 =	vld [tilespmem:s4+$0x30]  }
0x139: {  	[tilespmem:s15+$0x0] =	vst v1;
	v1 =	vadd.f32 v7, v3;
	v7 =	vld [tilespmem:s15+$0x40]  }
0x13a: {  	v8 =	vld [tilespmem:s4+$0x40]  }
.Ltmp6:
0x13b: {  	[tilespmem:s15+$0x10] =	vst v1;
	v5 =	vadd.f32 v6, v5;
	v1 =	vld [tilespmem:s15+$0x50];
	(pc) =	sbr.rel @p0 .LBB2_12-.Ltmp6, $4  }
0x13c: {  	v3 =	vld [tilespmem:s4+$0x50]  }
0x13d: {  	[tilespmem:s15+$0x20] =	vst v5;
	v6 =	vadd.f32 v4, v2;
	v2 =	vld [tilespmem:s15+$0x60]  }
0x13e: {  	v5 =	vld [tilespmem:s4+$0x60]  }
0x13f: {  	s15 =	sadd.s32 $0x800, s15;
	v4 =	vld [tilespmem:s18+$0xFFFFFC00];
	[tilespmem:s18+$0x30] =	vst v6;
	v6 =	vadd.f32 v8, v7  }
0x140: {  	s29 =	sadd.s32 $0x1, s29  }
0x141: {  	p0 =	sne.s32 s29, $0x10  }
.Ltmp7:
0x142: {  	v1 =	vadd.f32 v3, v1;
	(pc) =	sbr.rel @p0 .LBB2_11-.Ltmp7, $4  }
0x143: {  	[tilespmem:s18+$0x40] =	vst v6;
	v2 =	vadd.f32 v5, v2  }
0x144: {  	[tilespmem:s18+$0x50] =	vst v1;
	v0 =	vadd.f32 v0, v4  }
0x145: {  	[tilespmem:s18+$0x60] =	vst v2  }
0x146: {  	s28 =	sadd.s32 $0x1, s28;
	[tilespmem:s18+$0xFFFFFC00] =	vst v0  }
0x147: {  	s3 =	rddreg [dreg:$0x10]  }
0x148: {  	s4 =	simm.s32 $0xC000;
	s3 =	sadd.s32 s26, s3  }
0x149: {  	[hbm4b:s3+s5] =	stream.linear.scatter [tilespmem:s4], [sflag:$0xB], $0x3000, $0x38;
	[tilespmem:$0x1E000] =	vst v63  }
0x14a: {  	p0 =	seq.s32 s14, $0xF;
	s4 =	rddreg [dreg:$0xd]  }
0x14b: {  	s4 =	sadd.s32 @!p0 s4, s24  }
0x14c: {  	s3 =	simm.s32 @!p0 $0x9;
	s28 =	sshrl.u32 @!p0 s4, $0x3  }
0x14d: {  	_ =	swait.ge @!p0 [sflag:s3], $0x3000;
	s4 =	smul.u32 @!p0 $0x300, s28  }
0x14e: {  	s15 =	simm.s32 @!p0 $0x6000;
	[sflag:s3] =	ssyncset.done @!p0 $0x0  }
0x14f: {  	[sflag:s3] =	ssyncadd.s32 @!p0 $0xFFFFD000;
	s3 =	sadd.s32 @!p0 s1, s4;
	s4 =	simm.s32 @!p0 $0x0  }
0x150: {  	[tilespmem:s15], [sflag:$0x1] =	stream.linear.gather @!p0 [hbm4b:s3+s4], $0x3000, $0x38;
	[tilespmem:$0x1E000] =	vst v63  }
0x151: {  	_ =	swait.ge [sflag:s9], $0x3000  }
0x152: {  	[sflag:s9] =	ssyncset.done $0x0  }
0x153: {  	s29 =	simm.s32 $0x0;
	s18 =	simm.s32 $0x0;
	[sflag:s9] =	ssyncadd.s32 $0xFFFFD000  }
.LBB2_15:
0x154: {  	s3 =	sshrl.u32 s18, $0x3  }
0x155: {  	s4 =	sand.u32 $0x7, s29;
	s3 =	smul.u32 $0x6000, s3  }
0x156: {  	s4 =	sshll.u32 s4, $0x9  }
0x157: {  	s3 =	sor.u32 s4, s3  }
0x158: {  	s3 =	sshra.s32 s3, $0x2  }
0x159: {  	s4 =	sadd.s32 $0xF400, s3  }
0x15a: {  	s3 =	sadd.s32 $0x3470, s3;
	v1 =	vld [tilespmem:s4+$0x70]  }
0x15b: {  	v2 =	vld [tilespmem:s3+$0x0]  }
0x15c: {  	v0 =	vld [tilespmem:s3+$0xFFFFFB90]  }
0x15d: {  	v3 =	vld [tilespmem:s4+$0xFFFFFC10]  }
0x15e: {  	v4 =	vld [tilespmem:s3+$0xFFFFFBA0]  }
0x15f: {  	v5 =	vld [tilespmem:s4+$0xFFFFFC20]  }
0x160: {  	v6 =	vld [tilespmem:s3+$0xFFFFFBB0]  }
0x161: {  	v7 =	vld [tilespmem:s4+$0xFFFFFC30]  }
0x162: {  	v8 =	vld [tilespmem:s3+$0xFFFFFBC0]  }
0x163: {  	v9 =	vld [tilespmem:s4+$0xFFFFFC40]  }
0x164: {  	v10 =	vld [tilespmem:s3+$0xFFFFFBD0]  }
0x165: {  	v11 =	vld [tilespmem:s4+$0xFFFFFC50]  }
0x166: {  	v12 =	vld [tilespmem:s3+$0xFFFFFBE0]  }
0x167: {  	v13 =	vld [tilespmem:s4+$0xFFFFFC60]  }
0x168: {  	v14 =	vld [tilespmem:s3+$0xFFFFFBF0]  }
0x169: {  	v15 =	vld [tilespmem:s4+$0xFFFFFC70]  }
0x16a: {  	v16 =	vld [tilespmem:s3+$0xFFFFFC00]  }
0x16b: {  	v17 =	vld [tilespmem:s4+$0x0]  }
0x16c: {  	v61 =	vld [tilespmem:s3+$0xFFFFFFC0];
	v1 =	vadd.f32 v2, v1  }
0x16d: {  	v2 =	vld [tilespmem:s3+$0xFFFFFF90];
	v3 =	vadd.f32 v4, v3  }
0x16e: {  	v4 =	vld [tilespmem:s4+$0x10];
	[tilespmem:s4+$0x70] =	vst v1;
	v1 =	vadd.f32 v6, v5  }
0x16f: {  	v5 =	vld [tilespmem:s3+$0xFFFFFFA0];
	[tilespmem:s4+$0xFFFFFC10] =	vst v3;
	v3 =	vadd.f32 v8, v7  }
0x170: {  	v6 =	vld [tilespmem:s4+$0x20];
	[tilespmem:s4+$0xFFFFFC20] =	vst v1;
	v1 =	vadd.f32 v10, v9  }
0x171: {  	v7 =	vld [tilespmem:s3+$0xFFFFFFB0];
	[tilespmem:s4+$0xFFFFFC30] =	vst v3;
	v3 =	vadd.f32 v12, v11  }
0x172: {  	v8 =	vld [tilespmem:s4+$0x30];
	v2 =	vadd.f32 v2, v17;
	[tilespmem:s4+$0xFFFFFC40] =	vst v1  }
0x173: {  	v62 =	vld [tilespmem:s4+$0x40];
	v1 =	vadd.f32 v14, v13;
	[tilespmem:s4+$0xFFFFFC50] =	vst v3  }
0x174: {  	v63 =	vld [tilespmem:s3+$0xFFFFFFD0];
	v3 =	vadd.f32 v16, v15;
	[tilespmem:s4+$0x0] =	vst v2  }
0x175: {  	v4 =	vadd.f32 v5, v4;
	[tilespmem:s4+$0xFFFFFC60] =	vst v1;
	v1 =	vld [tilespmem:s4+$0x50]  }
0x176: {  	v5 =	vadd.f32 v7, v6;
	[tilespmem:s4+$0xFFFFFC70] =	vst v3;
	v3 =	vld [tilespmem:s3+$0xFFFFFFE0]  }
0x177: {  	v6 =	vadd.f32 v61, v8;
	v2 =	vld [tilespmem:s4+$0x60];
	[tilespmem:s4+$0x10] =	vst v4  }
0x178: {  	[tilespmem:s4+$0x20] =	vst v5;
	v5 =	vld [tilespmem:s3+$0xFFFFFFF0]  }
0x179: {  	s15 =	simm.s32 $0x0;
	s16 =	sadd.s32 $0x800, s4;
	v4 =	vld [tilespmem:s4+$0xFFFFFC00];
	[tilespmem:s4+$0x30] =	vst v6;
	v6 =	vadd.f32 v63, v62  }
.LBB2_16:
0x17a: {  	v7 =	vld [tilespmem:s16+$0x70];
	s3 =	sadd.s32 $0x800, s3  }
0x17b: {  	s15 =	sadd.s32 $0x100, s15;
	v8 =	vld [tilespmem:s3+$0x0];
	[tilespmem:s4+$0x40] =	vst v6;
	v1 =	vadd.f32 v3, v1  }
0x17c: {  	p1 =	slt.u32 s15, $0x200;
	v3 =	vld [tilespmem:s3+$0xFFFFFB90]  }
0x17d: {  	v6 =	vld [tilespmem:s16+$0xFFFFFC10];
	[tilespmem:s4+$0x50] =	vst v1;
	v1 =	vadd.f32 v5, v2  }
0x17e: {  	v2 =	vld [tilespmem:s3+$0xFFFFFBA0];
	v9 =	vadd.f32 v0, v4  }
0x17f: {  	v4 =	vld [tilespmem:s16+$0xFFFFFC20];
	[tilespmem:s4+$0x60] =	vst v1  }
0x180: {  	v1 =	vld [tilespmem:s3+$0xFFFFFBB0];
	v5 =	vadd.f32 v8, v7;
	[tilespmem:s4+$0xFFFFFC00] =	vst v9;
	s4 =	smov.u32 s16  }
0x181: {  	v7 =	vld [tilespmem:s16+$0xFFFFFC30];
	v0 =	vmov v3  }
0x182: {  	v3 =	vld [tilespmem:s3+$0xFFFFFBC0];
	[tilespmem:s16+$0x70] =	vst v5  }
0x183: {  	v2 =	vadd.f32 v2, v6;
	v5 =	vld [tilespmem:s16+$0xFFFFFC40]  }
0x184: {  	v6 =	vld [tilespmem:s3+$0xFFFFFBD0]  }
0x185: {  	[tilespmem:s16+$0xFFFFFC10] =	vst v2;
	v1 =	vadd.f32 v1, v4;
	v2 =	vld [tilespmem:s16+$0xFFFFFC50]  }
0x186: {  	v4 =	vld [tilespmem:s3+$0xFFFFFBE0]  }
0x187: {  	[tilespmem:s16+$0xFFFFFC20] =	vst v1;
	v1 =	vadd.f32 v3, v7;
	v3 =	vld [tilespmem:s16+$0xFFFFFC60]  }
0x188: {  	v7 =	vld [tilespmem:s3+$0xFFFFFBF0]  }
0x189: {  	[tilespmem:s16+$0xFFFFFC30] =	vst v1;
	v1 =	vadd.f32 v6, v5;
	v5 =	vld [tilespmem:s16+$0xFFFFFC70]  }
0x18a: {  	v6 =	vld [tilespmem:s3+$0xFFFFFC00]  }
0x18b: {  	[tilespmem:s16+$0xFFFFFC40] =	vst v1;
	v1 =	vadd.f32 v4, v2;
	v2 =	vld [tilespmem:s16+$0x0]  }
0x18c: {  	v4 =	vld [tilespmem:s3+$0xFFFFFF90]  }
0x18d: {  	[tilespmem:s16+$0xFFFFFC50] =	vst v1;
	v1 =	vadd.f32 v7, v3;
	v3 =	vld [tilespmem:s16+$0x10]  }
0x18e: {  	v7 =	vld [tilespmem:s3+$0xFFFFFFA0]  }
0x18f: {  	[tilespmem:s16+$0xFFFFFC60] =	vst v1;
	v1 =	vadd.f32 v6, v5;
	v5 =	vld [tilespmem:s16+$0x20]  }
0x190: {  	v6 =	vld [tilespmem:s3+$0xFFFFFFB0]  }
0x191: {  	[tilespmem:s16+$0xFFFFFC70] =	vst v1;
	v1 =	vadd.f32 v4, v2;
	v2 =	vld [tilespmem:s16+$0x30]  }
0x192: {  	v4 =	vld [tilespmem:s3+$0xFFFFFFC0]  }
0x193: {  	[tilespmem:s16+$0x0] =	vst v1;
	v1 =	vadd.f32 v7, v3;
	v7 =	vld [tilespmem:s16+$0x40]  }
0x194: {  	v8 =	vld [tilespmem:s3+$0xFFFFFFD0]  }
.Ltmp8:
0x195: {  	[tilespmem:s16+$0x10] =	vst v1;
	v5 =	vadd.f32 v6, v5;
	v1 =	vld [tilespmem:s16+$0x50];
	(pc) =	sbr.rel @p1 .LBB2_16-.Ltmp8, $4  }
0x196: {  	v3 =	vld [tilespmem:s3+$0xFFFFFFE0]  }
0x197: {  	[tilespmem:s16+$0x20] =	vst v5;
	v6 =	vadd.f32 v4, v2;
	v2 =	vld [tilespmem:s16+$0x60]  }
0x198: {  	v5 =	vld [tilespmem:s3+$0xFFFFFFF0]  }
0x199: {  	s16 =	sadd.s32 $0x800, s16;
	v4 =	vld [tilespmem:s4+$0xFFFFFC00];
	[tilespmem:s4+$0x30] =	vst v6;
	v6 =	vadd.f32 v8, v7  }
0x19a: {  	s18 =	sadd.s32 $0x1, s18  }
0x19b: {  	p1 =	sne.s32 s18, $0x10  }
.Ltmp9:
0x19c: {  	v1 =	vadd.f32 v3, v1;
	(pc) =	sbr.rel @p1 .LBB2_15-.Ltmp9, $4  }
0x19d: {  	[tilespmem:s4+$0x40] =	vst v6;
	v2 =	vadd.f32 v5, v2  }
0x19e: {  	[tilespmem:s4+$0x50] =	vst v1;
	v0 =	vadd.f32 v0, v4  }
0x19f: {  	[tilespmem:s4+$0x60] =	vst v2  }
0x1a0: {  	s29 =	sadd.s32 $0x1, s29;
	[tilespmem:s4+$0xFFFFFC00] =	vst v0  }
0x1a1: {  	s3 =	sadd.s32 $0x18600, s25;
	s4 =	simm.s32 $0xF000  }
0x1a2: {  	[hbm4b:s3+s5] =	stream.linear.scatter [tilespmem:s4], [sflag:$0xC], $0x3000, $0x38;
	[tilespmem:$0x1E000] =	vst v63  }
0x1a3: {  	s3 =	simm.s32 @!p0 $0xA;
	s4 =	smul.u32 @!p0 $0x1800, s28  }
0x1a4: {  	_ =	swait.ge @!p0 [sflag:s3], $0x3000  }
0x1a5: {  	[sflag:s3] =	ssyncset.done @!p0 $0x0;
	s4 =	sshrl.u32 @!p0 s4, $0x3  }
0x1a6: {  	[sflag:s3] =	ssyncadd.s32 @!p0 $0xFFFFD000;
	s3 =	sadd.s32 @!p0 s1, s4  }
0x1a7: {  	s15 =	simm.s32 @!p0 $0x9000;
	s4 =	simm.s32 @!p0 $0x0;
	s3 =	sadd.s32 @!p0 $0x600, s3  }
0x1a8: {  	[tilespmem:s15], [sflag:$0x2] =	stream.linear.gather @!p0 [hbm4b:s3+s4], $0x3000, $0x38;
	[tilespmem:$0x1E000] =	vst v63  }
0x1a9: {  	_ =	swait.ge [sflag:s10], $0x3000  }
0x1aa: {  	[sflag:s10] =	ssyncset.done $0x0  }
0x1ab: {  	s18 =	simm.s32 $0x0;
	s28 =	simm.s32 $0x0;
	[sflag:s10] =	ssyncadd.s32 $0xFFFFD000  }
.LBB2_19:
0x1ac: {  	s3 =	sshrl.u32 s18, $0x3  }
0x1ad: {  	s4 =	sand.u32 $0x7, s28;
	s3 =	smul.u32 $0x6000, s3  }
0x1ae: {  	s4 =	sshll.u32 s4, $0x9  }
0x1af: {  	s3 =	sor.u32 s4, s3  }
0x1b0: {  	s3 =	sshra.s32 s3, $0x2  }
0x1b1: {  	s4 =	sadd.s32 $0x12400, s3  }
0x1b2: {  	s3 =	sor.u32 $0x400, s3;
	v1 =	vld [tilespmem:s4+$0x70]  }
0x1b3: {  	v2 =	vld [tilespmem:s3+$0x70]  }
0x1b4: {  	v0 =	vld [tilespmem:s3+$0xFFFFFC00]  }
0x1b5: {  	v3 =	vld [tilespmem:s4+$0xFFFFFC10]  }
0x1b6: {  	v4 =	vld [tilespmem:s3+$0xFFFFFC10]  }
0x1b7: {  	v5 =	vld [tilespmem:s4+$0xFFFFFC20]  }
0x1b8: {  	v6 =	vld [tilespmem:s3+$0xFFFFFC20]  }
0x1b9: {  	v7 =	vld [tilespmem:s4+$0xFFFFFC30]  }
0x1ba: {  	v8 =	vld [tilespmem:s3+$0xFFFFFC30]  }
0x1bb: {  	v9 =	vld [tilespmem:s4+$0xFFFFFC40]  }
0x1bc: {  	v10 =	vld [tilespmem:s3+$0xFFFFFC40]  }
0x1bd: {  	v11 =	vld [tilespmem:s4+$0xFFFFFC50]  }
0x1be: {  	v12 =	vld [tilespmem:s3+$0xFFFFFC50]  }
0x1bf: {  	v13 =	vld [tilespmem:s4+$0xFFFFFC60]  }
0x1c0: {  	v14 =	vld [tilespmem:s3+$0xFFFFFC60]  }
0x1c1: {  	v15 =	vld [tilespmem:s4+$0xFFFFFC70]  }
0x1c2: {  	v16 =	vld [tilespmem:s3+$0xFFFFFC70]  }
0x1c3: {  	v17 =	vld [tilespmem:s4+$0x0]  }
0x1c4: {  	v61 =	vld [tilespmem:s3+$0x30];
	v1 =	vadd.f32 v2, v1  }
0x1c5: {  	v2 =	vld [tilespmem:s3+$0x0];
	v3 =	vadd.f32 v4, v3  }
0x1c6: {  	v4 =	vld [tilespmem:s4+$0x10];
	[tilespmem:s4+$0x70] =	vst v1;
	v1 =	vadd.f32 v6, v5  }
0x1c7: {  	v5 =	vld [tilespmem:s3+$0x10];
	[tilespmem:s4+$0xFFFFFC10] =	vst v3;
	v3 =	vadd.f32 v8, v7  }
0x1c8: {  	v6 =	vld [tilespmem:s4+$0x20];
	[tilespmem:s4+$0xFFFFFC20] =	vst v1;
	v1 =	vadd.f32 v10, v9  }
0x1c9: {  	v7 =	vld [tilespmem:s3+$0x20];
	[tilespmem:s4+$0xFFFFFC30] =	vst v3;
	v3 =	vadd.f32 v12, v11  }
0x1ca: {  	v8 =	vld [tilespmem:s4+$0x30];
	v2 =	vadd.f32 v2, v17;
	[tilespmem:s4+$0xFFFFFC40] =	vst v1  }
0x1cb: {  	v62 =	vld [tilespmem:s4+$0x40];
	v1 =	vadd.f32 v14, v13;
	[tilespmem:s4+$0xFFFFFC50] =	vst v3  }
0x1cc: {  	v63 =	vld [tilespmem:s3+$0x40];
	v3 =	vadd.f32 v16, v15;
	[tilespmem:s4+$0x0] =	vst v2  }
0x1cd: {  	v4 =	vadd.f32 v5, v4;
	[tilespmem:s4+$0xFFFFFC60] =	vst v1;
	v1 =	vld [tilespmem:s4+$0x50]  }
0x1ce: {  	v5 =	vadd.f32 v7, v6;
	[tilespmem:s4+$0xFFFFFC70] =	vst v3;
	v3 =	vld [tilespmem:s3+$0x50]  }
0x1cf: {  	v6 =	vadd.f32 v61, v8;
	v2 =	vld [tilespmem:s4+$0x60];
	[tilespmem:s4+$0x10] =	vst v4  }
0x1d0: {  	[tilespmem:s4+$0x20] =	vst v5;
	v5 =	vld [tilespmem:s3+$0x60]  }
0x1d1: {  	s15 =	simm.s32 $0x0;
	s16 =	sadd.s32 $0x800, s4;
	v4 =	vld [tilespmem:s4+$0xFFFFFC00];
	[tilespmem:s4+$0x30] =	vst v6;
	v6 =	vadd.f32 v63, v62  }
.LBB2_20:
0x1d2: {  	v7 =	vld [tilespmem:s16+$0x70];
	s3 =	sadd.s32 $0x800, s3  }
0x1d3: {  	s15 =	sadd.s32 $0x100, s15;
	v8 =	vld [tilespmem:s3+$0x70];
	[tilespmem:s4+$0x40] =	vst v6;
	v1 =	vadd.f32 v3, v1  }
0x1d4: {  	p1 =	slt.u32 s15, $0x200;
	v3 =	vld [tilespmem:s3+$0xFFFFFC00]  }
0x1d5: {  	v6 =	vld [tilespmem:s16+$0xFFFFFC10];
	[tilespmem:s4+$0x50] =	vst v1;
	v1 =	vadd.f32 v5, v2  }
0x1d6: {  	v2 =	vld [tilespmem:s3+$0xFFFFFC10];
	v9 =	vadd.f32 v0, v4  }
0x1d7: {  	v4 =	vld [tilespmem:s16+$0xFFFFFC20];
	[tilespmem:s4+$0x60] =	vst v1  }
0x1d8: {  	v1 =	vld [tilespmem:s3+$0xFFFFFC20];
	v5 =	vadd.f32 v8, v7;
	[tilespmem:s4+$0xFFFFFC00] =	vst v9;
	s4 =	smov.u32 s16  }
0x1d9: {  	v7 =	vld [tilespmem:s16+$0xFFFFFC30];
	v0 =	vmov v3  }
0x1da: {  	v3 =	vld [tilespmem:s3+$0xFFFFFC30];
	[tilespmem:s16+$0x70] =	vst v5  }
0x1db: {  	v2 =	vadd.f32 v2, v6;
	v5 =	vld [tilespmem:s16+$0xFFFFFC40]  }
0x1dc: {  	v6 =	vld [tilespmem:s3+$0xFFFFFC40]  }
0x1dd: {  	[tilespmem:s16+$0xFFFFFC10] =	vst v2;
	v1 =	vadd.f32 v1, v4;
	v2 =	vld [tilespmem:s16+$0xFFFFFC50]  }
0x1de: {  	v4 =	vld [tilespmem:s3+$0xFFFFFC50]  }
0x1df: {  	[tilespmem:s16+$0xFFFFFC20] =	vst v1;
	v1 =	vadd.f32 v3, v7;
	v3 =	vld [tilespmem:s16+$0xFFFFFC60]  }
0x1e0: {  	v7 =	vld [tilespmem:s3+$0xFFFFFC60]  }
0x1e1: {  	[tilespmem:s16+$0xFFFFFC30] =	vst v1;
	v1 =	vadd.f32 v6, v5;
	v5 =	vld [tilespmem:s16+$0xFFFFFC70]  }
0x1e2: {  	v6 =	vld [tilespmem:s3+$0xFFFFFC70]  }
0x1e3: {  	[tilespmem:s16+$0xFFFFFC40] =	vst v1;
	v1 =	vadd.f32 v4, v2;
	v2 =	vld [tilespmem:s16+$0x0]  }
0x1e4: {  	v4 =	vld [tilespmem:s3+$0x0]  }
0x1e5: {  	[tilespmem:s16+$0xFFFFFC50] =	vst v1;
	v1 =	vadd.f32 v7, v3;
	v3 =	vld [tilespmem:s16+$0x10]  }
0x1e6: {  	v7 =	vld [tilespmem:s3+$0x10]  }
0x1e7: {  	[tilespmem:s16+$0xFFFFFC60] =	vst v1;
	v1 =	vadd.f32 v6, v5;
	v5 =	vld [tilespmem:s16+$0x20]  }
0x1e8: {  	v6 =	vld [tilespmem:s3+$0x20]  }
0x1e9: {  	[tilespmem:s16+$0xFFFFFC70] =	vst v1;
	v1 =	vadd.f32 v4, v2;
	v2 =	vld [tilespmem:s16+$0x30]  }
0x1ea: {  	v4 =	vld [tilespmem:s3+$0x30]  }
0x1eb: {  	[tilespmem:s16+$0x0] =	vst v1;
	v1 =	vadd.f32 v7, v3;
	v7 =	vld [tilespmem:s16+$0x40]  }
0x1ec: {  	v8 =	vld [tilespmem:s3+$0x40]  }
.Ltmp10:
0x1ed: {  	[tilespmem:s16+$0x10] =	vst v1;
	v5 =	vadd.f32 v6, v5;
	v1 =	vld [tilespmem:s16+$0x50];
	(pc) =	sbr.rel @p1 .LBB2_20-.Ltmp10, $4  }
0x1ee: {  	v3 =	vld [tilespmem:s3+$0x50]  }
0x1ef: {  	[tilespmem:s16+$0x20] =	vst v5;
	v6 =	vadd.f32 v4, v2;
	v2 =	vld [tilespmem:s16+$0x60]  }
0x1f0: {  	v5 =	vld [tilespmem:s3+$0x60]  }
0x1f1: {  	s16 =	sadd.s32 $0x800, s16;
	v4 =	vld [tilespmem:s4+$0xFFFFFC00];
	[tilespmem:s4+$0x30] =	vst v6;
	v6 =	vadd.f32 v8, v7  }
0x1f2: {  	s18 =	sadd.s32 $0x1, s18  }
0x1f3: {  	p1 =	sne.s32 s18, $0x10  }
.Ltmp11:
0x1f4: {  	v1 =	vadd.f32 v3, v1;
	(pc) =	sbr.rel @p1 .LBB2_19-.Ltmp11, $4  }
0x1f5: {  	[tilespmem:s4+$0x40] =	vst v6;
	v2 =	vadd.f32 v5, v2  }
0x1f6: {  	[tilespmem:s4+$0x50] =	vst v1;
	v0 =	vadd.f32 v0, v4  }
0x1f7: {  	[tilespmem:s4+$0x60] =	vst v2  }
0x1f8: {  	s28 =	sadd.s32 $0x1, s28;
	[tilespmem:s4+$0xFFFFFC00] =	vst v0  }
0x1f9: {  	s3 =	rddreg [dreg:$0x11]  }
0x1fa: {  	s4 =	simm.s32 $0x12000;
	s3 =	sadd.s32 s26, s3  }
0x1fb: {  	[hbm4b:s3+s5] =	stream.linear.scatter [tilespmem:s4], [sflag:$0xD], $0x3000, $0x38;
	[tilespmem:$0x1E000] =	vst v63  }
0x1fc: {  	s4 =	rddreg [dreg:$0xe]  }
0x1fd: {  	s4 =	sadd.s32 @!p0 s4, s24  }
0x1fe: {  	s3 =	simm.s32 @!p0 $0xB;
	s28 =	sshrl.u32 @!p0 s4, $0x3  }
0x1ff: {  	_ =	swait.ge @!p0 [sflag:s3], $0x3000;
	s4 =	smul.u32 @!p0 $0x300, s28  }
0x200: {  	s15 =	simm.s32 @!p0 $0xC000;
	[sflag:s3] =	ssyncset.done @!p0 $0x0  }
0x201: {  	[sflag:s3] =	ssyncadd.s32 @!p0 $0xFFFFD000;
	s3 =	sadd.s32 @!p0 s1, s4;
	s4 =	simm.s32 @!p0 $0x0  }
0x202: {  	[tilespmem:s15], [sflag:$0x3] =	stream.linear.gather @!p0 [hbm4b:s3+s4], $0x3000, $0x38;
	[tilespmem:$0x1E000] =	vst v63  }
0x203: {  	_ =	swait.ge [sflag:s11], $0x3000  }
0x204: {  	[sflag:s11] =	ssyncset.done $0x0  }
0x205: {  	s29 =	simm.s32 $0x0;
	s18 =	simm.s32 $0x0;
	[sflag:s11] =	ssyncadd.s32 $0xFFFFD000  }
.LBB2_23:
0x206: {  	s3 =	sshrl.u32 s18, $0x3  }
0x207: {  	s4 =	sand.u32 $0x7, s29;
	s3 =	smul.u32 $0x6000, s3  }
0x208: {  	s4 =	sshll.u32 s4, $0x9  }
0x209: {  	s3 =	sor.u32 s4, s3  }
0x20a: {  	s3 =	sshra.s32 s3, $0x2  }
0x20b: {  	s4 =	sadd.s32 $0x15400, s3  }
0x20c: {  	s3 =	sadd.s32 $0x3470, s3;
	v1 =	vld [tilespmem:s4+$0x70]  }
0x20d: {  	v2 =	vld [tilespmem:s3+$0x0]  }
0x20e: {  	v0 =	vld [tilespmem:s3+$0xFFFFFB90]  }
0x20f: {  	v3 =	vld [tilespmem:s4+$0xFFFFFC10]  }
0x210: {  	v4 =	vld [tilespmem:s3+$0xFFFFFBA0]  }
0x211: {  	v5 =	vld [tilespmem:s4+$0xFFFFFC20]  }
0x212: {  	v6 =	vld [tilespmem:s3+$0xFFFFFBB0]  }
0x213: {  	v7 =	vld [tilespmem:s4+$0xFFFFFC30]  }
0x214: {  	v8 =	vld [tilespmem:s3+$0xFFFFFBC0]  }
0x215: {  	v9 =	vld [tilespmem:s4+$0xFFFFFC40]  }
0x216: {  	v10 =	vld [tilespmem:s3+$0xFFFFFBD0]  }
0x217: {  	v11 =	vld [tilespmem:s4+$0xFFFFFC50]  }
0x218: {  	v12 =	vld [tilespmem:s3+$0xFFFFFBE0]  }
0x219: {  	v13 =	vld [tilespmem:s4+$0xFFFFFC60]  }
0x21a: {  	v14 =	vld [tilespmem:s3+$0xFFFFFBF0]  }
0x21b: {  	v15 =	vld [tilespmem:s4+$0xFFFFFC70]  }
0x21c: {  	v16 =	vld [tilespmem:s3+$0xFFFFFC00]  }
0x21d: {  	v17 =	vld [tilespmem:s4+$0x0]  }
0x21e: {  	v61 =	vld [tilespmem:s3+$0xFFFFFFC0];
	v1 =	vadd.f32 v2, v1  }
0x21f: {  	v2 =	vld [tilespmem:s3+$0xFFFFFF90];
	v3 =	vadd.f32 v4, v3  }
0x220: {  	v4 =	vld [tilespmem:s4+$0x10];
	[tilespmem:s4+$0x70] =	vst v1;
	v1 =	vadd.f32 v6, v5  }
0x221: {  	v5 =	vld [tilespmem:s3+$0xFFFFFFA0];
	[tilespmem:s4+$0xFFFFFC10] =	vst v3;
	v3 =	vadd.f32 v8, v7  }
0x222: {  	v6 =	vld [tilespmem:s4+$0x20];
	[tilespmem:s4+$0xFFFFFC20] =	vst v1;
	v1 =	vadd.f32 v10, v9  }
0x223: {  	v7 =	vld [tilespmem:s3+$0xFFFFFFB0];
	[tilespmem:s4+$0xFFFFFC30] =	vst v3;
	v3 =	vadd.f32 v12, v11  }
0x224: {  	v8 =	vld [tilespmem:s4+$0x30];
	v2 =	vadd.f32 v2, v17;
	[tilespmem:s4+$0xFFFFFC40] =	vst v1  }
0x225: {  	v62 =	vld [tilespmem:s4+$0x40];
	v1 =	vadd.f32 v14, v13;
	[tilespmem:s4+$0xFFFFFC50] =	vst v3  }
0x226: {  	v63 =	vld [tilespmem:s3+$0xFFFFFFD0];
	v3 =	vadd.f32 v16, v15;
	[tilespmem:s4+$0x0] =	vst v2  }
0x227: {  	v4 =	vadd.f32 v5, v4;
	[tilespmem:s4+$0xFFFFFC60] =	vst v1;
	v1 =	vld [tilespmem:s4+$0x50]  }
0x228: {  	v5 =	vadd.f32 v7, v6;
	[tilespmem:s4+$0xFFFFFC70] =	vst v3;
	v3 =	vld [tilespmem:s3+$0xFFFFFFE0]  }
0x229: {  	v6 =	vadd.f32 v61, v8;
	v2 =	vld [tilespmem:s4+$0x60];
	[tilespmem:s4+$0x10] =	vst v4  }
0x22a: {  	[tilespmem:s4+$0x20] =	vst v5;
	v5 =	vld [tilespmem:s3+$0xFFFFFFF0]  }
0x22b: {  	s15 =	simm.s32 $0x0;
	s16 =	sadd.s32 $0x800, s4;
	v4 =	vld [tilespmem:s4+$0xFFFFFC00];
	[tilespmem:s4+$0x30] =	vst v6;
	v6 =	vadd.f32 v63, v62  }
.LBB2_24:
0x22c: {  	v7 =	vld [tilespmem:s16+$0x70];
	s3 =	sadd.s32 $0x800, s3  }
0x22d: {  	s15 =	sadd.s32 $0x100, s15;
	v8 =	vld [tilespmem:s3+$0x0];
	[tilespmem:s4+$0x40] =	vst v6;
	v1 =	vadd.f32 v3, v1  }
0x22e: {  	p1 =	slt.u32 s15, $0x200;
	v3 =	vld [tilespmem:s3+$0xFFFFFB90]  }
0x22f: {  	v6 =	vld [tilespmem:s16+$0xFFFFFC10];
	[tilespmem:s4+$0x50] =	vst v1;
	v1 =	vadd.f32 v5, v2  }
0x230: {  	v2 =	vld [tilespmem:s3+$0xFFFFFBA0];
	v9 =	vadd.f32 v0, v4  }
0x231: {  	v4 =	vld [tilespmem:s16+$0xFFFFFC20];
	[tilespmem:s4+$0x60] =	vst v1  }
0x232: {  	v1 =	vld [tilespmem:s3+$0xFFFFFBB0];
	v5 =	vadd.f32 v8, v7;
	[tilespmem:s4+$0xFFFFFC00] =	vst v9;
	s4 =	smov.u32 s16  }
0x233: {  	v7 =	vld [tilespmem:s16+$0xFFFFFC30];
	v0 =	vmov v3  }
0x234: {  	v3 =	vld [tilespmem:s3+$0xFFFFFBC0];
	[tilespmem:s16+$0x70] =	vst v5  }
0x235: {  	v2 =	vadd.f32 v2, v6;
	v5 =	vld [tilespmem:s16+$0xFFFFFC40]  }
0x236: {  	v6 =	vld [tilespmem:s3+$0xFFFFFBD0]  }
0x237: {  	[tilespmem:s16+$0xFFFFFC10] =	vst v2;
	v1 =	vadd.f32 v1, v4;
	v2 =	vld [tilespmem:s16+$0xFFFFFC50]  }
0x238: {  	v4 =	vld [tilespmem:s3+$0xFFFFFBE0]  }
0x239: {  	[tilespmem:s16+$0xFFFFFC20] =	vst v1;
	v1 =	vadd.f32 v3, v7;
	v3 =	vld [tilespmem:s16+$0xFFFFFC60]  }
0x23a: {  	v7 =	vld [tilespmem:s3+$0xFFFFFBF0]  }
0x23b: {  	[tilespmem:s16+$0xFFFFFC30] =	vst v1;
	v1 =	vadd.f32 v6, v5;
	v5 =	vld [tilespmem:s16+$0xFFFFFC70]  }
0x23c: {  	v6 =	vld [tilespmem:s3+$0xFFFFFC00]  }
0x23d: {  	[tilespmem:s16+$0xFFFFFC40] =	vst v1;
	v1 =	vadd.f32 v4, v2;
	v2 =	vld [tilespmem:s16+$0x0]  }
0x23e: {  	v4 =	vld [tilespmem:s3+$0xFFFFFF90]  }
0x23f: {  	[tilespmem:s16+$0xFFFFFC50] =	vst v1;
	v1 =	vadd.f32 v7, v3;
	v3 =	vld [tilespmem:s16+$0x10]  }
0x240: {  	v7 =	vld [tilespmem:s3+$0xFFFFFFA0]  }
0x241: {  	[tilespmem:s16+$0xFFFFFC60] =	vst v1;
	v1 =	vadd.f32 v6, v5;
	v5 =	vld [tilespmem:s16+$0x20]  }
0x242: {  	v6 =	vld [tilespmem:s3+$0xFFFFFFB0]  }
0x243: {  	[tilespmem:s16+$0xFFFFFC70] =	vst v1;
	v1 =	vadd.f32 v4, v2;
	v2 =	vld [tilespmem:s16+$0x30]  }
0x244: {  	v4 =	vld [tilespmem:s3+$0xFFFFFFC0]  }
0x245: {  	[tilespmem:s16+$0x0] =	vst v1;
	v1 =	vadd.f32 v7, v3;
	v7 =	vld [tilespmem:s16+$0x40]  }
0x246: {  	v8 =	vld [tilespmem:s3+$0xFFFFFFD0]  }
.Ltmp12:
0x247: {  	[tilespmem:s16+$0x10] =	vst v1;
	v5 =	vadd.f32 v6, v5;
	v1 =	vld [tilespmem:s16+$0x50];
	(pc) =	sbr.rel @p1 .LBB2_24-.Ltmp12, $4  }
0x248: {  	v3 =	vld [tilespmem:s3+$0xFFFFFFE0]  }
0x249: {  	[tilespmem:s16+$0x20] =	vst v5;
	v6 =	vadd.f32 v4, v2;
	v2 =	vld [tilespmem:s16+$0x60]  }
0x24a: {  	v5 =	vld [tilespmem:s3+$0xFFFFFFF0]  }
0x24b: {  	s16 =	sadd.s32 $0x800, s16;
	v4 =	vld [tilespmem:s4+$0xFFFFFC00];
	[tilespmem:s4+$0x30] =	vst v6;
	v6 =	vadd.f32 v8, v7  }
0x24c: {  	s18 =	sadd.s32 $0x1, s18  }
0x24d: {  	p1 =	sne.s32 s18, $0x10  }
.Ltmp13:
0x24e: {  	v1 =	vadd.f32 v3, v1;
	(pc) =	sbr.rel @p1 .LBB2_23-.Ltmp13, $4  }
0x24f: {  	[tilespmem:s4+$0x40] =	vst v6;
	v2 =	vadd.f32 v5, v2  }
0x250: {  	[tilespmem:s4+$0x50] =	vst v1;
	v0 =	vadd.f32 v0, v4  }
0x251: {  	[tilespmem:s4+$0x60] =	vst v2  }
0x252: {  	s29 =	sadd.s32 $0x1, s29;
	[tilespmem:s4+$0xFFFFFC00] =	vst v0  }
0x253: {  	s3 =	sadd.s32 $0x30600, s25  }
0x254: {  	[hbm4b:s3+s5] =	stream.linear.scatter [tilespmem:s30], [sflag:$0xE], $0x3000, $0x38;
	[tilespmem:$0x1E000] =	vst v63  }
0x255: {  	s4 =	smul.u32 @!p0 $0x1800, s28;
	s3 =	simm.s32 @!p0 $0xC  }
0x256: {  	_ =	swait.ge @!p0 [sflag:s3], $0x3000  }
0x257: {  	s4 =	sshrl.u32 @!p0 s4, $0x3;
	[sflag:s3] =	ssyncset.done @!p0 $0x0  }
0x258: {  	[sflag:s3] =	ssyncadd.s32 @!p0 $0xFFFFD000;
	s3 =	sadd.s32 @!p0 s1, s4  }
0x259: {  	s15 =	simm.s32 @!p0 $0xF000;
	s4 =	simm.s32 @!p0 $0x0;
	s3 =	sadd.s32 @!p0 $0x600, s3  }
0x25a: {  	[tilespmem:s15], [sflag:$0x4] =	stream.linear.gather @!p0 [hbm4b:s3+s4], $0x3000, $0x38;
	[tilespmem:$0x1E000] =	vst v63  }
0x25b: {  	_ =	swait.ge [sflag:s12], $0x3000  }
0x25c: {  	[sflag:s12] =	ssyncset.done $0x0  }
0x25d: {  	s28 =	simm.s32 $0x0;
	s18 =	simm.s32 $0x0;
	[sflag:s12] =	ssyncadd.s32 $0xFFFFD000  }
.LBB2_27:
0x25e: {  	s3 =	sshrl.u32 s18, $0x3  }
0x25f: {  	s4 =	sand.u32 $0x7, s28;
	s3 =	smul.u32 $0x6000, s3  }
0x260: {  	s4 =	sshll.u32 s4, $0x9  }
0x261: {  	s3 =	sor.u32 s4, s3  }
0x262: {  	s3 =	sshra.s32 s3, $0x2  }
0x263: {  	s4 =	sadd.s32 $0x18400, s3  }
0x264: {  	s3 =	sor.u32 $0x400, s3;
	v1 =	vld [tilespmem:s4+$0x70]  }
0x265: {  	v2 =	vld [tilespmem:s3+$0x70]  }
0x266: {  	v0 =	vld [tilespmem:s3+$0xFFFFFC00]  }
0x267: {  	v3 =	vld [tilespmem:s4+$0xFFFFFC10]  }
0x268: {  	v4 =	vld [tilespmem:s3+$0xFFFFFC10]  }
0x269: {  	v5 =	vld [tilespmem:s4+$0xFFFFFC20]  }
0x26a: {  	v6 =	vld [tilespmem:s3+$0xFFFFFC20]  }
0x26b: {  	v7 =	vld [tilespmem:s4+$0xFFFFFC30]  }
0x26c: {  	v8 =	vld [tilespmem:s3+$0xFFFFFC30]  }
0x26d: {  	v9 =	vld [tilespmem:s4+$0xFFFFFC40]  }
0x26e: {  	v10 =	vld [tilespmem:s3+$0xFFFFFC40]  }
0x26f: {  	v11 =	vld [tilespmem:s4+$0xFFFFFC50]  }
0x270: {  	v12 =	vld [tilespmem:s3+$0xFFFFFC50]  }
0x271: {  	v13 =	vld [tilespmem:s4+$0xFFFFFC60]  }
0x272: {  	v14 =	vld [tilespmem:s3+$0xFFFFFC60]  }
0x273: {  	v15 =	vld [tilespmem:s4+$0xFFFFFC70]  }
0x274: {  	v16 =	vld [tilespmem:s3+$0xFFFFFC70]  }
0x275: {  	v17 =	vld [tilespmem:s4+$0x0]  }
0x276: {  	v61 =	vld [tilespmem:s3+$0x30];
	v1 =	vadd.f32 v2, v1  }
0x277: {  	v2 =	vld [tilespmem:s3+$0x0];
	v3 =	vadd.f32 v4, v3  }
0x278: {  	v4 =	vld [tilespmem:s4+$0x10];
	[tilespmem:s4+$0x70] =	vst v1;
	v1 =	vadd.f32 v6, v5  }
0x279: {  	v5 =	vld [tilespmem:s3+$0x10];
	[tilespmem:s4+$0xFFFFFC10] =	vst v3;
	v3 =	vadd.f32 v8, v7  }
0x27a: {  	v6 =	vld [tilespmem:s4+$0x20];
	[tilespmem:s4+$0xFFFFFC20] =	vst v1;
	v1 =	vadd.f32 v10, v9  }
0x27b: {  	v7 =	vld [tilespmem:s3+$0x20];
	[tilespmem:s4+$0xFFFFFC30] =	vst v3;
	v3 =	vadd.f32 v12, v11  }
0x27c: {  	v8 =	vld [tilespmem:s4+$0x30];
	v2 =	vadd.f32 v2, v17;
	[tilespmem:s4+$0xFFFFFC40] =	vst v1  }
0x27d: {  	v62 =	vld [tilespmem:s4+$0x40];
	v1 =	vadd.f32 v14, v13;
	[tilespmem:s4+$0xFFFFFC50] =	vst v3  }
0x27e: {  	v63 =	vld [tilespmem:s3+$0x40];
	v3 =	vadd.f32 v16, v15;
	[tilespmem:s4+$0x0] =	vst v2  }
0x27f: {  	v4 =	vadd.f32 v5, v4;
	[tilespmem:s4+$0xFFFFFC60] =	vst v1;
	v1 =	vld [tilespmem:s4+$0x50]  }
0x280: {  	v5 =	vadd.f32 v7, v6;
	[tilespmem:s4+$0xFFFFFC70] =	vst v3;
	v3 =	vld [tilespmem:s3+$0x50]  }
0x281: {  	v6 =	vadd.f32 v61, v8;
	v2 =	vld [tilespmem:s4+$0x60];
	[tilespmem:s4+$0x10] =	vst v4  }
0x282: {  	[tilespmem:s4+$0x20] =	vst v5;
	v5 =	vld [tilespmem:s3+$0x60]  }
0x283: {  	s15 =	simm.s32 $0x0;
	s16 =	sadd.s32 $0x800, s4;
	v4 =	vld [tilespmem:s4+$0xFFFFFC00];
	[tilespmem:s4+$0x30] =	vst v6;
	v6 =	vadd.f32 v63, v62  }
.LBB2_28:
0x284: {  	v7 =	vld [tilespmem:s16+$0x70];
	s3 =	sadd.s32 $0x800, s3  }
0x285: {  	s15 =	sadd.s32 $0x100, s15;
	v8 =	vld [tilespmem:s3+$0x70];
	[tilespmem:s4+$0x40] =	vst v6;
	v1 =	vadd.f32 v3, v1  }
0x286: {  	p1 =	slt.u32 s15, $0x200;
	v3 =	vld [tilespmem:s3+$0xFFFFFC00]  }
0x287: {  	v6 =	vld [tilespmem:s16+$0xFFFFFC10];
	[tilespmem:s4+$0x50] =	vst v1;
	v1 =	vadd.f32 v5, v2  }
0x288: {  	v2 =	vld [tilespmem:s3+$0xFFFFFC10];
	v9 =	vadd.f32 v0, v4  }
0x289: {  	v4 =	vld [tilespmem:s16+$0xFFFFFC20];
	[tilespmem:s4+$0x60] =	vst v1  }
0x28a: {  	v1 =	vld [tilespmem:s3+$0xFFFFFC20];
	v5 =	vadd.f32 v8, v7;
	[tilespmem:s4+$0xFFFFFC00] =	vst v9;
	s4 =	smov.u32 s16  }
0x28b: {  	v7 =	vld [tilespmem:s16+$0xFFFFFC30];
	v0 =	vmov v3  }
0x28c: {  	v3 =	vld [tilespmem:s3+$0xFFFFFC30];
	[tilespmem:s16+$0x70] =	vst v5  }
0x28d: {  	v2 =	vadd.f32 v2, v6;
	v5 =	vld [tilespmem:s16+$0xFFFFFC40]  }
0x28e: {  	v6 =	vld [tilespmem:s3+$0xFFFFFC40]  }
0x28f: {  	[tilespmem:s16+$0xFFFFFC10] =	vst v2;
	v1 =	vadd.f32 v1, v4;
	v2 =	vld [tilespmem:s16+$0xFFFFFC50]  }
0x290: {  	v4 =	vld [tilespmem:s3+$0xFFFFFC50]  }
0x291: {  	[tilespmem:s16+$0xFFFFFC20] =	vst v1;
	v1 =	vadd.f32 v3, v7;
	v3 =	vld [tilespmem:s16+$0xFFFFFC60]  }
0x292: {  	v7 =	vld [tilespmem:s3+$0xFFFFFC60]  }
0x293: {  	[tilespmem:s16+$0xFFFFFC30] =	vst v1;
	v1 =	vadd.f32 v6, v5;
	v5 =	vld [tilespmem:s16+$0xFFFFFC70]  }
0x294: {  	v6 =	vld [tilespmem:s3+$0xFFFFFC70]  }
0x295: {  	[tilespmem:s16+$0xFFFFFC40] =	vst v1;
	v1 =	vadd.f32 v4, v2;
	v2 =	vld [tilespmem:s16+$0x0]  }
0x296: {  	v4 =	vld [tilespmem:s3+$0x0]  }
0x297: {  	[tilespmem:s16+$0xFFFFFC50] =	vst v1;
	v1 =	vadd.f32 v7, v3;
	v3 =	vld [tilespmem:s16+$0x10]  }
0x298: {  	v7 =	vld [tilespmem:s3+$0x10]  }
0x299: {  	[tilespmem:s16+$0xFFFFFC60] =	vst v1;
	v1 =	vadd.f32 v6, v5;
	v5 =	vld [tilespmem:s16+$0x20]  }
0x29a: {  	v6 =	vld [tilespmem:s3+$0x20]  }
0x29b: {  	[tilespmem:s16+$0xFFFFFC70] =	vst v1;
	v1 =	vadd.f32 v4, v2;
	v2 =	vld [tilespmem:s16+$0x30]  }
0x29c: {  	v4 =	vld [tilespmem:s3+$0x30]  }
0x29d: {  	[tilespmem:s16+$0x0] =	vst v1;
	v1 =	vadd.f32 v7, v3;
	v7 =	vld [tilespmem:s16+$0x40]  }
0x29e: {  	v8 =	vld [tilespmem:s3+$0x40]  }
.Ltmp14:
0x29f: {  	[tilespmem:s16+$0x10] =	vst v1;
	v5 =	vadd.f32 v6, v5;
	v1 =	vld [tilespmem:s16+$0x50];
	(pc) =	sbr.rel @p1 .LBB2_28-.Ltmp14, $4  }
0x2a0: {  	v3 =	vld [tilespmem:s3+$0x50]  }
0x2a1: {  	[tilespmem:s16+$0x20] =	vst v5;
	v6 =	vadd.f32 v4, v2;
	v2 =	vld [tilespmem:s16+$0x60]  }
0x2a2: {  	v5 =	vld [tilespmem:s3+$0x60]  }
0x2a3: {  	s16 =	sadd.s32 $0x800, s16;
	v4 =	vld [tilespmem:s4+$0xFFFFFC00];
	[tilespmem:s4+$0x30] =	vst v6;
	v6 =	vadd.f32 v8, v7  }
0x2a4: {  	s18 =	sadd.s32 $0x1, s18  }
0x2a5: {  	p1 =	sne.s32 s18, $0x10  }
.Ltmp15:
0x2a6: {  	v1 =	vadd.f32 v3, v1;
	(pc) =	sbr.rel @p1 .LBB2_27-.Ltmp15, $4  }
0x2a7: {  	[tilespmem:s4+$0x40] =	vst v6;
	v2 =	vadd.f32 v5, v2  }
0x2a8: {  	[tilespmem:s4+$0x50] =	vst v1;
	v0 =	vadd.f32 v0, v4  }
0x2a9: {  	[tilespmem:s4+$0x60] =	vst v2  }
0x2aa: {  	s28 =	sadd.s32 $0x1, s28;
	[tilespmem:s4+$0xFFFFFC00] =	vst v0  }
0x2ab: {  	s3 =	sadd.s32 s26, s21;
	s4 =	sadd.s32 @!p0 s17, s24  }
0x2ac: {  	[hbm4b:s3+s5] =	stream.linear.scatter [tilespmem:s31], [sflag:$0xF], $0x3000, $0x38;
	[tilespmem:$0x1E000] =	vst v63  }
0x2ad: {  	s3 =	simm.s32 @!p0 $0xD;
	s4 =	sshrl.u32 @!p0 s4, $0x3  }
0x2ae: {  	_ =	swait.ge @!p0 [sflag:s3], $0x3000;
	s4 =	smul.u32 @!p0 $0x300, s4  }
0x2af: {  	s15 =	simm.s32 @!p0 $0x12000;
	[sflag:s3] =	ssyncset.done @!p0 $0x0  }
0x2b0: {  	[sflag:s3] =	ssyncadd.s32 @!p0 $0xFFFFD000;
	s3 =	sadd.s32 @!p0 s1, s4;
	s4 =	simm.s32 @!p0 $0x0  }
0x2b1: {  	[tilespmem:s15], [sflag:$0x5] =	stream.linear.gather @!p0 [hbm4b:s3+s4], $0x3000, $0x38;
	[tilespmem:$0x1E000] =	vst v63  }
0x2b2: {  	_ =	swait.ge [sflag:s13], $0x3000  }
0x2b3: {  	[sflag:s13] =	ssyncset.done $0x0  }
0x2b4: {  	s26 =	simm.s32 $0x0;
	s18 =	simm.s32 $0x0;
	[sflag:s13] =	ssyncadd.s32 $0xFFFFD000  }
.LBB2_31:
0x2b5: {  	s3 =	sshrl.u32 s18, $0x3  }
0x2b6: {  	s4 =	sand.u32 $0x7, s26;
	s3 =	smul.u32 $0x6000, s3  }
0x2b7: {  	s4 =	sshll.u32 s4, $0x9  }
0x2b8: {  	s3 =	sor.u32 s4, s3  }
0x2b9: {  	s3 =	sshra.s32 s3, $0x2  }
0x2ba: {  	s4 =	sadd.s32 $0x1B400, s3  }
0x2bb: {  	s3 =	sadd.s32 $0x3470, s3;
	v1 =	vld [tilespmem:s4+$0x70]  }
0x2bc: {  	v2 =	vld [tilespmem:s3+$0x0]  }
0x2bd: {  	v0 =	vld [tilespmem:s3+$0xFFFFFB90]  }
0x2be: {  	v3 =	vld [tilespmem:s4+$0xFFFFFC10]  }
0x2bf: {  	v4 =	vld [tilespmem:s3+$0xFFFFFBA0]  }
0x2c0: {  	v5 =	vld [tilespmem:s4+$0xFFFFFC20]  }
0x2c1: {  	v6 =	vld [tilespmem:s3+$0xFFFFFBB0]  }
0x2c2: {  	v7 =	vld [tilespmem:s4+$0xFFFFFC30]  }
0x2c3: {  	v8 =	vld [tilespmem:s3+$0xFFFFFBC0]  }
0x2c4: {  	v9 =	vld [tilespmem:s4+$0xFFFFFC40]  }
0x2c5: {  	v10 =	vld [tilespmem:s3+$0xFFFFFBD0]  }
0x2c6: {  	v11 =	vld [tilespmem:s4+$0xFFFFFC50]  }
0x2c7: {  	v12 =	vld [tilespmem:s3+$0xFFFFFBE0]  }
0x2c8: {  	v13 =	vld [tilespmem:s4+$0xFFFFFC60]  }
0x2c9: {  	v14 =	vld [tilespmem:s3+$0xFFFFFBF0]  }
0x2ca: {  	v15 =	vld [tilespmem:s4+$0xFFFFFC70]  }
0x2cb: {  	v16 =	vld [tilespmem:s3+$0xFFFFFC00]  }
0x2cc: {  	v17 =	vld [tilespmem:s4+$0x0]  }
0x2cd: {  	v61 =	vld [tilespmem:s3+$0xFFFFFFC0];
	v1 =	vadd.f32 v2, v1  }
0x2ce: {  	v2 =	vld [tilespmem:s3+$0xFFFFFF90];
	v3 =	vadd.f32 v4, v3  }
0x2cf: {  	v4 =	vld [tilespmem:s4+$0x10];
	[tilespmem:s4+$0x70] =	vst v1;
	v1 =	vadd.f32 v6, v5  }
0x2d0: {  	v5 =	vld [tilespmem:s3+$0xFFFFFFA0];
	[tilespmem:s4+$0xFFFFFC10] =	vst v3;
	v3 =	vadd.f32 v8, v7  }
0x2d1: {  	v6 =	vld [tilespmem:s4+$0x20];
	[tilespmem:s4+$0xFFFFFC20] =	vst v1;
	v1 =	vadd.f32 v10, v9  }
0x2d2: {  	v7 =	vld [tilespmem:s3+$0xFFFFFFB0];
	[tilespmem:s4+$0xFFFFFC30] =	vst v3;
	v3 =	vadd.f32 v12, v11  }
0x2d3: {  	v8 =	vld [tilespmem:s4+$0x30];
	v2 =	vadd.f32 v2, v17;
	[tilespmem:s4+$0xFFFFFC40] =	vst v1  }
0x2d4: {  	v62 =	vld [tilespmem:s4+$0x40];
	v1 =	vadd.f32 v14, v13;
	[tilespmem:s4+$0xFFFFFC50] =	vst v3  }
0x2d5: {  	v63 =	vld [tilespmem:s3+$0xFFFFFFD0];
	v3 =	vadd.f32 v16, v15;
	[tilespmem:s4+$0x0] =	vst v2  }
0x2d6: {  	v4 =	vadd.f32 v5, v4;
	[tilespmem:s4+$0xFFFFFC60] =	vst v1;
	v1 =	vld [tilespmem:s4+$0x50]  }
0x2d7: {  	v5 =	vadd.f32 v7, v6;
	[tilespmem:s4+$0xFFFFFC70] =	vst v3;
	v3 =	vld [tilespmem:s3+$0xFFFFFFE0]  }
0x2d8: {  	v6 =	vadd.f32 v61, v8;
	v2 =	vld [tilespmem:s4+$0x60];
	[tilespmem:s4+$0x10] =	vst v4  }
0x2d9: {  	[tilespmem:s4+$0x20] =	vst v5;
	v5 =	vld [tilespmem:s3+$0xFFFFFFF0]  }
0x2da: {  	s15 =	simm.s32 $0x0;
	s16 =	sadd.s32 $0x800, s4;
	v4 =	vld [tilespmem:s4+$0xFFFFFC00];
	[tilespmem:s4+$0x30] =	vst v6;
	v6 =	vadd.f32 v63, v62  }
.LBB2_32:
0x2db: {  	v7 =	vld [tilespmem:s16+$0x70];
	s3 =	sadd.s32 $0x800, s3  }
0x2dc: {  	s15 =	sadd.s32 $0x100, s15;
	v8 =	vld [tilespmem:s3+$0x0];
	[tilespmem:s4+$0x40] =	vst v6;
	v1 =	vadd.f32 v3, v1  }
0x2dd: {  	p1 =	slt.u32 s15, $0x200;
	v3 =	vld [tilespmem:s3+$0xFFFFFB90]  }
0x2de: {  	v6 =	vld [tilespmem:s16+$0xFFFFFC10];
	[tilespmem:s4+$0x50] =	vst v1;
	v1 =	vadd.f32 v5, v2  }
0x2df: {  	v2 =	vld [tilespmem:s3+$0xFFFFFBA0];
	v9 =	vadd.f32 v0, v4  }
0x2e0: {  	v4 =	vld [tilespmem:s16+$0xFFFFFC20];
	[tilespmem:s4+$0x60] =	vst v1  }
0x2e1: {  	v1 =	vld [tilespmem:s3+$0xFFFFFBB0];
	v5 =	vadd.f32 v8, v7;
	[tilespmem:s4+$0xFFFFFC00] =	vst v9;
	s4 =	smov.u32 s16  }
0x2e2: {  	v7 =	vld [tilespmem:s16+$0xFFFFFC30];
	v0 =	vmov v3  }
0x2e3: {  	v3 =	vld [tilespmem:s3+$0xFFFFFBC0];
	[tilespmem:s16+$0x70] =	vst v5  }
0x2e4: {  	v2 =	vadd.f32 v2, v6;
	v5 =	vld [tilespmem:s16+$0xFFFFFC40]  }
0x2e5: {  	v6 =	vld [tilespmem:s3+$0xFFFFFBD0]  }
0x2e6: {  	[tilespmem:s16+$0xFFFFFC10] =	vst v2;
	v1 =	vadd.f32 v1, v4;
	v2 =	vld [tilespmem:s16+$0xFFFFFC50]  }
0x2e7: {  	v4 =	vld [tilespmem:s3+$0xFFFFFBE0]  }
0x2e8: {  	[tilespmem:s16+$0xFFFFFC20] =	vst v1;
	v1 =	vadd.f32 v3, v7;
	v3 =	vld [tilespmem:s16+$0xFFFFFC60]  }
0x2e9: {  	v7 =	vld [tilespmem:s3+$0xFFFFFBF0]  }
0x2ea: {  	[tilespmem:s16+$0xFFFFFC30] =	vst v1;
	v1 =	vadd.f32 v6, v5;
	v5 =	vld [tilespmem:s16+$0xFFFFFC70]  }
0x2eb: {  	v6 =	vld [tilespmem:s3+$0xFFFFFC00]  }
0x2ec: {  	[tilespmem:s16+$0xFFFFFC40] =	vst v1;
	v1 =	vadd.f32 v4, v2;
	v2 =	vld [tilespmem:s16+$0x0]  }
0x2ed: {  	v4 =	vld [tilespmem:s3+$0xFFFFFF90]  }
0x2ee: {  	[tilespmem:s16+$0xFFFFFC50] =	vst v1;
	v1 =	vadd.f32 v7, v3;
	v3 =	vld [tilespmem:s16+$0x10]  }
0x2ef: {  	v7 =	vld [tilespmem:s3+$0xFFFFFFA0]  }
0x2f0: {  	[tilespmem:s16+$0xFFFFFC60] =	vst v1;
	v1 =	vadd.f32 v6, v5;
	v5 =	vld [tilespmem:s16+$0x20]  }
0x2f1: {  	v6 =	vld [tilespmem:s3+$0xFFFFFFB0]  }
0x2f2: {  	[tilespmem:s16+$0xFFFFFC70] =	vst v1;
	v1 =	vadd.f32 v4, v2;
	v2 =	vld [tilespmem:s16+$0x30]  }
0x2f3: {  	v4 =	vld [tilespmem:s3+$0xFFFFFFC0]  }
0x2f4: {  	[tilespmem:s16+$0x0] =	vst v1;
	v1 =	vadd.f32 v7, v3;
	v7 =	vld [tilespmem:s16+$0x40]  }
0x2f5: {  	v8 =	vld [tilespmem:s3+$0xFFFFFFD0]  }
.Ltmp16:
0x2f6: {  	[tilespmem:s16+$0x10] =	vst v1;
	v5 =	vadd.f32 v6, v5;
	v1 =	vld [tilespmem:s16+$0x50];
	(pc) =	sbr.rel @p1 .LBB2_32-.Ltmp16, $4  }
0x2f7: {  	v3 =	vld [tilespmem:s3+$0xFFFFFFE0]  }
0x2f8: {  	[tilespmem:s16+$0x20] =	vst v5;
	v6 =	vadd.f32 v4, v2;
	v2 =	vld [tilespmem:s16+$0x60]  }
0x2f9: {  	v5 =	vld [tilespmem:s3+$0xFFFFFFF0]  }
0x2fa: {  	s16 =	sadd.s32 $0x800, s16;
	v4 =	vld [tilespmem:s4+$0xFFFFFC00];
	[tilespmem:s4+$0x30] =	vst v6;
	v6 =	vadd.f32 v8, v7  }
0x2fb: {  	s18 =	sadd.s32 $0x1, s18  }
0x2fc: {  	p1 =	sne.s32 s18, $0x10  }
.Ltmp17:
0x2fd: {  	v1 =	vadd.f32 v3, v1;
	(pc) =	sbr.rel @p1 .LBB2_31-.Ltmp17, $4  }
0x2fe: {  	[tilespmem:s4+$0x40] =	vst v6;
	v2 =	vadd.f32 v5, v2  }
0x2ff: {  	[tilespmem:s4+$0x50] =	vst v1;
	v0 =	vadd.f32 v0, v4  }
0x300: {  	[tilespmem:s4+$0x60] =	vst v2  }
0x301: {  	s26 =	sadd.s32 $0x1, s26;
	[tilespmem:s4+$0xFFFFFC00] =	vst v0  }
.Ltmp18:
0x302: {  	(pc) =	sbr.rel @p0 .LBB2_36-.Ltmp18, $3  }
0x303: {  	_ =	sdelay $0x1  }
0x304: {  	s3 =	sadd.s32 $0x48600, s25  }
0x305: {  	[hbm4b:s3+s5] =	stream.linear.scatter [tilespmem:s2], [sflag:$0x10], $0x3000, $0x38;
	[tilespmem:$0x1E000] =	vst v63  }
0x306: {  	s3 =	sadd.s32 s17, s24  }
0x307: {  	s3 =	sshrl.u32 s3, $0x3  }
0x308: {  	s3 =	smul.u32 $0x1800, s3;
	_ =	sdelay $0x1  }
0x309: {  	_ =	swait.ge [sflag:s22], $0x3000;
	s3 =	sshrl.u32 s3, $0x3  }
0x30a: {  	[sflag:s22] =	ssyncset.done $0x0;
	s3 =	sadd.s32 s1, s3  }
0x30b: {  	s29 =	rddreg [dreg:$0xf];
	[sflag:s22] =	ssyncadd.s32 $0xFFFFD000;
	s3 =	sadd.s32 $0x600, s3  }
0x30c: {  	[tilespmem:s30], [sflag:$0x6] =	stream.linear.gather [hbm4b:s3+s5], $0x3000, $0x38;
	[tilespmem:$0x1E000] =	vst v63  }
0x30d: {  	s3 =	sadd.s32 s29, s24  }
0x30e: {  	s3 =	sshrl.u32 s3, $0x3  }
0x30f: {  	_ =	swait.ge [sflag:s6], $0x3000;
	s4 =	smul.u32 $0x300, s3  }
0x310: {  	[sflag:s6] =	ssyncset.done $0x0  }
0x311: {  	s3 =	smul.u32 $0x1800, s3;
	[sflag:s6] =	ssyncadd.s32 $0xFFFFD000;
	s4 =	sadd.s32 s1, s4  }
0x312: {  	[tilespmem:s31], [sflag:$0x7] =	stream.linear.gather [hbm4b:s4+s5], $0x3000, $0x38;
	[tilespmem:$0x1E000] =	vst v63  }
.Ltmp19:
0x313: {  	_ = 	snop;
	(pc) =	sbr.rel .LBB2_2-.Ltmp19, $4  }
0x314: {  	s3 =	sshrl.u32 s3, $0x3;
	_ =	swait.ge [sflag:s23], $0x3000  }
0x315: {  	s3 =	sadd.s32 s1, s3;
	[sflag:s23] =	ssyncset.done $0x0  }
0x316: {  	s14 =	sadd.s32 $0x1, s14;
	s3 =	sadd.s32 $0x600, s3;
	[sflag:s23] =	ssyncadd.s32 $0xFFFFD000  }
0x317: {  	[tilespmem:s2], [sflag:$0x8] =	stream.linear.gather [hbm4b:s3+s5], $0x3000, $0x38;
	[tilespmem:$0x1E000] =	vst v63  }
.LBB2_37:
0x318: {  	_ =	sfence.sel $0x180000  }
0x319: {  	[bflag:$0x0] =	sbarrier.arrive $0xFFFF  }
0x31a: {  	_ =	strace $0x90000047  }
0x31b: {  	s0 =	stileid.u32;
	[bflag:$0x2] =	sbarrier.arrive $0xFFFF  }
0x31c: {  	p0 =	sne.s32 s0, $0x0;
	s0 =	rddreg [dreg:$0x3]  }
0x31d: {  	s0 =	sadd.s32 @!p0 $0x100000, s0  }
0x31e: {  	[sflag:s0] =	ssyncadd.tile.s32 @!p0 $0x1;
	_ =	shalt  }
.Lfunc_end2:
_tile_overlayer_lowered:
.L_overlay_start_2:
0x31f: {  	(tag) =	ssettag $0x2  }
0x320: {  	s0 =	rddreg [dreg:$0x0];
	s2 =	stileid.u32  }
0x321: {  	s1 =	rddreg [dreg:$0x1];
	p0 =	sne.s32 s2, $0x0  }
0x322: {  	s3 =	rddreg [dreg:$0x2];
	[bflag:$0x3] =	sbarrier.arrive $0xFFFF;
	s2 =	simm.s32 @!p0 $0x1C11  }
0x323: {  	[timem:s3], [sflag:s2] =	dma.local @!p0 [hbm:s0], s1  }
0x324: {  	s0 =	simm.s32 @!p0 $0x11  }
0x325: {  	_ =	swait.ge @!p0 [sflag:s0], s1  }
0x326: {  	s1 =	ssub.s32 @!p0 $0x0, s1;
	[sflag:s0] =	ssyncset.done @!p0 $0x0  }
0x327: {  	[sflag:s0] =	ssyncadd.s32 @!p0 s1  }
0x328: {  	[bflag:$0x3] =	sbarrier.arrive $0xFFFF  }
0x329: {  	_ =	shalt  }

</sc_bundles>
